<compile_context>
chip_gen: v7x
topology: tpu7x:2x2x1
jax: 0.10.2.dev20260603
libtpu: 0.0.44.dev20260713+nightly
codegen_flags: <defaults>
</compile_context>

<pallas_src>
import functools

import jax
import jax.numpy as jnp
from jax import lax
from jax.experimental import pallas as pl
from jax.experimental.pallas import tpu as pltpu
from jax.experimental.pallas import tpu_sc as plsc

_G = 16


def _make_gather(B, D, N):
  info = plsc.get_sparse_core_info()
  NC, NS = info.num_cores, info.num_subcores
  NW = NC * NS
  b_per_w = B // NW
  n_groups = b_per_w // _G
  mesh = plsc.VectorSubcoreMesh(core_axis_name="c", subcore_axis_name="s")

  @functools.partial(
      pl.kernel,
      mesh=mesh,
      out_type=jax.ShapeDtypeStruct((D, B), jnp.float32),
      scratch_types=[
          pltpu.VMEM((b_per_w,), jnp.int32),
          pltpu.VMEM((2, _G, D, 128), jnp.float32),
          pltpu.VMEM((D, b_per_w), jnp.float32),
          pltpu.SemaphoreType.DMA,
      ],
      compiler_params=pltpu.CompilerParams(needs_layout_passes=False),
  )
  def gather_kernel(idx_hbm, table_hbm, out_hbm, idx_v, tiles_v, cols_v, sem):
    wid = lax.axis_index("s") * NC + lax.axis_index("c")
    base = wid * b_per_w
    pltpu.sync_copy(idx_hbm.at[pl.ds(base, b_per_w)], idx_v)

    evec = lax.iota(jnp.int32, _G)

    def fire(g, buf):
      col0_vec = lax.shift_right_logical(idx_v[pl.ds(g * _G, _G)], 7) * 128
      for e in range(_G):
        col0 = pl.multiple_of(col0_vec[e], 128)
        pltpu.async_copy(
            table_hbm.at[:, pl.ds(col0, 128)], tiles_v.at[buf, e], sem
        )

    def drain(buf):
      for e in range(_G):
        pltpu.make_async_copy(
            table_hbm.at[:, pl.ds(0, 128)], tiles_v.at[buf, e], sem
        ).wait()

    def extract(g, buf):
      jvec = idx_v[pl.ds(g * _G, _G)] & 127
      bvec = g * _G + evec
      for d in range(D):
        dvec = jnp.full((_G,), d, jnp.int32)
        val = plsc.load_gather(tiles_v.at[buf], [evec, dvec, jvec])
        plsc.store_scatter(cols_v, [dvec, bvec], val)

    fire(0, 0)

    def pair_body(p, carry):
      g0 = p * 2
      fire(g0 + 1, 1)
      drain(0)
      extract(g0, 0)

      @pl.when(g0 + 2 < n_groups)
      def _():
        fire(g0 + 2, 0)

      drain(1)
      extract(g0 + 1, 1)
      return carry

    lax.fori_loop(0, n_groups // 2, pair_body, 0)
    pltpu.sync_copy(cols_v, out_hbm.at[:, pl.ds(base, b_per_w)])

  return gather_kernel


def kernel(inputs, w):
  B = inputs.shape[0]
  N, D = w.shape
  idx = inputs.astype(jnp.int32)
  out_t = _make_gather(B, D, N)(idx, w.T)
  return out_t.T[:, :, None]

# --- scband reference (transcript-rebuilt; emitter-appended) ---
"""Pipeline reference for scband-attention-23347442221322 (READ-ONLY COPY).

The authoritative reference and input builder live on the scoring server;
editing this copy changes nothing except your own understanding.
"""

import jax, jax.numpy as jnp
import numpy as np

N_GROUP = 1000000
N_DIM = 16
BATCH = 16384

def setup_inputs(seed: int = 0) -> dict:
    key = jax.random.key(seed)
    k_idx, k_w = jax.random.split(key)
    inputs = jax.random.randint(k_idx, (BATCH,), 0, N_GROUP, dtype=jnp.int64 if jax.config.jax_enable_x64 else jnp.int32)
    # Weight initialized per RandomAttention: Dirichlet(ones(n_dim)) sample scaled by n_dim
    alpha = jnp.ones((N_DIM,), dtype=jnp.float32)
    w = jnp.asarray(N_DIM, dtype=jnp.float32) * jax.random.dirichlet(k_w, alpha, shape=(N_GROUP,)).astype(jnp.float32)
    return {"inputs": inputs, "w": w}

def reference(inputs, w):
    # Faithful translation of Attention.call: gather rows of w by group_id, expand dims at axis=2
    w_expand = jnp.take(w, inputs, axis=0)  # [B, n_dim]
    w_expand = jnp.expand_dims(w_expand, axis=2)  # [B, n_dim, 1]
    return w_expand

if __name__ == "__main__":
    import jax
    _d = setup_inputs()
    print(jax.jit(kernel)(*tuple(_d.values())))

</pallas_src>

<mosaic_0001>
#map = affine_map<(d0, d1) -> (0)>
#map1 = affine_map<(d0, d1) -> (0, 0)>
module attributes {stable_mosaic.version = 14 : i64} {
  func.func @gather_kernel(%arg0: i32, %arg1: i32, %arg2: memref<16384xi32, #tpu.memory_space<hbm>>, %arg3: memref<16x1000000xf32, #tpu.memory_space<hbm>>, %arg4: memref<16x16384xf32, #tpu.memory_space<hbm>>, %arg5: memref<512xi32, #tpu.memory_space<vmem>>, %arg6: memref<2x16x16x128xf32, #tpu.memory_space<vmem>>, %arg7: memref<16x512xf32, #tpu.memory_space<vmem>>, %arg8: memref<!tpu.dma_semaphore, #tpu.memory_space<semaphore_mem>>) attributes {dimension_semantics = [#tpu.dimension_semantics<core_parallel>, #tpu.dimension_semantics<subcore_parallel>], iteration_bounds = array<i64: 2, 16>, scalar_prefetch = 0 : i64, scratch_operands = 4 : i64, tpu.core_type = #tpu.core_type<sc_vector_subcore>, window_params = [{transform_indices = #map}, {transform_indices = #map1}, {transform_indices = #map1}]} {
    %mul3A = arith.constant 2 : i32
    %mul3A_0 = arith.muli %arg1, %mul3A : i32
    %add3A = arith.addi %mul3A_0, %arg0 : i32
    %mul3A_1 = arith.constant 512 : i32
    %mul3A_2 = arith.muli %add3A, %mul3A_1 : i32
    "tpu.region"() ({
      %run_scoped3A = tpu.sem_alloc : memref<!tpu.dma_semaphore, #tpu.memory_space<semaphore_mem>>
      %dma_start3A_282 = tpu.memref_slice %arg2[%mul3A_2] : memref<16384xi32, #tpu.memory_space<hbm>> -> memref<512xi32, #tpu.memory_space<hbm>>
      %dma_start3A_283 = tpu.memref_slice %arg2[%mul3A_2] : memref<16384xi32, #tpu.memory_space<hbm>> -> memref<512xi32, #tpu.memory_space<hbm>>
      tpu.enqueue_dma source(%dma_start3A_283 : memref<512xi32, #tpu.memory_space<hbm>>) target(%arg5 : memref<512xi32, #tpu.memory_space<vmem>>) target_semaphore(%run_scoped3A : memref<!tpu.dma_semaphore, #tpu.memory_space<semaphore_mem>>)
      %dma_wait3A = tpu.memref_slice %arg2[%mul3A_2] : memref<16384xi32, #tpu.memory_space<hbm>> -> memref<512xi32, #tpu.memory_space<hbm>>
      %dma_wait3A_284 = tpu.memref_slice %arg2[%mul3A_2] : memref<16384xi32, #tpu.memory_space<hbm>> -> memref<512xi32, #tpu.memory_space<hbm>>
      tpu.wait_dma2 semaphore(%run_scoped3A : memref<!tpu.dma_semaphore, #tpu.memory_space<semaphore_mem>>) src(%dma_wait3A_284 : memref<512xi32, #tpu.memory_space<hbm>>) dst(%arg5 : memref<512xi32, #tpu.memory_space<vmem>>)
      tpu.yield
    }) : () -> ()
    %iota3A = tpu.iota {dimensions = array<i32: 0>} : vector<16xi32>
    %get3A = arith.constant 0 : index
    %get3A_3 = tpu.vector_load %arg5[%get3A] {strides = array<i32>} : memref<512xi32, #tpu.memory_space<vmem>>, vector<16xi32>,
    %shift_right_logical3A = arith.constant 7 : i32
    %shift_right_logical3A_4 = vector.broadcast %shift_right_logical3A : i32 to vector<16xi32>
    %shift_right_logical3A_5 = arith.shrui %get3A_3, %shift_right_logical3A_4 : vector<16xi32>
    %mul3A_6 = arith.constant 128 : i32
    %mul3A_7 = vector.broadcast %mul3A_6 : i32 to vector<16xi32>
    %mul3A_8 = arith.muli %shift_right_logical3A_5, %mul3A_7 : vector<16xi32>
    %slice3A = vector.extract_strided_slice %mul3A_8 {offsets = [0], sizes = [1], strides = [1]} : vector<16xi32> to vector<1xi32>
    %squeeze3A = vector.extract %slice3A[0] : i32 from vector<1xi32>
    %multiple_of3A = tpu.assume_multiple %squeeze3A, 128 : i32
    %dma_start3A = arith.constant 0 : i32
    %dma_start3A_9 = arith.constant 0 : i32
    %dma_start3A_10 = arith.constant 0 : i32
    %dma_start3A_11 = arith.constant 0 : i32
    %dma_start3A_12 = tpu.memref_slice %arg6[%dma_start3A, %dma_start3A_9, %dma_start3A_10, %dma_start3A_11] : memref<2x16x16x128xf32, #tpu.memory_space<vmem>> -> memref<1x1x16x128xf32, #tpu.memory_space<vmem>>
    %dma_start3A_13 = tpu.memref_squeeze %dma_start3A_12 : memref<1x1x16x128xf32, #tpu.memory_space<vmem>> -> memref<16x128xf32, #tpu.memory_space<vmem>>
    %dma_start3A_14 = arith.constant 0 : i32
    %dma_start3A_15 = tpu.memref_slice %arg3[%dma_start3A_14, %multiple_of3A] : memref<16x1000000xf32, #tpu.memory_space<hbm>> -> memref<16x128xf32, #tpu.memory_space<hbm>>
    %dma_start3A_16 = arith.constant 0 : i32
    %dma_start3A_17 = arith.constant 0 : i32
    %dma_start3A_18 = tpu.memref_slice %arg6[%dma_start3A, %dma_start3A_9, %dma_start3A_16, %dma_start3A_17] : memref<2x16x16x128xf32, #tpu.memory_space<vmem>> -> memref<1x1x16x128xf32, #tpu.memory_space<vmem>>
    %dma_start3A_19 = tpu.memref_squeeze %dma_start3A_18 : memref<1x1x16x128xf32, #tpu.memory_space<vmem>> -> memref<16x128xf32, #tpu.memory_space<vmem>>
    %dma_start3A_20 = arith.constant 0 : i32
    %dma_start3A_21 = tpu.memref_slice %arg3[%dma_start3A_20, %multiple_of3A] : memref<16x1000000xf32, #tpu.memory_space<hbm>> -> memref<16x128xf32, #tpu.memory_space<hbm>>
    tpu.enqueue_dma source(%dma_start3A_21 : memref<16x128xf32, #tpu.memory_space<hbm>>) target(%dma_start3A_19 : memref<16x128xf32, #tpu.memory_space<vmem>>) target_semaphore(%arg8 : memref<!tpu.dma_semaphore, #tpu.memory_space<semaphore_mem>>)
    %slice3A_22 = vector.extract_strided_slice %mul3A_8 {offsets = [1], sizes = [1], strides = [1]} : vector<16xi32> to vector<1xi32>
    %squeeze3A_23 = vector.extract %slice3A_22[0] : i32 from vector<1xi32>
    %multiple_of3A_24 = tpu.assume_multiple %squeeze3A_23, 128 : i32
    %dma_start3A_25 = arith.constant 0 : i32
    %dma_start3A_26 = arith.constant 1 : i32
    %dma_start3A_27 = arith.constant 0 : i32
    %dma_start3A_28 = arith.constant 0 : i32
    %dma_start3A_29 = tpu.memref_slice %arg6[%dma_start3A_25, %dma_start3A_26, %dma_start3A_27, %dma_start3A_28] : memref<2x16x16x128xf32, #tpu.memory_space<vmem>> -> memref<1x1x16x128xf32, #tpu.memory_space<vmem>>
    %dma_start3A_30 = tpu.memref_squeeze %dma_start3A_29 : memref<1x1x16x128xf32, #tpu.memory_space<vmem>> -> memref<16x128xf32, #tpu.memory_space<vmem>>
    %dma_start3A_31 = arith.constant 0 : i32
    %dma_start3A_32 = tpu.memref_slice %arg3[%dma_start3A_31, %multiple_of3A_24] : memref<16x1000000xf32, #tpu.memory_space<hbm>> -> memref<16x128xf32, #tpu.memory_space<hbm>>
    %dma_start3A_33 = arith.constant 0 : i32
    %dma_start3A_34 = arith.constant 0 : i32
    %dma_start3A_35 = tpu.memref_slice %arg6[%dma_start3A_25, %dma_start3A_26, %dma_start3A_33, %dma_start3A_34] : memref<2x16x16x128xf32, #tpu.memory_space<vmem>> -> memref<1x1x16x128xf32, #tpu.memory_space<vmem>>
    %dma_start3A_36 = tpu.memref_squeeze %dma_start3A_35 : memref<1x1x16x128xf32, #tpu.memory_space<vmem>> -> memref<16x128xf32, #tpu.memory_space<vmem>>
    %dma_start3A_37 = arith.constant 0 : i32
    %dma_start3A_38 = tpu.memref_slice %arg3[%dma_start3A_37, %multiple_of3A_24] : memref<16x1000000xf32, #tpu.memory_space<hbm>> -> memref<16x128xf32, #tpu.memory_space<hbm>>
    tpu.enqueue_dma source(%dma_start3A_38 : memref<16x128xf32, #tpu.memory_space<hbm>>) target(%dma_start3A_36 : memref<16x128xf32, #tpu.memory_space<vmem>>) target_semaphore(%arg8 : memref<!tpu.dma_semaphore, #tpu.memory_space<semaphore_mem>>)
    %slice3A_39 = vector.extract_strided_slice %mul3A_8 {offsets = [2], sizes = [1], strides = [1]} : vector<16xi32> to vector<1xi32>
    %squeeze3A_40 = vector.extract %slice3A_39[0] : i32 from vector<1xi32>
    %multiple_of3A_41 = tpu.assume_multiple %squeeze3A_40, 128 : i32
    %dma_start3A_42 = arith.constant 0 : i32
    %dma_start3A_43 = arith.constant 2 : i32
    %dma_start3A_44 = arith.constant 0 : i32
    %dma_start3A_45 = arith.constant 0 : i32
    %dma_start3A_46 = tpu.memref_slice %arg6[%dma_start3A_42, %dma_start3A_43, %dma_start3A_44, %dma_start3A_45] : memref<2x16x16x128xf32, #tpu.memory_space<vmem>> -> memref<1x1x16x128xf32, #tpu.memory_space<vmem>>
    %dma_start3A_47 = tpu.memref_squeeze %dma_start3A_46 : memref<1x1x16x128xf32, #tpu.memory_space<vmem>> -> memref<16x128xf32, #tpu.memory_space<vmem>>
    %dma_start3A_48 = arith.constant 0 : i32
    %dma_start3A_49 = tpu.memref_slice %arg3[%dma_start3A_48, %multiple_of3A_41] : memref<16x1000000xf32, #tpu.memory_space<hbm>> -> memref<16x128xf32, #tpu.memory_space<hbm>>
    %dma_start3A_50 = arith.constant 0 : i32
    %dma_start3A_51 = arith.constant 0 : i32
    %dma_start3A_52 = tpu.memref_slice %arg6[%dma_start3A_42, %dma_start3A_43, %dma_start3A_50, %dma_start3A_51] : memref<2x16x16x128xf32, #tpu.memory_space<vmem>> -> memref<1x1x16x128xf32, #tpu.memory_space<vmem>>
    %dma_start3A_53 = tpu.memref_squeeze %dma_start3A_52 : memref<1x1x16x128xf32, #tpu.memory_space<vmem>> -> memref<16x128xf32, #tpu.memory_space<vmem>>
    %dma_start3A_54 = arith.constant 0 : i32
    %dma_start3A_55 = tpu.memref_slice %arg3[%dma_start3A_54, %multiple_of3A_41] : memref<16x1000000xf32, #tpu.memory_space<hbm>> -> memref<16x128xf32, #tpu.memory_space<hbm>>
    tpu.enqueue_dma source(%dma_start3A_55 : memref<16x128xf32, #tpu.memory_space<hbm>>) target(%dma_start3A_53 : memref<16x128xf32, #tpu.memory_space<vmem>>) target_semaphore(%arg8 : memref<!tpu.dma_semaphore, #tpu.memory_space<semaphore_mem>>)
    %slice3A_56 = vector.extract_strided_slice %mul3A_8 {offsets = [3], sizes = [1], strides = [1]} : vector<16xi32> to vector<1xi32>
    %squeeze3A_57 = vector.extract %slice3A_56[0] : i32 from vector<1xi32>
    %multiple_of3A_58 = tpu.assume_multiple %squeeze3A_57, 128 : i32
    %dma_start3A_59 = arith.constant 0 : i32
    %dma_start3A_60 = arith.constant 3 : i32
    %dma_start3A_61 = arith.constant 0 : i32
    %dma_start3A_62 = arith.constant 0 : i32
    %dma_start3A_63 = tpu.memref_slice %arg6[%dma_start3A_59, %dma_start3A_60, %dma_start3A_61, %dma_start3A_62] : memref<2x16x16x128xf32, #tpu.memory_space<vmem>> -> memref<1x1x16x128xf32, #tpu.memory_space<vmem>>
    %dma_start3A_64 = tpu.memref_squeeze %dma_start3A_63 : memref<1x1x16x128xf32, #tpu.memory_space<vmem>> -> memref<16x128xf32, #tpu.memory_space<vmem>>
    %dma_start3A_65 = arith.constant 0 : i32
    %dma_start3A_66 = tpu.memref_slice %arg3[%dma_start3A_65, %multiple_of3A_58] : memref<16x1000000xf32, #tpu.memory_space<hbm>> -> memref<16x128xf32, #tpu.memory_space<hbm>>
    %dma_start3A_67 = arith.constant 0 : i32
    %dma_start3A_68 = arith.constant 0 : i32
    %dma_start3A_69 = tpu.memref_slice %arg6[%dma_start3A_59, %dma_start3A_60, %dma_start3A_67, %dma_start3A_68] : memref<2x16x16x128xf32, #tpu.memory_space<vmem>> -> memref<1x1x16x128xf32, #tpu.memory_space<vmem>>
    %dma_start3A_70 = tpu.memref_squeeze %dma_start3A_69 : memref<1x1x16x128xf32, #tpu.memory_space<vmem>> -> memref<16x128xf32, #tpu.memory_space<vmem>>
    %dma_start3A_71 = arith.constant 0 : i32
    %dma_start3A_72 = tpu.memref_slice %arg3[%dma_start3A_71, %multiple_of3A_58] : memref<16x1000000xf32, #tpu.memory_space<hbm>> -> memref<16x128xf32, #tpu.memory_space<hbm>>
    tpu.enqueue_dma source(%dma_start3A_72 : memref<16x128xf32, #tpu.memory_space<hbm>>) target(%dma_start3A_70 : memref<16x128xf32, #tpu.memory_space<vmem>>) target_semaphore(%arg8 : memref<!tpu.dma_semaphore, #tpu.memory_space<semaphore_mem>>)
    %slice3A_73 = vector.extract_strided_slice %mul3A_8 {offsets = [4], sizes = [1], strides = [1]} : vector<16xi32> to vector<1xi32>
    %squeeze3A_74 = vector.extract %slice3A_73[0] : i32 from vector<1xi32>
    %multiple_of3A_75 = tpu.assume_multiple %squeeze3A_74, 128 : i32
    %dma_start3A_76 = arith.constant 0 : i32
    %dma_start3A_77 = arith.constant 4 : i32
    %dma_start3A_78 = arith.constant 0 : i32
    %dma_start3A_79 = arith.constant 0 : i32
    %dma_start3A_80 = tpu.memref_slice %arg6[%dma_start3A_76, %dma_start3A_77, %dma_start3A_78, %dma_start3A_79] : memref<2x16x16x128xf32, #tpu.memory_space<vmem>> -> memref<1x1x16x128xf32, #tpu.memory_space<vmem>>
    %dma_start3A_81 = tpu.memref_squeeze %dma_start3A_80 : memref<1x1x16x128xf32, #tpu.memory_space<vmem>> -> memref<16x128xf32, #tpu.memory_space<vmem>>
    %dma_start3A_82 = arith.constant 0 : i32
    %dma_start3A_83 = tpu.memref_slice %arg3[%dma_start3A_82, %multiple_of3A_75] : memref<16x1000000xf32, #tpu.memory_space<hbm>> -> memref<16x128xf32, #tpu.memory_space<hbm>>
    %dma_start3A_84 = arith.constant 0 : i32
    %dma_start3A_85 = arith.constant 0 : i32
    %dma_start3A_86 = tpu.memref_slice %arg6[%dma_start3A_76, %dma_start3A_77, %dma_start3A_84, %dma_start3A_85] : memref<2x16x16x128xf32, #tpu.memory_space<vmem>> -> memref<1x1x16x128xf32, #tpu.memory_space<vmem>>
    %dma_start3A_87 = tpu.memref_squeeze %dma_start3A_86 : memref<1x1x16x128xf32, #tpu.memory_space<vmem>> -> memref<16x128xf32, #tpu.memory_space<vmem>>
    %dma_start3A_88 = arith.constant 0 : i32
    %dma_start3A_89 = tpu.memref_slice %arg3[%dma_start3A_88, %multiple_of3A_75] : memref<16x1000000xf32, #tpu.memory_space<hbm>> -> memref<16x128xf32, #tpu.memory_space<hbm>>
    tpu.enqueue_dma source(%dma_start3A_89 : memref<16x128xf32, #tpu.memory_space<hbm>>) target(%dma_start3A_87 : memref<16x128xf32, #tpu.memory_space<vmem>>) target_semaphore(%arg8 : memref<!tpu.dma_semaphore, #tpu.memory_space<semaphore_mem>>)
    %slice3A_90 = vector.extract_strided_slice %mul3A_8 {offsets = [5], sizes = [1], strides = [1]} : vector<16xi32> to vector<1xi32>
    %squeeze3A_91 = vector.extract %slice3A_90[0] : i32 from vector<1xi32>
    %multiple_of3A_92 = tpu.assume_multiple %squeeze3A_91, 128 : i32
    %dma_start3A_93 = arith.constant 0 : i32
    %dma_start3A_94 = arith.constant 5 : i32
    %dma_start3A_95 = arith.constant 0 : i32
    %dma_start3A_96 = arith.constant 0 : i32
    %dma_start3A_97 = tpu.memref_slice %arg6[%dma_start3A_93, %dma_start3A_94, %dma_start3A_95, %dma_start3A_96] : memref<2x16x16x128xf32, #tpu.memory_space<vmem>> -> memref<1x1x16x128xf32, #tpu.memory_space<vmem>>
    %dma_start3A_98 = tpu.memref_squeeze %dma_start3A_97 : memref<1x1x16x128xf32, #tpu.memory_space<vmem>> -> memref<16x128xf32, #tpu.memory_space<vmem>>
    %dma_start3A_99 = arith.constant 0 : i32
    %dma_start3A_100 = tpu.memref_slice %arg3[%dma_start3A_99, %multiple_of3A_92] : memref<16x1000000xf32, #tpu.memory_space<hbm>> -> memref<16x128xf32, #tpu.memory_space<hbm>>
    %dma_start3A_101 = arith.constant 0 : i32
    %dma_start3A_102 = arith.constant 0 : i32
    %dma_start3A_103 = tpu.memref_slice %arg6[%dma_start3A_93, %dma_start3A_94, %dma_start3A_101, %dma_start3A_102] : memref<2x16x16x128xf32, #tpu.memory_space<vmem>> -> memref<1x1x16x128xf32, #tpu.memory_space<vmem>>
    %dma_start3A_104 = tpu.memref_squeeze %dma_start3A_103 : memref<1x1x16x128xf32, #tpu.memory_space<vmem>> -> memref<16x128xf32, #tpu.memory_space<vmem>>
    %dma_start3A_105 = arith.constant 0 : i32
    %dma_start3A_106 = tpu.memref_slice %arg3[%dma_start3A_105, %multiple_of3A_92] : memref<16x1000000xf32, #tpu.memory_space<hbm>> -> memref<16x128xf32, #tpu.memory_space<hbm>>
    tpu.enqueue_dma source(%dma_start3A_106 : memref<16x128xf32, #tpu.memory_space<hbm>>) target(%dma_start3A_104 : memref<16x128xf32, #tpu.memory_space<vmem>>) target_semaphore(%arg8 : memref<!tpu.dma_semaphore, #tpu.memory_space<semaphore_mem>>)
    %slice3A_107 = vector.extract_strided_slice %mul3A_8 {offsets = [6], sizes = [1], strides = [1]} : vector<16xi32> to vector<1xi32>
    %squeeze3A_108 = vector.extract %slice3A_107[0] : i32 from vector<1xi32>
    %multiple_of3A_109 = tpu.assume_multiple %squeeze3A_108, 128 : i32
    %dma_start3A_110 = arith.constant 0 : i32
    %dma_start3A_111 = arith.constant 6 : i32
    %dma_start3A_112 = arith.constant 0 : i32
    %dma_start3A_113 = arith.constant 0 : i32
    %dma_start3A_114 = tpu.memref_slice %arg6[%dma_start3A_110, %dma_start3A_111, %dma_start3A_112, %dma_start3A_113] : memref<2x16x16x128xf32, #tpu.memory_space<vmem>> -> memref<1x1x16x128xf32, #tpu.memory_space<vmem>>
    %dma_start3A_115 = tpu.memref_squeeze %dma_start3A_114 : memref<1x1x16x128xf32, #tpu.memory_space<vmem>> -> memref<16x128xf32, #tpu.memory_space<vmem>>
    %dma_start3A_116 = arith.constant 0 : i32
    %dma_start3A_117 = tpu.memref_slice %arg3[%dma_start3A_116, %multiple_of3A_109] : memref<16x1000000xf32, #tpu.memory_space<hbm>> -> memref<16x128xf32, #tpu.memory_space<hbm>>
    %dma_start3A_118 = arith.constant 0 : i32
    %dma_start3A_119 = arith.constant 0 : i32
    %dma_start3A_120 = tpu.memref_slice %arg6[%dma_start3A_110, %dma_start3A_111, %dma_start3A_118, %dma_start3A_119] : memref<2x16x16x128xf32, #tpu.memory_space<vmem>> -> memref<1x1x16x128xf32, #tpu.memory_space<vmem>>
    %dma_start3A_121 = tpu.memref_squeeze %dma_start3A_120 : memref<1x1x16x128xf32, #tpu.memory_space<vmem>> -> memref<16x128xf32, #tpu.memory_space<vmem>>
    %dma_start3A_122 = arith.constant 0 : i32
    %dma_start3A_123 = tpu.memref_slice %arg3[%dma_start3A_122, %multiple_of3A_109] : memref<16x1000000xf32, #tpu.memory_space<hbm>> -> memref<16x128xf32, #tpu.memory_space<hbm>>
    tpu.enqueue_dma source(%dma_start3A_123 : memref<16x128xf32, #tpu.memory_space<hbm>>) target(%dma_start3A_121 : memref<16x128xf32, #tpu.memory_space<vmem>>) target_semaphore(%arg8 : memref<!tpu.dma_semaphore, #tpu.memory_space<semaphore_mem>>)
    %slice3A_124 = vector.extract_strided_slice %mul3A_8 {offsets = [7], sizes = [1], strides = [1]} : vector<16xi32> to vector<1xi32>
    %squeeze3A_125 = vector.extract %slice3A_124[0] : i32 from vector<1xi32>
    %multiple_of3A_126 = tpu.assume_multiple %squeeze3A_125, 128 : i32
    %dma_start3A_127 = arith.constant 0 : i32
    %dma_start3A_128 = arith.constant 7 : i32
    %dma_start3A_129 = arith.constant 0 : i32
    %dma_start3A_130 = arith.constant 0 : i32
    %dma_start3A_131 = tpu.memref_slice %arg6[%dma_start3A_127, %dma_start3A_128, %dma_start3A_129, %dma_start3A_130] : memref<2x16x16x128xf32, #tpu.memory_space<vmem>> -> memref<1x1x16x128xf32, #tpu.memory_space<vmem>>
    %dma_start3A_132 = tpu.memref_squeeze %dma_start3A_131 : memref<1x1x16x128xf32, #tpu.memory_space<vmem>> -> memref<16x128xf32, #tpu.memory_space<vmem>>
    %dma_start3A_133 = arith.constant 0 : i32
    %dma_start3A_134 = tpu.memref_slice %arg3[%dma_start3A_133, %multiple_of3A_126] : memref<16x1000000xf32, #tpu.memory_space<hbm>> -> memref<16x128xf32, #tpu.memory_space<hbm>>
    %dma_start3A_135 = arith.constant 0 : i32
    %dma_start3A_136 = arith.constant 0 : i32
    %dma_start3A_137 = tpu.memref_slice %arg6[%dma_start3A_127, %dma_start3A_128, %dma_start3A_135, %dma_start3A_136] : memref<2x16x16x128xf32, #tpu.memory_space<vmem>> -> memref<1x1x16x128xf32, #tpu.memory_space<vmem>>
    %dma_start3A_138 = tpu.memref_squeeze %dma_start3A_137 : memref<1x1x16x128xf32, #tpu.memory_space<vmem>> -> memref<16x128xf32, #tpu.memory_space<vmem>>
    %dma_start3A_139 = arith.constant 0 : i32
    %dma_start3A_140 = tpu.memref_slice %arg3[%dma_start3A_139, %multiple_of3A_126] : memref<16x1000000xf32, #tpu.memory_space<hbm>> -> memref<16x128xf32, #tpu.memory_space<hbm>>
    tpu.enqueue_dma source(%dma_start3A_140 : memref<16x128xf32, #tpu.memory_space<hbm>>) target(%dma_start3A_138 : memref<16x128xf32, #tpu.memory_space<vmem>>) target_semaphore(%arg8 : memref<!tpu.dma_semaphore, #tpu.memory_space<semaphore_mem>>)
    %slice3A_141 = vector.extract_strided_slice %mul3A_8 {offsets = [8], sizes = [1], strides = [1]} : vector<16xi32> to vector<1xi32>
    %squeeze3A_142 = vector.extract %slice3A_141[0] : i32 from vector<1xi32>
    %multiple_of3A_143 = tpu.assume_multiple %squeeze3A_142, 128 : i32
    %dma_start3A_144 = arith.constant 0 : i32
    %dma_start3A_145 = arith.constant 8 : i32
    %dma_start3A_146 = arith.constant 0 : i32
    %dma_start3A_147 = arith.constant 0 : i32
    %dma_start3A_148 = tpu.memref_slice %arg6[%dma_start3A_144, %dma_start3A_145, %dma_start3A_146, %dma_start3A_147] : memref<2x16x16x128xf32, #tpu.memory_space<vmem>> -> memref<1x1x16x128xf32, #tpu.memory_space<vmem>>
    %dma_start3A_149 = tpu.memref_squeeze %dma_start3A_148 : memref<1x1x16x128xf32, #tpu.memory_space<vmem>> -> memref<16x128xf32, #tpu.memory_space<vmem>>
    %dma_start3A_150 = arith.constant 0 : i32
    %dma_start3A_151 = tpu.memref_slice %arg3[%dma_start3A_150, %multiple_of3A_143] : memref<16x1000000xf32, #tpu.memory_space<hbm>> -> memref<16x128xf32, #tpu.memory_space<hbm>>
    %dma_start3A_152 = arith.constant 0 : i32
    %dma_start3A_153 = arith.constant 0 : i32
    %dma_start3A_154 = tpu.memref_slice %arg6[%dma_start3A_144, %dma_start3A_145, %dma_start3A_152, %dma_start3A_153] : memref<2x16x16x128xf32, #tpu.memory_space<vmem>> -> memref<1x1x16x128xf32, #tpu.memory_space<vmem>>
    %dma_start3A_155 = tpu.memref_squeeze %dma_start3A_154 : memref<1x1x16x128xf32, #tpu.memory_space<vmem>> -> memref<16x128xf32, #tpu.memory_space<vmem>>
    %dma_start3A_156 = arith.constant 0 : i32
    %dma_start3A_157 = tpu.memref_slice %arg3[%dma_start3A_156, %multiple_of3A_143] : memref<16x1000000xf32, #tpu.memory_space<hbm>> -> memref<16x128xf32, #tpu.memory_space<hbm>>
    tpu.enqueue_dma source(%dma_start3A_157 : memref<16x128xf32, #tpu.memory_space<hbm>>) target(%dma_start3A_155 : memref<16x128xf32, #tpu.memory_space<vmem>>) target_semaphore(%arg8 : memref<!tpu.dma_semaphore, #tpu.memory_space<semaphore_mem>>)
    %slice3A_158 = vector.extract_strided_slice %mul3A_8 {offsets = [9], sizes = [1], strides = [1]} : vector<16xi32> to vector<1xi32>
    %squeeze3A_159 = vector.extract %slice3A_158[0] : i32 from vector<1xi32>
    %multiple_of3A_160 = tpu.assume_multiple %squeeze3A_159, 128 : i32
    %dma_start3A_161 = arith.constant 0 : i32
    %dma_start3A_162 = arith.constant 9 : i32
    %dma_start3A_163 = arith.constant 0 : i32
    %dma_start3A_164 = arith.constant 0 : i32
    %dma_start3A_165 = tpu.memref_slice %arg6[%dma_start3A_161, %dma_start3A_162, %dma_start3A_163, %dma_start3A_164] : memref<2x16x16x128xf32, #tpu.memory_space<vmem>> -> memref<1x1x16x128xf32, #tpu.memory_space<vmem>>
    %dma_start3A_166 = tpu.memref_squeeze %dma_start3A_165 : memref<1x1x16x128xf32, #tpu.memory_space<vmem>> -> memref<16x128xf32, #tpu.memory_space<vmem>>
    %dma_start3A_167 = arith.constant 0 : i32
    %dma_start3A_168 = tpu.memref_slice %arg3[%dma_start3A_167, %multiple_of3A_160] : memref<16x1000000xf32, #tpu.memory_space<hbm>> -> memref<16x128xf32, #tpu.memory_space<hbm>>
    %dma_start3A_169 = arith.constant 0 : i32
    %dma_start3A_170 = arith.constant 0 : i32
    %dma_start3A_171 = tpu.memref_slice %arg6[%dma_start3A_161, %dma_start3A_162, %dma_start3A_169, %dma_start3A_170] : memref<2x16x16x128xf32, #tpu.memory_space<vmem>> -> memref<1x1x16x128xf32, #tpu.memory_space<vmem>>
    %dma_start3A_172 = tpu.memref_squeeze %dma_start3A_171 : memref<1x1x16x128xf32, #tpu.memory_space<vmem>> -> memref<16x128xf32, #tpu.memory_space<vmem>>
    %dma_start3A_173 = arith.constant 0 : i32
    %dma_start3A_174 = tpu.memref_slice %arg3[%dma_start3A_173, %multiple_of3A_160] : memref<16x1000000xf32, #tpu.memory_space<hbm>> -> memref<16x128xf32, #tpu.memory_space<hbm>>
    tpu.enqueue_dma source(%dma_start3A_174 : memref<16x128xf32, #tpu.memory_space<hbm>>) target(%dma_start3A_172 : memref<16x128xf32, #tpu.memory_space<vmem>>) target_semaphore(%arg8 : memref<!tpu.dma_semaphore, #tpu.memory_space<semaphore_mem>>)
    %slice3A_175 = vector.extract_strided_slice %mul3A_8 {offsets = [10], sizes = [1], strides = [1]} : vector<16xi32> to vector<1xi32>
    %squeeze3A_176 = vector.extract %slice3A_175[0] : i32 from vector<1xi32>
    %multiple_of3A_177 = tpu.assume_multiple %squeeze3A_176, 128 : i32
    %dma_start3A_178 = arith.constant 0 : i32
    %dma_start3A_179 = arith.constant 10 : i32
    %dma_start3A_180 = arith.constant 0 : i32
    %dma_start3A_181 = arith.constant 0 : i32
    %dma_start3A_182 = tpu.memref_slice %arg6[%dma_start3A_178, %dma_start3A_179, %dma_start3A_180, %dma_start3A_181] : memref<2x16x16x128xf32, #tpu.memory_space<vmem>> -> memref<1x1x16x128xf32, #tpu.memory_space<vmem>>
    %dma_start3A_183 = tpu.memref_squeeze %dma_start3A_182 : memref<1x1x16x128xf32, #tpu.memory_space<vmem>> -> memref<16x128xf32, #tpu.memory_space<vmem>>
    %dma_start3A_184 = arith.constant 0 : i32
    %dma_start3A_185 = tpu.memref_slice %arg3[%dma_start3A_184, %multiple_of3A_177] : memref<16x1000000xf32, #tpu.memory_space<hbm>> -> memref<16x128xf32, #tpu.memory_space<hbm>>
    %dma_start3A_186 = arith.constant 0 : i32
    %dma_start3A_187 = arith.constant 0 : i32
    %dma_start3A_188 = tpu.memref_slice %arg6[%dma_start3A_178, %dma_start3A_179, %dma_start3A_186, %dma_start3A_187] : memref<2x16x16x128xf32, #tpu.memory_space<vmem>> -> memref<1x1x16x128xf32, #tpu.memory_space<vmem>>
    %dma_start3A_189 = tpu.memref_squeeze %dma_start3A_188 : memref<1x1x16x128xf32, #tpu.memory_space<vmem>> -> memref<16x128xf32, #tpu.memory_space<vmem>>
    %dma_start3A_190 = arith.constant 0 : i32
    %dma_start3A_191 = tpu.memref_slice %arg3[%dma_start3A_190, %multiple_of3A_177] : memref<16x1000000xf32, #tpu.memory_space<hbm>> -> memref<16x128xf32, #tpu.memory_space<hbm>>
    tpu.enqueue_dma source(%dma_start3A_191 : memref<16x128xf32, #tpu.memory_space<hbm>>) target(%dma_start3A_189 : memref<16x128xf32, #tpu.memory_space<vmem>>) target_semaphore(%arg8 : memref<!tpu.dma_semaphore, #tpu.memory_space<semaphore_mem>>)
    %slice3A_192 = vector.extract_strided_slice %mul3A_8 {offsets = [11], sizes = [1], strides = [1]} : vector<16xi32> to vector<1xi32>
    %squeeze3A_193 = vector.extract %slice3A_192[0] : i32 from vector<1xi32>
    %multiple_of3A_194 = tpu.assume_multiple %squeeze3A_193, 128 : i32
    %dma_start3A_195 = arith.constant 0 : i32
    %dma_start3A_196 = arith.constant 11 : i32
    %dma_start3A_197 = arith.constant 0 : i32
    %dma_start3A_198 = arith.constant 0 : i32
    %dma_start3A_199 = tpu.memref_slice %arg6[%dma_start3A_195, %dma_start3A_196, %dma_start3A_197, %dma_start3A_198] : memref<2x16x16x128xf32, #tpu.memory_space<vmem>> -> memref<1x1x16x128xf32, #tpu.memory_space<vmem>>
    %dma_start3A_200 = tpu.memref_squeeze %dma_start3A_199 : memref<1x1x16x128xf32, #tpu.memory_space<vmem>> -> memref<16x128xf32, #tpu.memory_space<vmem>>
    %dma_start3A_201 = arith.constant 0 : i32
    %dma_start3A_202 = tpu.memref_slice %arg3[%dma_start3A_201, %multiple_of3A_194] : memref<16x1000000xf32, #tpu.memory_space<hbm>> -> memref<16x128xf32, #tpu.memory_space<hbm>>
    %dma_start3A_203 = arith.constant 0 : i32
    %dma_start3A_204 = arith.constant 0 : i32
    %dma_start3A_205 = tpu.memref_slice %arg6[%dma_start3A_195, %dma_start3A_196, %dma_start3A_203, %dma_start3A_204] : memref<2x16x16x128xf32, #tpu.memory_space<vmem>> -> memref<1x1x16x128xf32, #tpu.memory_space<vmem>>
    %dma_start3A_206 = tpu.memref_squeeze %dma_start3A_205 : memref<1x1x16x128xf32, #tpu.memory_space<vmem>> -> memref<16x128xf32, #tpu.memory_space<vmem>>
    %dma_start3A_207 = arith.constant 0 : i32
    %dma_start3A_208 = tpu.memref_slice %arg3[%dma_start3A_207, %multiple_of3A_194] : memref<16x1000000xf32, #tpu.memory_space<hbm>> -> memref<16x128xf32, #tpu.memory_space<hbm>>
    tpu.enqueue_dma source(%dma_start3A_208 : memref<16x128xf32, #tpu.memory_space<hbm>>) target(%dma_start3A_206 : memref<16x128xf32, #tpu.memory_space<vmem>>) target_semaphore(%arg8 : memref<!tpu.dma_semaphore, #tpu.memory_space<semaphore_mem>>)
    %slice3A_209 = vector.extract_strided_slice %mul3A_8 {offsets = [12], sizes = [1], strides = [1]} : vector<16xi32> to vector<1xi32>
    %squeeze3A_210 = vector.extract %slice3A_209[0] : i32 from vector<1xi32>
    %multiple_of3A_211 = tpu.assume_multiple %squeeze3A_210, 128 : i32
    %dma_start3A_212 = arith.constant 0 : i32
    %dma_start3A_213 = arith.constant 12 : i32
    %dma_start3A_214 = arith.constant 0 : i32
    %dma_start3A_215 = arith.constant 0 : i32
    %dma_start3A_216 = tpu.memref_slice %arg6[%dma_start3A_212, %dma_start3A_213, %dma_start3A_214, %dma_start3A_215] : memref<2x16x16x128xf32, #tpu.memory_space<vmem>> -> memref<1x1x16x128xf32, #tpu.memory_space<vmem>>
    %dma_start3A_217 = tpu.memref_squeeze %dma_start3A_216 : memref<1x1x16x128xf32, #tpu.memory_space<vmem>> -> memref<16x128xf32, #tpu.memory_space<vmem>>
    %dma_start3A_218 = arith.constant 0 : i32
    %dma_start3A_219 = tpu.memref_slice %arg3[%dma_start3A_218, %multiple_of3A_211] : memref<16x1000000xf32, #tpu.memory_space<hbm>> -> memref<16x128xf32, #tpu.memory_space<hbm>>
    %dma_start3A_220 = arith.constant 0 : i32
    %dma_start3A_221 = arith.constant 0 : i32
    %dma_start3A_222 = tpu.memref_slice %arg6[%dma_start3A_212, %dma_start3A_213, %dma_start3A_220, %dma_start3A_221] : memref<2x16x16x128xf32, #tpu.memory_space<vmem>> -> memref<1x1x16x128xf32, #tpu.memory_space<vmem>>
    %dma_start3A_223 = tpu.memref_squeeze %dma_start3A_222 : memref<1x1x16x128xf32, #tpu.memory_space<vmem>> -> memref<16x128xf32, #tpu.memory_space<vmem>>
    %dma_start3A_224 = arith.constant 0 : i32
    %dma_start3A_225 = tpu.memref_slice %arg3[%dma_start3A_224, %multiple_of3A_211] : memref<16x1000000xf32, #tpu.memory_space<hbm>> -> memref<16x128xf32, #tpu.memory_space<hbm>>
    tpu.enqueue_dma source(%dma_start3A_225 : memref<16x128xf32, #tpu.memory_space<hbm>>) target(%dma_start3A_223 : memref<16x128xf32, #tpu.memory_space<vmem>>) target_semaphore(%arg8 : memref<!tpu.dma_semaphore, #tpu.memory_space<semaphore_mem>>)
    %slice3A_226 = vector.extract_strided_slice %mul3A_8 {offsets = [13], sizes = [1], strides = [1]} : vector<16xi32> to vector<1xi32>
    %squeeze3A_227 = vector.extract %slice3A_226[0] : i32 from vector<1xi32>
    %multiple_of3A_228 = tpu.assume_multiple %squeeze3A_227, 128 : i32
    %dma_start3A_229 = arith.constant 0 : i32
    %dma_start3A_230 = arith.constant 13 : i32
    %dma_start3A_231 = arith.constant 0 : i32
    %dma_start3A_232 = arith.constant 0 : i32
    %dma_start3A_233 = tpu.memref_slice %arg6[%dma_start3A_229, %dma_start3A_230, %dma_start3A_231, %dma_start3A_232] : memref<2x16x16x128xf32, #tpu.memory_space<vmem>> -> memref<1x1x16x128xf32, #tpu.memory_space<vmem>>
    %dma_start3A_234 = tpu.memref_squeeze %dma_start3A_233 : memref<1x1x16x128xf32, #tpu.memory_space<vmem>> -> memref<16x128xf32, #tpu.memory_space<vmem>>
    %dma_start3A_235 = arith.constant 0 : i32
    %dma_start3A_236 = tpu.memref_slice %arg3[%dma_start3A_235, %multiple_of3A_228] : memref<16x1000000xf32, #tpu.memory_space<hbm>> -> memref<16x128xf32, #tpu.memory_space<hbm>>
    %dma_start3A_237 = arith.constant 0 : i32
    %dma_start3A_238 = arith.constant 0 : i32
    %dma_start3A_239 = tpu.memref_slice %arg6[%dma_start3A_229, %dma_start3A_230, %dma_start3A_237, %dma_start3A_238] : memref<2x16x16x128xf32, #tpu.memory_space<vmem>> -> memref<1x1x16x128xf32, #tpu.memory_space<vmem>>
    %dma_start3A_240 = tpu.memref_squeeze %dma_start3A_239 : memref<1x1x16x128xf32, #tpu.memory_space<vmem>> -> memref<16x128xf32, #tpu.memory_space<vmem>>
    %dma_start3A_241 = arith.constant 0 : i32
    %dma_start3A_242 = tpu.memref_slice %arg3[%dma_start3A_241, %multiple_of3A_228] : memref<16x1000000xf32, #tpu.memory_space<hbm>> -> memref<16x128xf32, #tpu.memory_space<hbm>>
    tpu.enqueue_dma source(%dma_start3A_242 : memref<16x128xf32, #tpu.memory_space<hbm>>) target(%dma_start3A_240 : memref<16x128xf32, #tpu.memory_space<vmem>>) target_semaphore(%arg8 : memref<!tpu.dma_semaphore, #tpu.memory_space<semaphore_mem>>)
    %slice3A_243 = vector.extract_strided_slice %mul3A_8 {offsets = [14], sizes = [1], strides = [1]} : vector<16xi32> to vector<1xi32>
    %squeeze3A_244 = vector.extract %slice3A_243[0] : i32 from vector<1xi32>
    %multiple_of3A_245 = tpu.assume_multiple %squeeze3A_244, 128 : i32
    %dma_start3A_246 = arith.constant 0 : i32
    %dma_start3A_247 = arith.constant 14 : i32
    %dma_start3A_248 = arith.constant 0 : i32
    %dma_start3A_249 = arith.constant 0 : i32
    %dma_start3A_250 = tpu.memref_slice %arg6[%dma_start3A_246, %dma_start3A_247, %dma_start3A_248, %dma_start3A_249] : memref<2x16x16x128xf32, #tpu.memory_space<vmem>> -> memref<1x1x16x128xf32, #tpu.memory_space<vmem>>
    %dma_start3A_251 = tpu.memref_squeeze %dma_start3A_250 : memref<1x1x16x128xf32, #tpu.memory_space<vmem>> -> memref<16x128xf32, #tpu.memory_space<vmem>>
    %dma_start3A_252 = arith.constant 0 : i32
    %dma_start3A_253 = tpu.memref_slice %arg3[%dma_start3A_252, %multiple_of3A_245] : memref<16x1000000xf32, #tpu.memory_space<hbm>> -> memref<16x128xf32, #tpu.memory_space<hbm>>
    %dma_start3A_254 = arith.constant 0 : i32
    %dma_start3A_255 = arith.constant 0 : i32
    %dma_start3A_256 = tpu.memref_slice %arg6[%dma_start3A_246, %dma_start3A_247, %dma_start3A_254, %dma_start3A_255] : memref<2x16x16x128xf32, #tpu.memory_space<vmem>> -> memref<1x1x16x128xf32, #tpu.memory_space<vmem>>
    %dma_start3A_257 = tpu.memref_squeeze %dma_start3A_256 : memref<1x1x16x128xf32, #tpu.memory_space<vmem>> -> memref<16x128xf32, #tpu.memory_space<vmem>>
    %dma_start3A_258 = arith.constant 0 : i32
    %dma_start3A_259 = tpu.memref_slice %arg3[%dma_start3A_258, %multiple_of3A_245] : memref<16x1000000xf32, #tpu.memory_space<hbm>> -> memref<16x128xf32, #tpu.memory_space<hbm>>
    tpu.enqueue_dma source(%dma_start3A_259 : memref<16x128xf32, #tpu.memory_space<hbm>>) target(%dma_start3A_257 : memref<16x128xf32, #tpu.memory_space<vmem>>) target_semaphore(%arg8 : memref<!tpu.dma_semaphore, #tpu.memory_space<semaphore_mem>>)
    %slice3A_260 = vector.extract_strided_slice %mul3A_8 {offsets = [15], sizes = [1], strides = [1]} : vector<16xi32> to vector<1xi32>
    %squeeze3A_261 = vector.extract %slice3A_260[0] : i32 from vector<1xi32>
    %multiple_of3A_262 = tpu.assume_multiple %squeeze3A_261, 128 : i32
    %dma_start3A_263 = arith.constant 0 : i32
    %dma_start3A_264 = arith.constant 15 : i32
    %dma_start3A_265 = arith.constant 0 : i32
    %dma_start3A_266 = arith.constant 0 : i32
    %dma_start3A_267 = tpu.memref_slice %arg6[%dma_start3A_263, %dma_start3A_264, %dma_start3A_265, %dma_start3A_266] : memref<2x16x16x128xf32, #tpu.memory_space<vmem>> -> memref<1x1x16x128xf32, #tpu.memory_space<vmem>>
    %dma_start3A_268 = tpu.memref_squeeze %dma_start3A_267 : memref<1x1x16x128xf32, #tpu.memory_space<vmem>> -> memref<16x128xf32, #tpu.memory_space<vmem>>
    %dma_start3A_269 = arith.constant 0 : i32
    %dma_start3A_270 = tpu.memref_slice %arg3[%dma_start3A_269, %multiple_of3A_262] : memref<16x1000000xf32, #tpu.memory_space<hbm>> -> memref<16x128xf32, #tpu.memory_space<hbm>>
    %dma_start3A_271 = arith.constant 0 : i32
    %dma_start3A_272 = arith.constant 0 : i32
    %dma_start3A_273 = tpu.memref_slice %arg6[%dma_start3A_263, %dma_start3A_264, %dma_start3A_271, %dma_start3A_272] : memref<2x16x16x128xf32, #tpu.memory_space<vmem>> -> memref<1x1x16x128xf32, #tpu.memory_space<vmem>>
    %dma_start3A_274 = tpu.memref_squeeze %dma_start3A_273 : memref<1x1x16x128xf32, #tpu.memory_space<vmem>> -> memref<16x128xf32, #tpu.memory_space<vmem>>
    %dma_start3A_275 = arith.constant 0 : i32
    %dma_start3A_276 = tpu.memref_slice %arg3[%dma_start3A_275, %multiple_of3A_262] : memref<16x1000000xf32, #tpu.memory_space<hbm>> -> memref<16x128xf32, #tpu.memory_space<hbm>>
    tpu.enqueue_dma source(%dma_start3A_276 : memref<16x128xf32, #tpu.memory_space<hbm>>) target(%dma_start3A_274 : memref<16x128xf32, #tpu.memory_space<vmem>>) target_semaphore(%arg8 : memref<!tpu.dma_semaphore, #tpu.memory_space<semaphore_mem>>)
    %scan3A = arith.constant 0 : i32
    %scan3A_277 = arith.constant 0 : i32
    %scan3A_278 = arith.constant 16 : i32
    %scan3A_279 = arith.addi %scan3A_277, %scan3A_278 : i32
    %scan3A_280 = arith.constant 1 : i32
    scf.for %scan3A_282 = %scan3A_277 to %scan3A_279 step %scan3A_280  : i32 {
      %mul3A_283 = arith.constant 2 : i32
      %mul3A_284 = arith.muli %scan3A_282, %mul3A_283 : i32
      %add3A_285 = arith.constant 1 : i32
      %add3A_286 = arith.addi %mul3A_284, %add3A_285 : i32
      %mul3A_287 = arith.constant 16 : i32
      %mul3A_288 = arith.muli %add3A_286, %mul3A_287 : i32
      %get3A_289 = arith.index_cast %mul3A_288 : i32 to index
      %get3A_290 = tpu.vector_load %arg5[%get3A_289] {strides = array<i32>} : memref<512xi32, #tpu.memory_space<vmem>>, vector<16xi32>,
      %shift_right_logical3A_291 = arith.constant 7 : i32
      %shift_right_logical3A_292 = vector.broadcast %shift_right_logical3A_291 : i32 to vector<16xi32>
      %shift_right_logical3A_293 = arith.shrui %get3A_290, %shift_right_logical3A_292 : vector<16xi32>
      %mul3A_294 = arith.constant 128 : i32
      %mul3A_295 = vector.broadcast %mul3A_294 : i32 to vector<16xi32>
      %mul3A_296 = arith.muli %shift_right_logical3A_293, %mul3A_295 : vector<16xi32>
      %slice3A_297 = vector.extract_strided_slice %mul3A_296 {offsets = [0], sizes = [1], strides = [1]} : vector<16xi32> to vector<1xi32>
      %squeeze3A_298 = vector.extract %slice3A_297[0] : i32 from vector<1xi32>
      %multiple_of3A_299 = tpu.assume_multiple %squeeze3A_298, 128 : i32
      %dma_start3A_300 = arith.constant 1 : i32
      %dma_start3A_301 = arith.constant 0 : i32
      %dma_start3A_302 = arith.constant 0 : i32
      %dma_start3A_303 = arith.constant 0 : i32
      %dma_start3A_304 = tpu.memref_slice %arg6[%dma_start3A_300, %dma_start3A_301, %dma_start3A_302, %dma_start3A_303] : memref<2x16x16x128xf32, #tpu.memory_space<vmem>> -> memref<1x1x16x128xf32, #tpu.memory_space<vmem>>
      %dma_start3A_305 = tpu.memref_squeeze %dma_start3A_304 : memref<1x1x16x128xf32, #tpu.memory_space<vmem>> -> memref<16x128xf32, #tpu.memory_space<vmem>>
      %dma_start3A_306 = arith.constant 0 : i32
      %dma_start3A_307 = tpu.memref_slice %arg3[%dma_start3A_306, %multiple_of3A_299] : memref<16x1000000xf32, #tpu.memory_space<hbm>> -> memref<16x128xf32, #tpu.memory_space<hbm>>
      %dma_start3A_308 = arith.constant 0 : i32
      %dma_start3A_309 = arith.constant 0 : i32
      %dma_start3A_310 = tpu.memref_slice %arg6[%dma_start3A_300, %dma_start3A_301, %dma_start3A_308, %dma_start3A_309] : memref<2x16x16x128xf32, #tpu.memory_space<vmem>> -> memref<1x1x16x128xf32, #tpu.memory_space<vmem>>
      %dma_start3A_311 = tpu.memref_squeeze %dma_start3A_310 : memref<1x1x16x128xf32, #tpu.memory_space<vmem>> -> memref<16x128xf32, #tpu.memory_space<vmem>>
      %dma_start3A_312 = arith.constant 0 : i32
      %dma_start3A_313 = tpu.memref_slice %arg3[%dma_start3A_312, %multiple_of3A_299] : memref<16x1000000xf32, #tpu.memory_space<hbm>> -> memref<16x128xf32, #tpu.memory_space<hbm>>
      tpu.enqueue_dma source(%dma_start3A_313 : memref<16x128xf32, #tpu.memory_space<hbm>>) target(%dma_start3A_311 : memref<16x128xf32, #tpu.memory_space<vmem>>) target_semaphore(%arg8 : memref<!tpu.dma_semaphore, #tpu.memory_space<semaphore_mem>>)
      %slice3A_314 = vector.extract_strided_slice %mul3A_296 {offsets = [1], sizes = [1], strides = [1]} : vector<16xi32> to vector<1xi32>
      %squeeze3A_315 = vector.extract %slice3A_314[0] : i32 from vector<1xi32>
      %multiple_of3A_316 = tpu.assume_multiple %squeeze3A_315, 128 : i32
      %dma_start3A_317 = arith.constant 1 : i32
      %dma_start3A_318 = arith.constant 1 : i32
      %dma_start3A_319 = arith.constant 0 : i32
      %dma_start3A_320 = arith.constant 0 : i32
      %dma_start3A_321 = tpu.memref_slice %arg6[%dma_start3A_317, %dma_start3A_318, %dma_start3A_319, %dma_start3A_320] : memref<2x16x16x128xf32, #tpu.memory_space<vmem>> -> memref<1x1x16x128xf32, #tpu.memory_space<vmem>>
      %dma_start3A_322 = tpu.memref_squeeze %dma_start3A_321 : memref<1x1x16x128xf32, #tpu.memory_space<vmem>> -> memref<16x128xf32, #tpu.memory_space<vmem>>
      %dma_start3A_323 = arith.constant 0 : i32
      %dma_start3A_324 = tpu.memref_slice %arg3[%dma_start3A_323, %multiple_of3A_316] : memref<16x1000000xf32, #tpu.memory_space<hbm>> -> memref<16x128xf32, #tpu.memory_space<hbm>>
      %dma_start3A_325 = arith.constant 0 : i32
      %dma_start3A_326 = arith.constant 0 : i32
      %dma_start3A_327 = tpu.memref_slice %arg6[%dma_start3A_317, %dma_start3A_318, %dma_start3A_325, %dma_start3A_326] : memref<2x16x16x128xf32, #tpu.memory_space<vmem>> -> memref<1x1x16x128xf32, #tpu.memory_space<vmem>>
      %dma_start3A_328 = tpu.memref_squeeze %dma_start3A_327 : memref<1x1x16x128xf32, #tpu.memory_space<vmem>> -> memref<16x128xf32, #tpu.memory_space<vmem>>
      %dma_start3A_329 = arith.constant 0 : i32
      %dma_start3A_330 = tpu.memref_slice %arg3[%dma_start3A_329, %multiple_of3A_316] : memref<16x1000000xf32, #tpu.memory_space<hbm>> -> memref<16x128xf32, #tpu.memory_space<hbm>>
      tpu.enqueue_dma source(%dma_start3A_330 : memref<16x128xf32, #tpu.memory_space<hbm>>) target(%dma_start3A_328 : memref<16x128xf32, #tpu.memory_space<vmem>>) target_semaphore(%arg8 : memref<!tpu.dma_semaphore, #tpu.memory_space<semaphore_mem>>)
      %slice3A_331 = vector.extract_strided_slice %mul3A_296 {offsets = [2], sizes = [1], strides = [1]} : vector<16xi32> to vector<1xi32>
      %squeeze3A_332 = vector.extract %slice3A_331[0] : i32 from vector<1xi32>
      %multiple_of3A_333 = tpu.assume_multiple %squeeze3A_332, 128 : i32
      %dma_start3A_334 = arith.constant 1 : i32
      %dma_start3A_335 = arith.constant 2 : i32
      %dma_start3A_336 = arith.constant 0 : i32
      %dma_start3A_337 = arith.constant 0 : i32
      %dma_start3A_338 = tpu.memref_slice %arg6[%dma_start3A_334, %dma_start3A_335, %dma_start3A_336, %dma_start3A_337] : memref<2x16x16x128xf32, #tpu.memory_space<vmem>> -> memref<1x1x16x128xf32, #tpu.memory_space<vmem>>
      %dma_start3A_339 = tpu.memref_squeeze %dma_start3A_338 : memref<1x1x16x128xf32, #tpu.memory_space<vmem>> -> memref<16x128xf32, #tpu.memory_space<vmem>>
      %dma_start3A_340 = arith.constant 0 : i32
      %dma_start3A_341 = tpu.memref_slice %arg3[%dma_start3A_340, %multiple_of3A_333] : memref<16x1000000xf32, #tpu.memory_space<hbm>> -> memref<16x128xf32, #tpu.memory_space<hbm>>
      %dma_start3A_342 = arith.constant 0 : i32
      %dma_start3A_343 = arith.constant 0 : i32
      %dma_start3A_344 = tpu.memref_slice %arg6[%dma_start3A_334, %dma_start3A_335, %dma_start3A_342, %dma_start3A_343] : memref<2x16x16x128xf32, #tpu.memory_space<vmem>> -> memref<1x1x16x128xf32, #tpu.memory_space<vmem>>
      %dma_start3A_345 = tpu.memref_squeeze %dma_start3A_344 : memref<1x1x16x128xf32, #tpu.memory_space<vmem>> -> memref<16x128xf32, #tpu.memory_space<vmem>>
      %dma_start3A_346 = arith.constant 0 : i32
      %dma_start3A_347 = tpu.memref_slice %arg3[%dma_start3A_346, %multiple_of3A_333] : memref<16x1000000xf32, #tpu.memory_space<hbm>> -> memref<16x128xf32, #tpu.memory_space<hbm>>
      tpu.enqueue_dma source(%dma_start3A_347 : memref<16x128xf32, #tpu.memory_space<hbm>>) target(%dma_start3A_345 : memref<16x128xf32, #tpu.memory_space<vmem>>) target_semaphore(%arg8 : memref<!tpu.dma_semaphore, #tpu.memory_space<semaphore_mem>>)
      %slice3A_348 = vector.extract_strided_slice %mul3A_296 {offsets = [3], sizes = [1], strides = [1]} : vector<16xi32> to vector<1xi32>
      %squeeze3A_349 = vector.extract %slice3A_348[0] : i32 from vector<1xi32>
      %multiple_of3A_350 = tpu.assume_multiple %squeeze3A_349, 128 : i32
      %dma_start3A_351 = arith.constant 1 : i32
      %dma_start3A_352 = arith.constant 3 : i32
      %dma_start3A_353 = arith.constant 0 : i32
      %dma_start3A_354 = arith.constant 0 : i32
      %dma_start3A_355 = tpu.memref_slice %arg6[%dma_start3A_351, %dma_start3A_352, %dma_start3A_353, %dma_start3A_354] : memref<2x16x16x128xf32, #tpu.memory_space<vmem>> -> memref<1x1x16x128xf32, #tpu.memory_space<vmem>>
      %dma_start3A_356 = tpu.memref_squeeze %dma_start3A_355 : memref<1x1x16x128xf32, #tpu.memory_space<vmem>> -> memref<16x128xf32, #tpu.memory_space<vmem>>
      %dma_start3A_357 = arith.constant 0 : i32
      %dma_start3A_358 = tpu.memref_slice %arg3[%dma_start3A_357, %multiple_of3A_350] : memref<16x1000000xf32, #tpu.memory_space<hbm>> -> memref<16x128xf32, #tpu.memory_space<hbm>>
      %dma_start3A_359 = arith.constant 0 : i32
      %dma_start3A_360 = arith.constant 0 : i32
      %dma_start3A_361 = tpu.memref_slice %arg6[%dma_start3A_351, %dma_start3A_352, %dma_start3A_359, %dma_start3A_360] : memref<2x16x16x128xf32, #tpu.memory_space<vmem>> -> memref<1x1x16x128xf32, #tpu.memory_space<vmem>>
      %dma_start3A_362 = tpu.memref_squeeze %dma_start3A_361 : memref<1x1x16x128xf32, #tpu.memory_space<vmem>> -> memref<16x128xf32, #tpu.memory_space<vmem>>
      %dma_start3A_363 = arith.constant 0 : i32
      %dma_start3A_364 = tpu.memref_slice %arg3[%dma_start3A_363, %multiple_of3A_350] : memref<16x1000000xf32, #tpu.memory_space<hbm>> -> memref<16x128xf32, #tpu.memory_space<hbm>>
      tpu.enqueue_dma source(%dma_start3A_364 : memref<16x128xf32, #tpu.memory_space<hbm>>) target(%dma_start3A_362 : memref<16x128xf32, #tpu.memory_space<vmem>>) target_semaphore(%arg8 : memref<!tpu.dma_semaphore, #tpu.memory_space<semaphore_mem>>)
      %slice3A_365 = vector.extract_strided_slice %mul3A_296 {offsets = [4], sizes = [1], strides = [1]} : vector<16xi32> to vector<1xi32>
      %squeeze3A_366 = vector.extract %slice3A_365[0] : i32 from vector<1xi32>
      %multiple_of3A_367 = tpu.assume_multiple %squeeze3A_366, 128 : i32
      %dma_start3A_368 = arith.constant 1 : i32
      %dma_start3A_369 = arith.constant 4 : i32
      %dma_start3A_370 = arith.constant 0 : i32
      %dma_start3A_371 = arith.constant 0 : i32
      %dma_start3A_372 = tpu.memref_slice %arg6[%dma_start3A_368, %dma_start3A_369, %dma_start3A_370, %dma_start3A_371] : memref<2x16x16x128xf32, #tpu.memory_space<vmem>> -> memref<1x1x16x128xf32, #tpu.memory_space<vmem>>
      %dma_start3A_373 = tpu.memref_squeeze %dma_start3A_372 : memref<1x1x16x128xf32, #tpu.memory_space<vmem>> -> memref<16x128xf32, #tpu.memory_space<vmem>>
      %dma_start3A_374 = arith.constant 0 : i32
      %dma_start3A_375 = tpu.memref_slice %arg3[%dma_start3A_374, %multiple_of3A_367] : memref<16x1000000xf32, #tpu.memory_space<hbm>> -> memref<16x128xf32, #tpu.memory_space<hbm>>
      %dma_start3A_376 = arith.constant 0 : i32
      %dma_start3A_377 = arith.constant 0 : i32
      %dma_start3A_378 = tpu.memref_slice %arg6[%dma_start3A_368, %dma_start3A_369, %dma_start3A_376, %dma_start3A_377] : memref<2x16x16x128xf32, #tpu.memory_space<vmem>> -> memref<1x1x16x128xf32, #tpu.memory_space<vmem>>
      %dma_start3A_379 = tpu.memref_squeeze %dma_start3A_378 : memref<1x1x16x128xf32, #tpu.memory_space<vmem>> -> memref<16x128xf32, #tpu.memory_space<vmem>>
      %dma_start3A_380 = arith.constant 0 : i32
      %dma_start3A_381 = tpu.memref_slice %arg3[%dma_start3A_380, %multiple_of3A_367] : memref<16x1000000xf32, #tpu.memory_space<hbm>> -> memref<16x128xf32, #tpu.memory_space<hbm>>
      tpu.enqueue_dma source(%dma_start3A_381 : memref<16x128xf32, #tpu.memory_space<hbm>>) target(%dma_start3A_379 : memref<16x128xf32, #tpu.memory_space<vmem>>) target_semaphore(%arg8 : memref<!tpu.dma_semaphore, #tpu.memory_space<semaphore_mem>>)
      %slice3A_382 = vector.extract_strided_slice %mul3A_296 {offsets = [5], sizes = [1], strides = [1]} : vector<16xi32> to vector<1xi32>
      %squeeze3A_383 = vector.extract %slice3A_382[0] : i32 from vector<1xi32>
      %multiple_of3A_384 = tpu.assume_multiple %squeeze3A_383, 128 : i32
      %dma_start3A_385 = arith.constant 1 : i32
      %dma_start3A_386 = arith.constant 5 : i32
      %dma_start3A_387 = arith.constant 0 : i32
      %dma_start3A_388 = arith.constant 0 : i32
      %dma_start3A_389 = tpu.memref_slice %arg6[%dma_start3A_385, %dma_start3A_386, %dma_start3A_387, %dma_start3A_388] : memref<2x16x16x128xf32, #tpu.memory_space<vmem>> -> memref<1x1x16x128xf32, #tpu.memory_space<vmem>>
      %dma_start3A_390 = tpu.memref_squeeze %dma_start3A_389 : memref<1x1x16x128xf32, #tpu.memory_space<vmem>> -> memref<16x128xf32, #tpu.memory_space<vmem>>
      %dma_start3A_391 = arith.constant 0 : i32
      %dma_start3A_392 = tpu.memref_slice %arg3[%dma_start3A_391, %multiple_of3A_384] : memref<16x1000000xf32, #tpu.memory_space<hbm>> -> memref<16x128xf32, #tpu.memory_space<hbm>>
      %dma_start3A_393 = arith.constant 0 : i32
      %dma_start3A_394 = arith.constant 0 : i32
      %dma_start3A_395 = tpu.memref_slice %arg6[%dma_start3A_385, %dma_start3A_386, %dma_start3A_393, %dma_start3A_394] : memref<2x16x16x128xf32, #tpu.memory_space<vmem>> -> memref<1x1x16x128xf32, #tpu.memory_space<vmem>>
      %dma_start3A_396 = tpu.memref_squeeze %dma_start3A_395 : memref<1x1x16x128xf32, #tpu.memory_space<vmem>> -> memref<16x128xf32, #tpu.memory_space<vmem>>
      %dma_start3A_397 = arith.constant 0 : i32
      %dma_start3A_398 = tpu.memref_slice %arg3[%dma_start3A_397, %multiple_of3A_384] : memref<16x1000000xf32, #tpu.memory_space<hbm>> -> memref<16x128xf32, #tpu.memory_space<hbm>>
      tpu.enqueue_dma source(%dma_start3A_398 : memref<16x128xf32, #tpu.memory_space<hbm>>) target(%dma_start3A_396 : memref<16x128xf32, #tpu.memory_space<vmem>>) target_semaphore(%arg8 : memref<!tpu.dma_semaphore, #tpu.memory_space<semaphore_mem>>)
      %slice3A_399 = vector.extract_strided_slice %mul3A_296 {offsets = [6], sizes = [1], strides = [1]} : vector<16xi32> to vector<1xi32>
      %squeeze3A_400 = vector.extract %slice3A_399[0] : i32 from vector<1xi32>
      %multiple_of3A_401 = tpu.assume_multiple %squeeze3A_400, 128 : i32
      %dma_start3A_402 = arith.constant 1 : i32
      %dma_start3A_403 = arith.constant 6 : i32
      %dma_start3A_404 = arith.constant 0 : i32
      %dma_start3A_405 = arith.constant 0 : i32
      %dma_start3A_406 = tpu.memref_slice %arg6[%dma_start3A_402, %dma_start3A_403, %dma_start3A_404, %dma_start3A_405] : memref<2x16x16x128xf32, #tpu.memory_space<vmem>> -> memref<1x1x16x128xf32, #tpu.memory_space<vmem>>
      %dma_start3A_407 = tpu.memref_squeeze %dma_start3A_406 : memref<1x1x16x128xf32, #tpu.memory_space<vmem>> -> memref<16x128xf32, #tpu.memory_space<vmem>>
      %dma_start3A_408 = arith.constant 0 : i32
      %dma_start3A_409 = tpu.memref_slice %arg3[%dma_start3A_408, %multiple_of3A_401] : memref<16x1000000xf32, #tpu.memory_space<hbm>> -> memref<16x128xf32, #tpu.memory_space<hbm>>
      %dma_start3A_410 = arith.constant 0 : i32
      %dma_start3A_411 = arith.constant 0 : i32
      %dma_start3A_412 = tpu.memref_slice %arg6[%dma_start3A_402, %dma_start3A_403, %dma_start3A_410, %dma_start3A_411] : memref<2x16x16x128xf32, #tpu.memory_space<vmem>> -> memref<1x1x16x128xf32, #tpu.memory_space<vmem>>
      %dma_start3A_413 = tpu.memref_squeeze %dma_start3A_412 : memref<1x1x16x128xf32, #tpu.memory_space<vmem>> -> memref<16x128xf32, #tpu.memory_space<vmem>>
      %dma_start3A_414 = arith.constant 0 : i32
      %dma_start3A_415 = tpu.memref_slice %arg3[%dma_start3A_414, %multiple_of3A_401] : memref<16x1000000xf32, #tpu.memory_space<hbm>> -> memref<16x128xf32, #tpu.memory_space<hbm>>
      tpu.enqueue_dma source(%dma_start3A_415 : memref<16x128xf32, #tpu.memory_space<hbm>>) target(%dma_start3A_413 : memref<16x128xf32, #tpu.memory_space<vmem>>) target_semaphore(%arg8 : memref<!tpu.dma_semaphore, #tpu.memory_space<semaphore_mem>>)
      %slice3A_416 = vector.extract_strided_slice %mul3A_296 {offsets = [7], sizes = [1], strides = [1]} : vector<16xi32> to vector<1xi32>
      %squeeze3A_417 = vector.extract %slice3A_416[0] : i32 from vector<1xi32>
      %multiple_of3A_418 = tpu.assume_multiple %squeeze3A_417, 128 : i32
      %dma_start3A_419 = arith.constant 1 : i32
      %dma_start3A_420 = arith.constant 7 : i32
      %dma_start3A_421 = arith.constant 0 : i32
      %dma_start3A_422 = arith.constant 0 : i32
      %dma_start3A_423 = tpu.memref_slice %arg6[%dma_start3A_419, %dma_start3A_420, %dma_start3A_421, %dma_start3A_422] : memref<2x16x16x128xf32, #tpu.memory_space<vmem>> -> memref<1x1x16x128xf32, #tpu.memory_space<vmem>>
      %dma_start3A_424 = tpu.memref_squeeze %dma_start3A_423 : memref<1x1x16x128xf32, #tpu.memory_space<vmem>> -> memref<16x128xf32, #tpu.memory_space<vmem>>
      %dma_start3A_425 = arith.constant 0 : i32
      %dma_start3A_426 = tpu.memref_slice %arg3[%dma_start3A_425, %multiple_of3A_418] : memref<16x1000000xf32, #tpu.memory_space<hbm>> -> memref<16x128xf32, #tpu.memory_space<hbm>>
      %dma_start3A_427 = arith.constant 0 : i32
      %dma_start3A_428 = arith.constant 0 : i32
      %dma_start3A_429 = tpu.memref_slice %arg6[%dma_start3A_419, %dma_start3A_420, %dma_start3A_427, %dma_start3A_428] : memref<2x16x16x128xf32, #tpu.memory_space<vmem>> -> memref<1x1x16x128xf32, #tpu.memory_space<vmem>>
      %dma_start3A_430 = tpu.memref_squeeze %dma_start3A_429 : memref<1x1x16x128xf32, #tpu.memory_space<vmem>> -> memref<16x128xf32, #tpu.memory_space<vmem>>
      %dma_start3A_431 = arith.constant 0 : i32
      %dma_start3A_432 = tpu.memref_slice %arg3[%dma_start3A_431, %multiple_of3A_418] : memref<16x1000000xf32, #tpu.memory_space<hbm>> -> memref<16x128xf32, #tpu.memory_space<hbm>>
      tpu.enqueue_dma source(%dma_start3A_432 : memref<16x128xf32, #tpu.memory_space<hbm>>) target(%dma_start3A_430 : memref<16x128xf32, #tpu.memory_space<vmem>>) target_semaphore(%arg8 : memref<!tpu.dma_semaphore, #tpu.memory_space<semaphore_mem>>)
      %slice3A_433 = vector.extract_strided_slice %mul3A_296 {offsets = [8], sizes = [1], strides = [1]} : vector<16xi32> to vector<1xi32>
      %squeeze3A_434 = vector.extract %slice3A_433[0] : i32 from vector<1xi32>
      %multiple_of3A_435 = tpu.assume_multiple %squeeze3A_434, 128 : i32
      %dma_start3A_436 = arith.constant 1 : i32
      %dma_start3A_437 = arith.constant 8 : i32
      %dma_start3A_438 = arith.constant 0 : i32
      %dma_start3A_439 = arith.constant 0 : i32
      %dma_start3A_440 = tpu.memref_slice %arg6[%dma_start3A_436, %dma_start3A_437, %dma_start3A_438, %dma_start3A_439] : memref<2x16x16x128xf32, #tpu.memory_space<vmem>> -> memref<1x1x16x128xf32, #tpu.memory_space<vmem>>
      %dma_start3A_441 = tpu.memref_squeeze %dma_start3A_440 : memref<1x1x16x128xf32, #tpu.memory_space<vmem>> -> memref<16x128xf32, #tpu.memory_space<vmem>>
      %dma_start3A_442 = arith.constant 0 : i32
      %dma_start3A_443 = tpu.memref_slice %arg3[%dma_start3A_442, %multiple_of3A_435] : memref<16x1000000xf32, #tpu.memory_space<hbm>> -> memref<16x128xf32, #tpu.memory_space<hbm>>
      %dma_start3A_444 = arith.constant 0 : i32
      %dma_start3A_445 = arith.constant 0 : i32
      %dma_start3A_446 = tpu.memref_slice %arg6[%dma_start3A_436, %dma_start3A_437, %dma_start3A_444, %dma_start3A_445] : memref<2x16x16x128xf32, #tpu.memory_space<vmem>> -> memref<1x1x16x128xf32, #tpu.memory_space<vmem>>
      %dma_start3A_447 = tpu.memref_squeeze %dma_start3A_446 : memref<1x1x16x128xf32, #tpu.memory_space<vmem>> -> memref<16x128xf32, #tpu.memory_space<vmem>>
      %dma_start3A_448 = arith.constant 0 : i32
      %dma_start3A_449 = tpu.memref_slice %arg3[%dma_start3A_448, %multiple_of3A_435] : memref<16x1000000xf32, #tpu.memory_space<hbm>> -> memref<16x128xf32, #tpu.memory_space<hbm>>
      tpu.enqueue_dma source(%dma_start3A_449 : memref<16x128xf32, #tpu.memory_space<hbm>>) target(%dma_start3A_447 : memref<16x128xf32, #tpu.memory_space<vmem>>) target_semaphore(%arg8 : memref<!tpu.dma_semaphore, #tpu.memory_space<semaphore_mem>>)
      %slice3A_450 = vector.extract_strided_slice %mul3A_296 {offsets = [9], sizes = [1], strides = [1]} : vector<16xi32> to vector<1xi32>
      %squeeze3A_451 = vector.extract %slice3A_450[0] : i32 from vector<1xi32>
      %multiple_of3A_452 = tpu.assume_multiple %squeeze3A_451, 128 : i32
      %dma_start3A_453 = arith.constant 1 : i32
      %dma_start3A_454 = arith.constant 9 : i32
      %dma_start3A_455 = arith.constant 0 : i32
      %dma_start3A_456 = arith.constant 0 : i32
      %dma_start3A_457 = tpu.memref_slice %arg6[%dma_start3A_453, %dma_start3A_454, %dma_start3A_455, %dma_start3A_456] : memref<2x16x16x128xf32, #tpu.memory_space<vmem>> -> memref<1x1x16x128xf32, #tpu.memory_space<vmem>>
      %dma_start3A_458 = tpu.memref_squeeze %dma_start3A_457 : memref<1x1x16x128xf32, #tpu.memory_space<vmem>> -> memref<16x128xf32, #tpu.memory_space<vmem>>
      %dma_start3A_459 = arith.constant 0 : i32
      %dma_start3A_460 = tpu.memref_slice %arg3[%dma_start3A_459, %multiple_of3A_452] : memref<16x1000000xf32, #tpu.memory_space<hbm>> -> memref<16x128xf32, #tpu.memory_space<hbm>>
      %dma_start3A_461 = arith.constant 0 : i32
      %dma_start3A_462 = arith.constant 0 : i32
      %dma_start3A_463 = tpu.memref_slice %arg6[%dma_start3A_453, %dma_start3A_454, %dma_start3A_461, %dma_start3A_462] : memref<2x16x16x128xf32, #tpu.memory_space<vmem>> -> memref<1x1x16x128xf32, #tpu.memory_space<vmem>>
      %dma_start3A_464 = tpu.memref_squeeze %dma_start3A_463 : memref<1x1x16x128xf32, #tpu.memory_space<vmem>> -> memref<16x128xf32, #tpu.memory_space<vmem>>
      %dma_start3A_465 = arith.constant 0 : i32
      %dma_start3A_466 = tpu.memref_slice %arg3[%dma_start3A_465, %multiple_of3A_452] : memref<16x1000000xf32, #tpu.memory_space<hbm>> -> memref<16x128xf32, #tpu.memory_space<hbm>>
      tpu.enqueue_dma source(%dma_start3A_466 : memref<16x128xf32, #tpu.memory_space<hbm>>) target(%dma_start3A_464 : memref<16x128xf32, #tpu.memory_space<vmem>>) target_semaphore(%arg8 : memref<!tpu.dma_semaphore, #tpu.memory_space<semaphore_mem>>)
      %slice3A_467 = vector.extract_strided_slice %mul3A_296 {offsets = [10], sizes = [1], strides = [1]} : vector<16xi32> to vector<1xi32>
      %squeeze3A_468 = vector.extract %slice3A_467[0] : i32 from vector<1xi32>
      %multiple_of3A_469 = tpu.assume_multiple %squeeze3A_468, 128 : i32
      %dma_start3A_470 = arith.constant 1 : i32
      %dma_start3A_471 = arith.constant 10 : i32
      %dma_start3A_472 = arith.constant 0 : i32
      %dma_start3A_473 = arith.constant 0 : i32
      %dma_start3A_474 = tpu.memref_slice %arg6[%dma_start3A_470, %dma_start3A_471, %dma_start3A_472, %dma_start3A_473] : memref<2x16x16x128xf32, #tpu.memory_space<vmem>> -> memref<1x1x16x128xf32, #tpu.memory_space<vmem>>
      %dma_start3A_475 = tpu.memref_squeeze %dma_start3A_474 : memref<1x1x16x128xf32, #tpu.memory_space<vmem>> -> memref<16x128xf32, #tpu.memory_space<vmem>>
      %dma_start3A_476 = arith.constant 0 : i32
      %dma_start3A_477 = tpu.memref_slice %arg3[%dma_start3A_476, %multiple_of3A_469] : memref<16x1000000xf32, #tpu.memory_space<hbm>> -> memref<16x128xf32, #tpu.memory_space<hbm>>
      %dma_start3A_478 = arith.constant 0 : i32
      %dma_start3A_479 = arith.constant 0 : i32
      %dma_start3A_480 = tpu.memref_slice %arg6[%dma_start3A_470, %dma_start3A_471, %dma_start3A_478, %dma_start3A_479] : memref<2x16x16x128xf32, #tpu.memory_space<vmem>> -> memref<1x1x16x128xf32, #tpu.memory_space<vmem>>
      %dma_start3A_481 = tpu.memref_squeeze %dma_start3A_480 : memref<1x1x16x128xf32, #tpu.memory_space<vmem>> -> memref<16x128xf32, #tpu.memory_space<vmem>>
      %dma_start3A_482 = arith.constant 0 : i32
      %dma_start3A_483 = tpu.memref_slice %arg3[%dma_start3A_482, %multiple_of3A_469] : memref<16x1000000xf32, #tpu.memory_space<hbm>> -> memref<16x128xf32, #tpu.memory_space<hbm>>
      tpu.enqueue_dma source(%dma_start3A_483 : memref<16x128xf32, #tpu.memory_space<hbm>>) target(%dma_start3A_481 : memref<16x128xf32, #tpu.memory_space<vmem>>) target_semaphore(%arg8 : memref<!tpu.dma_semaphore, #tpu.memory_space<semaphore_mem>>)
      %slice3A_484 = vector.extract_strided_slice %mul3A_296 {offsets = [11], sizes = [1], strides = [1]} : vector<16xi32> to vector<1xi32>
      %squeeze3A_485 = vector.extract %slice3A_484[0] : i32 from vector<1xi32>
      %multiple_of3A_486 = tpu.assume_multiple %squeeze3A_485, 128 : i32
      %dma_start3A_487 = arith.constant 1 : i32
      %dma_start3A_488 = arith.constant 11 : i32
      %dma_start3A_489 = arith.constant 0 : i32
      %dma_start3A_490 = arith.constant 0 : i32
      %dma_start3A_491 = tpu.memref_slice %arg6[%dma_start3A_487, %dma_start3A_488, %dma_start3A_489, %dma_start3A_490] : memref<2x16x16x128xf32, #tpu.memory_space<vmem>> -> memref<1x1x16x128xf32, #tpu.memory_space<vmem>>
      %dma_start3A_492 = tpu.memref_squeeze %dma_start3A_491 : memref<1x1x16x128xf32, #tpu.memory_space<vmem>> -> memref<16x128xf32, #tpu.memory_space<vmem>>
      %dma_start3A_493 = arith.constant 0 : i32
      %dma_start3A_494 = tpu.memref_slice %arg3[%dma_start3A_493, %multiple_of3A_486] : memref<16x1000000xf32, #tpu.memory_space<hbm>> -> memref<16x128xf32, #tpu.memory_space<hbm>>
      %dma_start3A_495 = arith.constant 0 : i32
      %dma_start3A_496 = arith.constant 0 : i32
      %dma_start3A_497 = tpu.memref_slice %arg6[%dma_start3A_487, %dma_start3A_488, %dma_start3A_495, %dma_start3A_496] : memref<2x16x16x128xf32, #tpu.memory_space<vmem>> -> memref<1x1x16x128xf32, #tpu.memory_space<vmem>>
      %dma_start3A_498 = tpu.memref_squeeze %dma_start3A_497 : memref<1x1x16x128xf32, #tpu.memory_space<vmem>> -> memref<16x128xf32, #tpu.memory_space<vmem>>
      %dma_start3A_499 = arith.constant 0 : i32
      %dma_start3A_500 = tpu.memref_slice %arg3[%dma_start3A_499, %multiple_of3A_486] : memref<16x1000000xf32, #tpu.memory_space<hbm>> -> memref<16x128xf32, #tpu.memory_space<hbm>>
      tpu.enqueue_dma source(%dma_start3A_500 : memref<16x128xf32, #tpu.memory_space<hbm>>) target(%dma_start3A_498 : memref<16x128xf32, #tpu.memory_space<vmem>>) target_semaphore(%arg8 : memref<!tpu.dma_semaphore, #tpu.memory_space<semaphore_mem>>)
      %slice3A_501 = vector.extract_strided_slice %mul3A_296 {offsets = [12], sizes = [1], strides = [1]} : vector<16xi32> to vector<1xi32>
      %squeeze3A_502 = vector.extract %slice3A_501[0] : i32 from vector<1xi32>
      %multiple_of3A_503 = tpu.assume_multiple %squeeze3A_502, 128 : i32
      %dma_start3A_504 = arith.constant 1 : i32
      %dma_start3A_505 = arith.constant 12 : i32
      %dma_start3A_506 = arith.constant 0 : i32
      %dma_start3A_507 = arith.constant 0 : i32
      %dma_start3A_508 = tpu.memref_slice %arg6[%dma_start3A_504, %dma_start3A_505, %dma_start3A_506, %dma_start3A_507] : memref<2x16x16x128xf32, #tpu.memory_space<vmem>> -> memref<1x1x16x128xf32, #tpu.memory_space<vmem>>
      %dma_start3A_509 = tpu.memref_squeeze %dma_start3A_508 : memref<1x1x16x128xf32, #tpu.memory_space<vmem>> -> memref<16x128xf32, #tpu.memory_space<vmem>>
      %dma_start3A_510 = arith.constant 0 : i32
      %dma_start3A_511 = tpu.memref_slice %arg3[%dma_start3A_510, %multiple_of3A_503] : memref<16x1000000xf32, #tpu.memory_space<hbm>> -> memref<16x128xf32, #tpu.memory_space<hbm>>
      %dma_start3A_512 = arith.constant 0 : i32
      %dma_start3A_513 = arith.constant 0 : i32
      %dma_start3A_514 = tpu.memref_slice %arg6[%dma_start3A_504, %dma_start3A_505, %dma_start3A_512, %dma_start3A_513] : memref<2x16x16x128xf32, #tpu.memory_space<vmem>> -> memref<1x1x16x128xf32, #tpu.memory_space<vmem>>
      %dma_start3A_515 = tpu.memref_squeeze %dma_start3A_514 : memref<1x1x16x128xf32, #tpu.memory_space<vmem>> -> memref<16x128xf32, #tpu.memory_space<vmem>>
      %dma_start3A_516 = arith.constant 0 : i32
      %dma_start3A_517 = tpu.memref_slice %arg3[%dma_start3A_516, %multiple_of3A_503] : memref<16x1000000xf32, #tpu.memory_space<hbm>> -> memref<16x128xf32, #tpu.memory_space<hbm>>
      tpu.enqueue_dma source(%dma_start3A_517 : memref<16x128xf32, #tpu.memory_space<hbm>>) target(%dma_start3A_515 : memref<16x128xf32, #tpu.memory_space<vmem>>) target_semaphore(%arg8 : memref<!tpu.dma_semaphore, #tpu.memory_space<semaphore_mem>>)
      %slice3A_518 = vector.extract_strided_slice %mul3A_296 {offsets = [13], sizes = [1], strides = [1]} : vector<16xi32> to vector<1xi32>
      %squeeze3A_519 = vector.extract %slice3A_518[0] : i32 from vector<1xi32>
      %multiple_of3A_520 = tpu.assume_multiple %squeeze3A_519, 128 : i32
      %dma_start3A_521 = arith.constant 1 : i32
      %dma_start3A_522 = arith.constant 13 : i32
      %dma_start3A_523 = arith.constant 0 : i32
      %dma_start3A_524 = arith.constant 0 : i32
      %dma_start3A_525 = tpu.memref_slice %arg6[%dma_start3A_521, %dma_start3A_522, %dma_start3A_523, %dma_start3A_524] : memref<2x16x16x128xf32, #tpu.memory_space<vmem>> -> memref<1x1x16x128xf32, #tpu.memory_space<vmem>>
      %dma_start3A_526 = tpu.memref_squeeze %dma_start3A_525 : memref<1x1x16x128xf32, #tpu.memory_space<vmem>> -> memref<16x128xf32, #tpu.memory_space<vmem>>
      %dma_start3A_527 = arith.constant 0 : i32
      %dma_start3A_528 = tpu.memref_slice %arg3[%dma_start3A_527, %multiple_of3A_520] : memref<16x1000000xf32, #tpu.memory_space<hbm>> -> memref<16x128xf32, #tpu.memory_space<hbm>>
      %dma_start3A_529 = arith.constant 0 : i32
      %dma_start3A_530 = arith.constant 0 : i32
      %dma_start3A_531 = tpu.memref_slice %arg6[%dma_start3A_521, %dma_start3A_522, %dma_start3A_529, %dma_start3A_530] : memref<2x16x16x128xf32, #tpu.memory_space<vmem>> -> memref<1x1x16x128xf32, #tpu.memory_space<vmem>>
      %dma_start3A_532 = tpu.memref_squeeze %dma_start3A_531 : memref<1x1x16x128xf32, #tpu.memory_space<vmem>> -> memref<16x128xf32, #tpu.memory_space<vmem>>
      %dma_start3A_533 = arith.constant 0 : i32
      %dma_start3A_534 = tpu.memref_slice %arg3[%dma_start3A_533, %multiple_of3A_520] : memref<16x1000000xf32, #tpu.memory_space<hbm>> -> memref<16x128xf32, #tpu.memory_space<hbm>>
      tpu.enqueue_dma source(%dma_start3A_534 : memref<16x128xf32, #tpu.memory_space<hbm>>) target(%dma_start3A_532 : memref<16x128xf32, #tpu.memory_space<vmem>>) target_semaphore(%arg8 : memref<!tpu.dma_semaphore, #tpu.memory_space<semaphore_mem>>)
      %slice3A_535 = vector.extract_strided_slice %mul3A_296 {offsets = [14], sizes = [1], strides = [1]} : vector<16xi32> to vector<1xi32>
      %squeeze3A_536 = vector.extract %slice3A_535[0] : i32 from vector<1xi32>
      %multiple_of3A_537 = tpu.assume_multiple %squeeze3A_536, 128 : i32
      %dma_start3A_538 = arith.constant 1 : i32
      %dma_start3A_539 = arith.constant 14 : i32
      %dma_start3A_540 = arith.constant 0 : i32
      %dma_start3A_541 = arith.constant 0 : i32
      %dma_start3A_542 = tpu.memref_slice %arg6[%dma_start3A_538, %dma_start3A_539, %dma_start3A_540, %dma_start3A_541] : memref<2x16x16x128xf32, #tpu.memory_space<vmem>> -> memref<1x1x16x128xf32, #tpu.memory_space<vmem>>
      %dma_start3A_543 = tpu.memref_squeeze %dma_start3A_542 : memref<1x1x16x128xf32, #tpu.memory_space<vmem>> -> memref<16x128xf32, #tpu.memory_space<vmem>>
      %dma_start3A_544 = arith.constant 0 : i32
      %dma_start3A_545 = tpu.memref_slice %arg3[%dma_start3A_544, %multiple_of3A_537] : memref<16x1000000xf32, #tpu.memory_space<hbm>> -> memref<16x128xf32, #tpu.memory_space<hbm>>
      %dma_start3A_546 = arith.constant 0 : i32
      %dma_start3A_547 = arith.constant 0 : i32
      %dma_start3A_548 = tpu.memref_slice %arg6[%dma_start3A_538, %dma_start3A_539, %dma_start3A_546, %dma_start3A_547] : memref<2x16x16x128xf32, #tpu.memory_space<vmem>> -> memref<1x1x16x128xf32, #tpu.memory_space<vmem>>
      %dma_start3A_549 = tpu.memref_squeeze %dma_start3A_548 : memref<1x1x16x128xf32, #tpu.memory_space<vmem>> -> memref<16x128xf32, #tpu.memory_space<vmem>>
      %dma_start3A_550 = arith.constant 0 : i32
      %dma_start3A_551 = tpu.memref_slice %arg3[%dma_start3A_550, %multiple_of3A_537] : memref<16x1000000xf32, #tpu.memory_space<hbm>> -> memref<16x128xf32, #tpu.memory_space<hbm>>
      tpu.enqueue_dma source(%dma_start3A_551 : memref<16x128xf32, #tpu.memory_space<hbm>>) target(%dma_start3A_549 : memref<16x128xf32, #tpu.memory_space<vmem>>) target_semaphore(%arg8 : memref<!tpu.dma_semaphore, #tpu.memory_space<semaphore_mem>>)
      %slice3A_552 = vector.extract_strided_slice %mul3A_296 {offsets = [15], sizes = [1], strides = [1]} : vector<16xi32> to vector<1xi32>
      %squeeze3A_553 = vector.extract %slice3A_552[0] : i32 from vector<1xi32>
      %multiple_of3A_554 = tpu.assume_multiple %squeeze3A_553, 128 : i32
      %dma_start3A_555 = arith.constant 1 : i32
      %dma_start3A_556 = arith.constant 15 : i32
      %dma_start3A_557 = arith.constant 0 : i32
      %dma_start3A_558 = arith.constant 0 : i32
      %dma_start3A_559 = tpu.memref_slice %arg6[%dma_start3A_555, %dma_start3A_556, %dma_start3A_557, %dma_start3A_558] : memref<2x16x16x128xf32, #tpu.memory_space<vmem>> -> memref<1x1x16x128xf32, #tpu.memory_space<vmem>>
      %dma_start3A_560 = tpu.memref_squeeze %dma_start3A_559 : memref<1x1x16x128xf32, #tpu.memory_space<vmem>> -> memref<16x128xf32, #tpu.memory_space<vmem>>
      %dma_start3A_561 = arith.constant 0 : i32
      %dma_start3A_562 = tpu.memref_slice %arg3[%dma_start3A_561, %multiple_of3A_554] : memref<16x1000000xf32, #tpu.memory_space<hbm>> -> memref<16x128xf32, #tpu.memory_space<hbm>>
      %dma_start3A_563 = arith.constant 0 : i32
      %dma_start3A_564 = arith.constant 0 : i32
      %dma_start3A_565 = tpu.memref_slice %arg6[%dma_start3A_555, %dma_start3A_556, %dma_start3A_563, %dma_start3A_564] : memref<2x16x16x128xf32, #tpu.memory_space<vmem>> -> memref<1x1x16x128xf32, #tpu.memory_space<vmem>>
      %dma_start3A_566 = tpu.memref_squeeze %dma_start3A_565 : memref<1x1x16x128xf32, #tpu.memory_space<vmem>> -> memref<16x128xf32, #tpu.memory_space<vmem>>
      %dma_start3A_567 = arith.constant 0 : i32
      %dma_start3A_568 = tpu.memref_slice %arg3[%dma_start3A_567, %multiple_of3A_554] : memref<16x1000000xf32, #tpu.memory_space<hbm>> -> memref<16x128xf32, #tpu.memory_space<hbm>>
      tpu.enqueue_dma source(%dma_start3A_568 : memref<16x128xf32, #tpu.memory_space<hbm>>) target(%dma_start3A_566 : memref<16x128xf32, #tpu.memory_space<vmem>>) target_semaphore(%arg8 : memref<!tpu.dma_semaphore, #tpu.memory_space<semaphore_mem>>)
      %dma_wait3A = arith.constant 0 : i32
      %dma_wait3A_569 = arith.constant 0 : i32
      %dma_wait3A_570 = arith.constant 0 : i32
      %dma_wait3A_571 = arith.constant 0 : i32
      %dma_wait3A_572 = tpu.memref_slice %arg6[%dma_wait3A, %dma_wait3A_569, %dma_wait3A_570, %dma_wait3A_571] : memref<2x16x16x128xf32, #tpu.memory_space<vmem>> -> memref<1x1x16x128xf32, #tpu.memory_space<vmem>>
      %dma_wait3A_573 = tpu.memref_squeeze %dma_wait3A_572 : memref<1x1x16x128xf32, #tpu.memory_space<vmem>> -> memref<16x128xf32, #tpu.memory_space<vmem>>
      %dma_wait3A_574 = arith.constant 0 : i32
      %dma_wait3A_575 = arith.constant 0 : i32
      %dma_wait3A_576 = tpu.memref_slice %arg3[%dma_wait3A_574, %dma_wait3A_575] : memref<16x1000000xf32, #tpu.memory_space<hbm>> -> memref<16x128xf32, #tpu.memory_space<hbm>>
      %dma_wait3A_577 = arith.constant 0 : i32
      %dma_wait3A_578 = arith.constant 0 : i32
      %dma_wait3A_579 = tpu.memref_slice %arg6[%dma_wait3A, %dma_wait3A_569, %dma_wait3A_577, %dma_wait3A_578] : memref<2x16x16x128xf32, #tpu.memory_space<vmem>> -> memref<1x1x16x128xf32, #tpu.memory_space<vmem>>
      %dma_wait3A_580 = tpu.memref_squeeze %dma_wait3A_579 : memref<1x1x16x128xf32, #tpu.memory_space<vmem>> -> memref<16x128xf32, #tpu.memory_space<vmem>>
      %dma_wait3A_581 = arith.constant 0 : i32
      %dma_wait3A_582 = arith.constant 0 : i32
      %dma_wait3A_583 = tpu.memref_slice %arg3[%dma_wait3A_581, %dma_wait3A_582] : memref<16x1000000xf32, #tpu.memory_space<hbm>> -> memref<16x128xf32, #tpu.memory_space<hbm>>
      tpu.wait_dma2 semaphore(%arg8 : memref<!tpu.dma_semaphore, #tpu.memory_space<semaphore_mem>>) src(%dma_wait3A_583 : memref<16x128xf32, #tpu.memory_space<hbm>>) dst(%dma_wait3A_580 : memref<16x128xf32, #tpu.memory_space<vmem>>)
      %dma_wait3A_584 = arith.constant 0 : i32
      %dma_wait3A_585 = arith.constant 1 : i32
      %dma_wait3A_586 = arith.constant 0 : i32
      %dma_wait3A_587 = arith.constant 0 : i32
      %dma_wait3A_588 = tpu.memref_slice %arg6[%dma_wait3A_584, %dma_wait3A_585, %dma_wait3A_586, %dma_wait3A_587] : memref<2x16x16x128xf32, #tpu.memory_space<vmem>> -> memref<1x1x16x128xf32, #tpu.memory_space<vmem>>
      %dma_wait3A_589 = tpu.memref_squeeze %dma_wait3A_588 : memref<1x1x16x128xf32, #tpu.memory_space<vmem>> -> memref<16x128xf32, #tpu.memory_space<vmem>>
      %dma_wait3A_590 = arith.constant 0 : i32
      %dma_wait3A_591 = arith.constant 0 : i32
      %dma_wait3A_592 = tpu.memref_slice %arg3[%dma_wait3A_590, %dma_wait3A_591] : memref<16x1000000xf32, #tpu.memory_space<hbm>> -> memref<16x128xf32, #tpu.memory_space<hbm>>
      %dma_wait3A_593 = arith.constant 0 : i32
      %dma_wait3A_594 = arith.constant 0 : i32
      %dma_wait3A_595 = tpu.memref_slice %arg6[%dma_wait3A_584, %dma_wait3A_585, %dma_wait3A_593, %dma_wait3A_594] : memref<2x16x16x128xf32, #tpu.memory_space<vmem>> -> memref<1x1x16x128xf32, #tpu.memory_space<vmem>>
      %dma_wait3A_596 = tpu.memref_squeeze %dma_wait3A_595 : memref<1x1x16x128xf32, #tpu.memory_space<vmem>> -> memref<16x128xf32, #tpu.memory_space<vmem>>
      %dma_wait3A_597 = arith.constant 0 : i32
      %dma_wait3A_598 = arith.constant 0 : i32
      %dma_wait3A_599 = tpu.memref_slice %arg3[%dma_wait3A_597, %dma_wait3A_598] : memref<16x1000000xf32, #tpu.memory_space<hbm>> -> memref<16x128xf32, #tpu.memory_space<hbm>>
      tpu.wait_dma2 semaphore(%arg8 : memref<!tpu.dma_semaphore, #tpu.memory_space<semaphore_mem>>) src(%dma_wait3A_599 : memref<16x128xf32, #tpu.memory_space<hbm>>) dst(%dma_wait3A_596 : memref<16x128xf32, #tpu.memory_space<vmem>>)
      %dma_wait3A_600 = arith.constant 0 : i32
      %dma_wait3A_601 = arith.constant 2 : i32
      %dma_wait3A_602 = arith.constant 0 : i32
      %dma_wait3A_603 = arith.constant 0 : i32
      %dma_wait3A_604 = tpu.memref_slice %arg6[%dma_wait3A_600, %dma_wait3A_601, %dma_wait3A_602, %dma_wait3A_603] : memref<2x16x16x128xf32, #tpu.memory_space<vmem>> -> memref<1x1x16x128xf32, #tpu.memory_space<vmem>>
      %dma_wait3A_605 = tpu.memref_squeeze %dma_wait3A_604 : memref<1x1x16x128xf32, #tpu.memory_space<vmem>> -> memref<16x128xf32, #tpu.memory_space<vmem>>
      %dma_wait3A_606 = arith.constant 0 : i32
      %dma_wait3A_607 = arith.constant 0 : i32
      %dma_wait3A_608 = tpu.memref_slice %arg3[%dma_wait3A_606, %dma_wait3A_607] : memref<16x1000000xf32, #tpu.memory_space<hbm>> -> memref<16x128xf32, #tpu.memory_space<hbm>>
      %dma_wait3A_609 = arith.constant 0 : i32
      %dma_wait3A_610 = arith.constant 0 : i32
      %dma_wait3A_611 = tpu.memref_slice %arg6[%dma_wait3A_600, %dma_wait3A_601, %dma_wait3A_609, %dma_wait3A_610] : memref<2x16x16x128xf32, #tpu.memory_space<vmem>> -> memref<1x1x16x128xf32, #tpu.memory_space<vmem>>
      %dma_wait3A_612 = tpu.memref_squeeze %dma_wait3A_611 : memref<1x1x16x128xf32, #tpu.memory_space<vmem>> -> memref<16x128xf32, #tpu.memory_space<vmem>>
      %dma_wait3A_613 = arith.constant 0 : i32
      %dma_wait3A_614 = arith.constant 0 : i32
      %dma_wait3A_615 = tpu.memref_slice %arg3[%dma_wait3A_613, %dma_wait3A_614] : memref<16x1000000xf32, #tpu.memory_space<hbm>> -> memref<16x128xf32, #tpu.memory_space<hbm>>
      tpu.wait_dma2 semaphore(%arg8 : memref<!tpu.dma_semaphore, #tpu.memory_space<semaphore_mem>>) src(%dma_wait3A_615 : memref<16x128xf32, #tpu.memory_space<hbm>>) dst(%dma_wait3A_612 : memref<16x128xf32, #tpu.memory_space<vmem>>)
      %dma_wait3A_616 = arith.constant 0 : i32
      %dma_wait3A_617 = arith.constant 3 : i32
      %dma_wait3A_618 = arith.constant 0 : i32
      %dma_wait3A_619 = arith.constant 0 : i32
      %dma_wait3A_620 = tpu.memref_slice %arg6[%dma_wait3A_616, %dma_wait3A_617, %dma_wait3A_618, %dma_wait3A_619] : memref<2x16x16x128xf32, #tpu.memory_space<vmem>> -> memref<1x1x16x128xf32, #tpu.memory_space<vmem>>
      %dma_wait3A_621 = tpu.memref_squeeze %dma_wait3A_620 : memref<1x1x16x128xf32, #tpu.memory_space<vmem>> -> memref<16x128xf32, #tpu.memory_space<vmem>>
      %dma_wait3A_622 = arith.constant 0 : i32
      %dma_wait3A_623 = arith.constant 0 : i32
      %dma_wait3A_624 = tpu.memref_slice %arg3[%dma_wait3A_622, %dma_wait3A_623] : memref<16x1000000xf32, #tpu.memory_space<hbm>> -> memref<16x128xf32, #tpu.memory_space<hbm>>
      %dma_wait3A_625 = arith.constant 0 : i32
      %dma_wait3A_626 = arith.constant 0 : i32
      %dma_wait3A_627 = tpu.memref_slice %arg6[%dma_wait3A_616, %dma_wait3A_617, %dma_wait3A_625, %dma_wait3A_626] : memref<2x16x16x128xf32, #tpu.memory_space<vmem>> -> memref<1x1x16x128xf32, #tpu.memory_space<vmem>>
      %dma_wait3A_628 = tpu.memref_squeeze %dma_wait3A_627 : memref<1x1x16x128xf32, #tpu.memory_space<vmem>> -> memref<16x128xf32, #tpu.memory_space<vmem>>
      %dma_wait3A_629 = arith.constant 0 : i32
      %dma_wait3A_630 = arith.constant 0 : i32
      %dma_wait3A_631 = tpu.memref_slice %arg3[%dma_wait3A_629, %dma_wait3A_630] : memref<16x1000000xf32, #tpu.memory_space<hbm>> -> memref<16x128xf32, #tpu.memory_space<hbm>>
      tpu.wait_dma2 semaphore(%arg8 : memref<!tpu.dma_semaphore, #tpu.memory_space<semaphore_mem>>) src(%dma_wait3A_631 : memref<16x128xf32, #tpu.memory_space<hbm>>) dst(%dma_wait3A_628 : memref<16x128xf32, #tpu.memory_space<vmem>>)
      %dma_wait3A_632 = arith.constant 0 : i32
      %dma_wait3A_633 = arith.constant 4 : i32
      %dma_wait3A_634 = arith.constant 0 : i32
      %dma_wait3A_635 = arith.constant 0 : i32
      %dma_wait3A_636 = tpu.memref_slice %arg6[%dma_wait3A_632, %dma_wait3A_633, %dma_wait3A_634, %dma_wait3A_635] : memref<2x16x16x128xf32, #tpu.memory_space<vmem>> -> memref<1x1x16x128xf32, #tpu.memory_space<vmem>>
      %dma_wait3A_637 = tpu.memref_squeeze %dma_wait3A_636 : memref<1x1x16x128xf32, #tpu.memory_space<vmem>> -> memref<16x128xf32, #tpu.memory_space<vmem>>
      %dma_wait3A_638 = arith.constant 0 : i32
      %dma_wait3A_639 = arith.constant 0 : i32
      %dma_wait3A_640 = tpu.memref_slice %arg3[%dma_wait3A_638, %dma_wait3A_639] : memref<16x1000000xf32, #tpu.memory_space<hbm>> -> memref<16x128xf32, #tpu.memory_space<hbm>>
      %dma_wait3A_641 = arith.constant 0 : i32
      %dma_wait3A_642 = arith.constant 0 : i32
      %dma_wait3A_643 = tpu.memref_slice %arg6[%dma_wait3A_632, %dma_wait3A_633, %dma_wait3A_641, %dma_wait3A_642] : memref<2x16x16x128xf32, #tpu.memory_space<vmem>> -> memref<1x1x16x128xf32, #tpu.memory_space<vmem>>
      %dma_wait3A_644 = tpu.memref_squeeze %dma_wait3A_643 : memref<1x1x16x128xf32, #tpu.memory_space<vmem>> -> memref<16x128xf32, #tpu.memory_space<vmem>>
      %dma_wait3A_645 = arith.constant 0 : i32
      %dma_wait3A_646 = arith.constant 0 : i32
      %dma_wait3A_647 = tpu.memref_slice %arg3[%dma_wait3A_645, %dma_wait3A_646] : memref<16x1000000xf32, #tpu.memory_space<hbm>> -> memref<16x128xf32, #tpu.memory_space<hbm>>
      tpu.wait_dma2 semaphore(%arg8 : memref<!tpu.dma_semaphore, #tpu.memory_space<semaphore_mem>>) src(%dma_wait3A_647 : memref<16x128xf32, #tpu.memory_space<hbm>>) dst(%dma_wait3A_644 : memref<16x128xf32, #tpu.memory_space<vmem>>)
      %dma_wait3A_648 = arith.constant 0 : i32
      %dma_wait3A_649 = arith.constant 5 : i32
      %dma_wait3A_650 = arith.constant 0 : i32
      %dma_wait3A_651 = arith.constant 0 : i32
      %dma_wait3A_652 = tpu.memref_slice %arg6[%dma_wait3A_648, %dma_wait3A_649, %dma_wait3A_650, %dma_wait3A_651] : memref<2x16x16x128xf32, #tpu.memory_space<vmem>> -> memref<1x1x16x128xf32, #tpu.memory_space<vmem>>
      %dma_wait3A_653 = tpu.memref_squeeze %dma_wait3A_652 : memref<1x1x16x128xf32, #tpu.memory_space<vmem>> -> memref<16x128xf32, #tpu.memory_space<vmem>>
      %dma_wait3A_654 = arith.constant 0 : i32
      %dma_wait3A_655 = arith.constant 0 : i32
      %dma_wait3A_656 = tpu.memref_slice %arg3[%dma_wait3A_654, %dma_wait3A_655] : memref<16x1000000xf32, #tpu.memory_space<hbm>> -> memref<16x128xf32, #tpu.memory_space<hbm>>
      %dma_wait3A_657 = arith.constant 0 : i32
      %dma_wait3A_658 = arith.constant 0 : i32
      %dma_wait3A_659 = tpu.memref_slice %arg6[%dma_wait3A_648, %dma_wait3A_649, %dma_wait3A_657, %dma_wait3A_658] : memref<2x16x16x128xf32, #tpu.memory_space<vmem>> -> memref<1x1x16x128xf32, #tpu.memory_space<vmem>>
      %dma_wait3A_660 = tpu.memref_squeeze %dma_wait3A_659 : memref<1x1x16x128xf32, #tpu.memory_space<vmem>> -> memref<16x128xf32, #tpu.memory_space<vmem>>
      %dma_wait3A_661 = arith.constant 0 : i32
      %dma_wait3A_662 = arith.constant 0 : i32
      %dma_wait3A_663 = tpu.memref_slice %arg3[%dma_wait3A_661, %dma_wait3A_662] : memref<16x1000000xf32, #tpu.memory_space<hbm>> -> memref<16x128xf32, #tpu.memory_space<hbm>>
      tpu.wait_dma2 semaphore(%arg8 : memref<!tpu.dma_semaphore, #tpu.memory_space<semaphore_mem>>) src(%dma_wait3A_663 : memref<16x128xf32, #tpu.memory_space<hbm>>) dst(%dma_wait3A_660 : memref<16x128xf32, #tpu.memory_space<vmem>>)
      %dma_wait3A_664 = arith.constant 0 : i32
      %dma_wait3A_665 = arith.constant 6 : i32
      %dma_wait3A_666 = arith.constant 0 : i32
      %dma_wait3A_667 = arith.constant 0 : i32
      %dma_wait3A_668 = tpu.memref_slice %arg6[%dma_wait3A_664, %dma_wait3A_665, %dma_wait3A_666, %dma_wait3A_667] : memref<2x16x16x128xf32, #tpu.memory_space<vmem>> -> memref<1x1x16x128xf32, #tpu.memory_space<vmem>>
      %dma_wait3A_669 = tpu.memref_squeeze %dma_wait3A_668 : memref<1x1x16x128xf32, #tpu.memory_space<vmem>> -> memref<16x128xf32, #tpu.memory_space<vmem>>
      %dma_wait3A_670 = arith.constant 0 : i32
      %dma_wait3A_671 = arith.constant 0 : i32
      %dma_wait3A_672 = tpu.memref_slice %arg3[%dma_wait3A_670, %dma_wait3A_671] : memref<16x1000000xf32, #tpu.memory_space<hbm>> -> memref<16x128xf32, #tpu.memory_space<hbm>>
      %dma_wait3A_673 = arith.constant 0 : i32
      %dma_wait3A_674 = arith.constant 0 : i32
      %dma_wait3A_675 = tpu.memref_slice %arg6[%dma_wait3A_664, %dma_wait3A_665, %dma_wait3A_673, %dma_wait3A_674] : memref<2x16x16x128xf32, #tpu.memory_space<vmem>> -> memref<1x1x16x128xf32, #tpu.memory_space<vmem>>
      %dma_wait3A_676 = tpu.memref_squeeze %dma_wait3A_675 : memref<1x1x16x128xf32, #tpu.memory_space<vmem>> -> memref<16x128xf32, #tpu.memory_space<vmem>>
      %dma_wait3A_677 = arith.constant 0 : i32
      %dma_wait3A_678 = arith.constant 0 : i32
      %dma_wait3A_679 = tpu.memref_slice %arg3[%dma_wait3A_677, %dma_wait3A_678] : memref<16x1000000xf32, #tpu.memory_space<hbm>> -> memref<16x128xf32, #tpu.memory_space<hbm>>
      tpu.wait_dma2 semaphore(%arg8 : memref<!tpu.dma_semaphore, #tpu.memory_space<semaphore_mem>>) src(%dma_wait3A_679 : memref<16x128xf32, #tpu.memory_space<hbm>>) dst(%dma_wait3A_676 : memref<16x128xf32, #tpu.memory_space<vmem>>)
      %dma_wait3A_680 = arith.constant 0 : i32
      %dma_wait3A_681 = arith.constant 7 : i32
      %dma_wait3A_682 = arith.constant 0 : i32
      %dma_wait3A_683 = arith.constant 0 : i32
      %dma_wait3A_684 = tpu.memref_slice %arg6[%dma_wait3A_680, %dma_wait3A_681, %dma_wait3A_682, %dma_wait3A_683] : memref<2x16x16x128xf32, #tpu.memory_space<vmem>> -> memref<1x1x16x128xf32, #tpu.memory_space<vmem>>
      %dma_wait3A_685 = tpu.memref_squeeze %dma_wait3A_684 : memref<1x1x16x128xf32, #tpu.memory_space<vmem>> -> memref<16x128xf32, #tpu.memory_space<vmem>>
      %dma_wait3A_686 = arith.constant 0 : i32
      %dma_wait3A_687 = arith.constant 0 : i32
      %dma_wait3A_688 = tpu.memref_slice %arg3[%dma_wait3A_686, %dma_wait3A_687] : memref<16x1000000xf32, #tpu.memory_space<hbm>> -> memref<16x128xf32, #tpu.memory_space<hbm>>
      %dma_wait3A_689 = arith.constant 0 : i32
      %dma_wait3A_690 = arith.constant 0 : i32
      %dma_wait3A_691 = tpu.memref_slice %arg6[%dma_wait3A_680, %dma_wait3A_681, %dma_wait3A_689, %dma_wait3A_690] : memref<2x16x16x128xf32, #tpu.memory_space<vmem>> -> memref<1x1x16x128xf32, #tpu.memory_space<vmem>>
      %dma_wait3A_692 = tpu.memref_squeeze %dma_wait3A_691 : memref<1x1x16x128xf32, #tpu.memory_space<vmem>> -> memref<16x128xf32, #tpu.memory_space<vmem>>
      %dma_wait3A_693 = arith.constant 0 : i32
      %dma_wait3A_694 = arith.constant 0 : i32
      %dma_wait3A_695 = tpu.memref_slice %arg3[%dma_wait3A_693, %dma_wait3A_694] : memref<16x1000000xf32, #tpu.memory_space<hbm>> -> memref<16x128xf32, #tpu.memory_space<hbm>>
      tpu.wait_dma2 semaphore(%arg8 : memref<!tpu.dma_semaphore, #tpu.memory_space<semaphore_mem>>) src(%dma_wait3A_695 : memref<16x128xf32, #tpu.memory_space<hbm>>) dst(%dma_wait3A_692 : memref<16x128xf32, #tpu.memory_space<vmem>>)
      %dma_wait3A_696 = arith.constant 0 : i32
      %dma_wait3A_697 = arith.constant 8 : i32
      %dma_wait3A_698 = arith.constant 0 : i32
      %dma_wait3A_699 = arith.constant 0 : i32
      %dma_wait3A_700 = tpu.memref_slice %arg6[%dma_wait3A_696, %dma_wait3A_697, %dma_wait3A_698, %dma_wait3A_699] : memref<2x16x16x128xf32, #tpu.memory_space<vmem>> -> memref<1x1x16x128xf32, #tpu.memory_space<vmem>>
      %dma_wait3A_701 = tpu.memref_squeeze %dma_wait3A_700 : memref<1x1x16x128xf32, #tpu.memory_space<vmem>> -> memref<16x128xf32, #tpu.memory_space<vmem>>
      %dma_wait3A_702 = arith.constant 0 : i32
      %dma_wait3A_703 = arith.constant 0 : i32
      %dma_wait3A_704 = tpu.memref_slice %arg3[%dma_wait3A_702, %dma_wait3A_703] : memref<16x1000000xf32, #tpu.memory_space<hbm>> -> memref<16x128xf32, #tpu.memory_space<hbm>>
      %dma_wait3A_705 = arith.constant 0 : i32
      %dma_wait3A_706 = arith.constant 0 : i32
      %dma_wait3A_707 = tpu.memref_slice %arg6[%dma_wait3A_696, %dma_wait3A_697, %dma_wait3A_705, %dma_wait3A_706] : memref<2x16x16x128xf32, #tpu.memory_space<vmem>> -> memref<1x1x16x128xf32, #tpu.memory_space<vmem>>
      %dma_wait3A_708 = tpu.memref_squeeze %dma_wait3A_707 : memref<1x1x16x128xf32, #tpu.memory_space<vmem>> -> memref<16x128xf32, #tpu.memory_space<vmem>>
      %dma_wait3A_709 = arith.constant 0 : i32
      %dma_wait3A_710 = arith.constant 0 : i32
      %dma_wait3A_711 = tpu.memref_slice %arg3[%dma_wait3A_709, %dma_wait3A_710] : memref<16x1000000xf32, #tpu.memory_space<hbm>> -> memref<16x128xf32, #tpu.memory_space<hbm>>
      tpu.wait_dma2 semaphore(%arg8 : memref<!tpu.dma_semaphore, #tpu.memory_space<semaphore_mem>>) src(%dma_wait3A_711 : memref<16x128xf32, #tpu.memory_space<hbm>>) dst(%dma_wait3A_708 : memref<16x128xf32, #tpu.memory_space<vmem>>)
      %dma_wait3A_712 = arith.constant 0 : i32
      %dma_wait3A_713 = arith.constant 9 : i32
      %dma_wait3A_714 = arith.constant 0 : i32
      %dma_wait3A_715 = arith.constant 0 : i32
      %dma_wait3A_716 = tpu.memref_slice %arg6[%dma_wait3A_712, %dma_wait3A_713, %dma_wait3A_714, %dma_wait3A_715] : memref<2x16x16x128xf32, #tpu.memory_space<vmem>> -> memref<1x1x16x128xf32, #tpu.memory_space<vmem>>
      %dma_wait3A_717 = tpu.memref_squeeze %dma_wait3A_716 : memref<1x1x16x128xf32, #tpu.memory_space<vmem>> -> memref<16x128xf32, #tpu.memory_space<vmem>>
      %dma_wait3A_718 = arith.constant 0 : i32
      %dma_wait3A_719 = arith.constant 0 : i32
      %dma_wait3A_720 = tpu.memref_slice %arg3[%dma_wait3A_718, %dma_wait3A_719] : memref<16x1000000xf32, #tpu.memory_space<hbm>> -> memref<16x128xf32, #tpu.memory_space<hbm>>
      %dma_wait3A_721 = arith.constant 0 : i32
      %dma_wait3A_722 = arith.constant 0 : i32
      %dma_wait3A_723 = tpu.memref_slice %arg6[%dma_wait3A_712, %dma_wait3A_713, %dma_wait3A_721, %dma_wait3A_722] : memref<2x16x16x128xf32, #tpu.memory_space<vmem>> -> memref<1x1x16x128xf32, #tpu.memory_space<vmem>>
      %dma_wait3A_724 = tpu.memref_squeeze %dma_wait3A_723 : memref<1x1x16x128xf32, #tpu.memory_space<vmem>> -> memref<16x128xf32, #tpu.memory_space<vmem>>
      %dma_wait3A_725 = arith.constant 0 : i32
      %dma_wait3A_726 = arith.constant 0 : i32
      %dma_wait3A_727 = tpu.memref_slice %arg3[%dma_wait3A_725, %dma_wait3A_726] : memref<16x1000000xf32, #tpu.memory_space<hbm>> -> memref<16x128xf32, #tpu.memory_space<hbm>>
      tpu.wait_dma2 semaphore(%arg8 : memref<!tpu.dma_semaphore, #tpu.memory_space<semaphore_mem>>) src(%dma_wait3A_727 : memref<16x128xf32, #tpu.memory_space<hbm>>) dst(%dma_wait3A_724 : memref<16x128xf32, #tpu.memory_space<vmem>>)
      %dma_wait3A_728 = arith.constant 0 : i32
      %dma_wait3A_729 = arith.constant 10 : i32
      %dma_wait3A_730 = arith.constant 0 : i32
      %dma_wait3A_731 = arith.constant 0 : i32
      %dma_wait3A_732 = tpu.memref_slice %arg6[%dma_wait3A_728, %dma_wait3A_729, %dma_wait3A_730, %dma_wait3A_731] : memref<2x16x16x128xf32, #tpu.memory_space<vmem>> -> memref<1x1x16x128xf32, #tpu.memory_space<vmem>>
      %dma_wait3A_733 = tpu.memref_squeeze %dma_wait3A_732 : memref<1x1x16x128xf32, #tpu.memory_space<vmem>> -> memref<16x128xf32, #tpu.memory_space<vmem>>
      %dma_wait3A_734 = arith.constant 0 : i32
      %dma_wait3A_735 = arith.constant 0 : i32
      %dma_wait3A_736 = tpu.memref_slice %arg3[%dma_wait3A_734, %dma_wait3A_735] : memref<16x1000000xf32, #tpu.memory_space<hbm>> -> memref<16x128xf32, #tpu.memory_space<hbm>>
      %dma_wait3A_737 = arith.constant 0 : i32
      %dma_wait3A_738 = arith.constant 0 : i32
      %dma_wait3A_739 = tpu.memref_slice %arg6[%dma_wait3A_728, %dma_wait3A_729, %dma_wait3A_737, %dma_wait3A_738] : memref<2x16x16x128xf32, #tpu.memory_space<vmem>> -> memref<1x1x16x128xf32, #tpu.memory_space<vmem>>
      %dma_wait3A_740 = tpu.memref_squeeze %dma_wait3A_739 : memref<1x1x16x128xf32, #tpu.memory_space<vmem>> -> memref<16x128xf32, #tpu.memory_space<vmem>>
      %dma_wait3A_741 = arith.constant 0 : i32
      %dma_wait3A_742 = arith.constant 0 : i32
      %dma_wait3A_743 = tpu.memref_slice %arg3[%dma_wait3A_741, %dma_wait3A_742] : memref<16x1000000xf32, #tpu.memory_space<hbm>> -> memref<16x128xf32, #tpu.memory_space<hbm>>
      tpu.wait_dma2 semaphore(%arg8 : memref<!tpu.dma_semaphore, #tpu.memory_space<semaphore_mem>>) src(%dma_wait3A_743 : memref<16x128xf32, #tpu.memory_space<hbm>>) dst(%dma_wait3A_740 : memref<16x128xf32, #tpu.memory_space<vmem>>)
      %dma_wait3A_744 = arith.constant 0 : i32
      %dma_wait3A_745 = arith.constant 11 : i32
      %dma_wait3A_746 = arith.constant 0 : i32
      %dma_wait3A_747 = arith.constant 0 : i32
      %dma_wait3A_748 = tpu.memref_slice %arg6[%dma_wait3A_744, %dma_wait3A_745, %dma_wait3A_746, %dma_wait3A_747] : memref<2x16x16x128xf32, #tpu.memory_space<vmem>> -> memref<1x1x16x128xf32, #tpu.memory_space<vmem>>
      %dma_wait3A_749 = tpu.memref_squeeze %dma_wait3A_748 : memref<1x1x16x128xf32, #tpu.memory_space<vmem>> -> memref<16x128xf32, #tpu.memory_space<vmem>>
      %dma_wait3A_750 = arith.constant 0 : i32
      %dma_wait3A_751 = arith.constant 0 : i32
      %dma_wait3A_752 = tpu.memref_slice %arg3[%dma_wait3A_750, %dma_wait3A_751] : memref<16x1000000xf32, #tpu.memory_space<hbm>> -> memref<16x128xf32, #tpu.memory_space<hbm>>
      %dma_wait3A_753 = arith.constant 0 : i32
      %dma_wait3A_754 = arith.constant 0 : i32
      %dma_wait3A_755 = tpu.memref_slice %arg6[%dma_wait3A_744, %dma_wait3A_745, %dma_wait3A_753, %dma_wait3A_754] : memref<2x16x16x128xf32, #tpu.memory_space<vmem>> -> memref<1x1x16x128xf32, #tpu.memory_space<vmem>>
      %dma_wait3A_756 = tpu.memref_squeeze %dma_wait3A_755 : memref<1x1x16x128xf32, #tpu.memory_space<vmem>> -> memref<16x128xf32, #tpu.memory_space<vmem>>
      %dma_wait3A_757 = arith.constant 0 : i32
      %dma_wait3A_758 = arith.constant 0 : i32
      %dma_wait3A_759 = tpu.memref_slice %arg3[%dma_wait3A_757, %dma_wait3A_758] : memref<16x1000000xf32, #tpu.memory_space<hbm>> -> memref<16x128xf32, #tpu.memory_space<hbm>>
      tpu.wait_dma2 semaphore(%arg8 : memref<!tpu.dma_semaphore, #tpu.memory_space<semaphore_mem>>) src(%dma_wait3A_759 : memref<16x128xf32, #tpu.memory_space<hbm>>) dst(%dma_wait3A_756 : memref<16x128xf32, #tpu.memory_space<vmem>>)
      %dma_wait3A_760 = arith.constant 0 : i32
      %dma_wait3A_761 = arith.constant 12 : i32
      %dma_wait3A_762 = arith.constant 0 : i32
      %dma_wait3A_763 = arith.constant 0 : i32
      %dma_wait3A_764 = tpu.memref_slice %arg6[%dma_wait3A_760, %dma_wait3A_761, %dma_wait3A_762, %dma_wait3A_763] : memref<2x16x16x128xf32, #tpu.memory_space<vmem>> -> memref<1x1x16x128xf32, #tpu.memory_space<vmem>>
      %dma_wait3A_765 = tpu.memref_squeeze %dma_wait3A_764 : memref<1x1x16x128xf32, #tpu.memory_space<vmem>> -> memref<16x128xf32, #tpu.memory_space<vmem>>
      %dma_wait3A_766 = arith.constant 0 : i32
      %dma_wait3A_767 = arith.constant 0 : i32
      %dma_wait3A_768 = tpu.memref_slice %arg3[%dma_wait3A_766, %dma_wait3A_767] : memref<16x1000000xf32, #tpu.memory_space<hbm>> -> memref<16x128xf32, #tpu.memory_space<hbm>>
      %dma_wait3A_769 = arith.constant 0 : i32
      %dma_wait3A_770 = arith.constant 0 : i32
      %dma_wait3A_771 = tpu.memref_slice %arg6[%dma_wait3A_760, %dma_wait3A_761, %dma_wait3A_769, %dma_wait3A_770] : memref<2x16x16x128xf32, #tpu.memory_space<vmem>> -> memref<1x1x16x128xf32, #tpu.memory_space<vmem>>
      %dma_wait3A_772 = tpu.memref_squeeze %dma_wait3A_771 : memref<1x1x16x128xf32, #tpu.memory_space<vmem>> -> memref<16x128xf32, #tpu.memory_space<vmem>>
      %dma_wait3A_773 = arith.constant 0 : i32
      %dma_wait3A_774 = arith.constant 0 : i32
      %dma_wait3A_775 = tpu.memref_slice %arg3[%dma_wait3A_773, %dma_wait3A_774] : memref<16x1000000xf32, #tpu.memory_space<hbm>> -> memref<16x128xf32, #tpu.memory_space<hbm>>
      tpu.wait_dma2 semaphore(%arg8 : memref<!tpu.dma_semaphore, #tpu.memory_space<semaphore_mem>>) src(%dma_wait3A_775 : memref<16x128xf32, #tpu.memory_space<hbm>>) dst(%dma_wait3A_772 : memref<16x128xf32, #tpu.memory_space<vmem>>)
      %dma_wait3A_776 = arith.constant 0 : i32
      %dma_wait3A_777 = arith.constant 13 : i32
      %dma_wait3A_778 = arith.constant 0 : i32
      %dma_wait3A_779 = arith.constant 0 : i32
      %dma_wait3A_780 = tpu.memref_slice %arg6[%dma_wait3A_776, %dma_wait3A_777, %dma_wait3A_778, %dma_wait3A_779] : memref<2x16x16x128xf32, #tpu.memory_space<vmem>> -> memref<1x1x16x128xf32, #tpu.memory_space<vmem>>
      %dma_wait3A_781 = tpu.memref_squeeze %dma_wait3A_780 : memref<1x1x16x128xf32, #tpu.memory_space<vmem>> -> memref<16x128xf32, #tpu.memory_space<vmem>>
      %dma_wait3A_782 = arith.constant 0 : i32
      %dma_wait3A_783 = arith.constant 0 : i32
      %dma_wait3A_784 = tpu.memref_slice %arg3[%dma_wait3A_782, %dma_wait3A_783] : memref<16x1000000xf32, #tpu.memory_space<hbm>> -> memref<16x128xf32, #tpu.memory_space<hbm>>
      %dma_wait3A_785 = arith.constant 0 : i32
      %dma_wait3A_786 = arith.constant 0 : i32
      %dma_wait3A_787 = tpu.memref_slice %arg6[%dma_wait3A_776, %dma_wait3A_777, %dma_wait3A_785, %dma_wait3A_786] : memref<2x16x16x128xf32, #tpu.memory_space<vmem>> -> memref<1x1x16x128xf32, #tpu.memory_space<vmem>>
      %dma_wait3A_788 = tpu.memref_squeeze %dma_wait3A_787 : memref<1x1x16x128xf32, #tpu.memory_space<vmem>> -> memref<16x128xf32, #tpu.memory_space<vmem>>
      %dma_wait3A_789 = arith.constant 0 : i32
      %dma_wait3A_790 = arith.constant 0 : i32
      %dma_wait3A_791 = tpu.memref_slice %arg3[%dma_wait3A_789, %dma_wait3A_790] : memref<16x1000000xf32, #tpu.memory_space<hbm>> -> memref<16x128xf32, #tpu.memory_space<hbm>>
      tpu.wait_dma2 semaphore(%arg8 : memref<!tpu.dma_semaphore, #tpu.memory_space<semaphore_mem>>) src(%dma_wait3A_791 : memref<16x128xf32, #tpu.memory_space<hbm>>) dst(%dma_wait3A_788 : memref<16x128xf32, #tpu.memory_space<vmem>>)
      %dma_wait3A_792 = arith.constant 0 : i32
      %dma_wait3A_793 = arith.constant 14 : i32
      %dma_wait3A_794 = arith.constant 0 : i32
      %dma_wait3A_795 = arith.constant 0 : i32
      %dma_wait3A_796 = tpu.memref_slice %arg6[%dma_wait3A_792, %dma_wait3A_793, %dma_wait3A_794, %dma_wait3A_795] : memref<2x16x16x128xf32, #tpu.memory_space<vmem>> -> memref<1x1x16x128xf32, #tpu.memory_space<vmem>>
      %dma_wait3A_797 = tpu.memref_squeeze %dma_wait3A_796 : memref<1x1x16x128xf32, #tpu.memory_space<vmem>> -> memref<16x128xf32, #tpu.memory_space<vmem>>
      %dma_wait3A_798 = arith.constant 0 : i32
      %dma_wait3A_799 = arith.constant 0 : i32
      %dma_wait3A_800 = tpu.memref_slice %arg3[%dma_wait3A_798, %dma_wait3A_799] : memref<16x1000000xf32, #tpu.memory_space<hbm>> -> memref<16x128xf32, #tpu.memory_space<hbm>>
      %dma_wait3A_801 = arith.constant 0 : i32
      %dma_wait3A_802 = arith.constant 0 : i32
      %dma_wait3A_803 = tpu.memref_slice %arg6[%dma_wait3A_792, %dma_wait3A_793, %dma_wait3A_801, %dma_wait3A_802] : memref<2x16x16x128xf32, #tpu.memory_space<vmem>> -> memref<1x1x16x128xf32, #tpu.memory_space<vmem>>
      %dma_wait3A_804 = tpu.memref_squeeze %dma_wait3A_803 : memref<1x1x16x128xf32, #tpu.memory_space<vmem>> -> memref<16x128xf32, #tpu.memory_space<vmem>>
      %dma_wait3A_805 = arith.constant 0 : i32
      %dma_wait3A_806 = arith.constant 0 : i32
      %dma_wait3A_807 = tpu.memref_slice %arg3[%dma_wait3A_805, %dma_wait3A_806] : memref<16x1000000xf32, #tpu.memory_space<hbm>> -> memref<16x128xf32, #tpu.memory_space<hbm>>
      tpu.wait_dma2 semaphore(%arg8 : memref<!tpu.dma_semaphore, #tpu.memory_space<semaphore_mem>>) src(%dma_wait3A_807 : memref<16x128xf32, #tpu.memory_space<hbm>>) dst(%dma_wait3A_804 : memref<16x128xf32, #tpu.memory_space<vmem>>)
      %dma_wait3A_808 = arith.constant 0 : i32
      %dma_wait3A_809 = arith.constant 15 : i32
      %dma_wait3A_810 = arith.constant 0 : i32
      %dma_wait3A_811 = arith.constant 0 : i32
      %dma_wait3A_812 = tpu.memref_slice %arg6[%dma_wait3A_808, %dma_wait3A_809, %dma_wait3A_810, %dma_wait3A_811] : memref<2x16x16x128xf32, #tpu.memory_space<vmem>> -> memref<1x1x16x128xf32, #tpu.memory_space<vmem>>
      %dma_wait3A_813 = tpu.memref_squeeze %dma_wait3A_812 : memref<1x1x16x128xf32, #tpu.memory_space<vmem>> -> memref<16x128xf32, #tpu.memory_space<vmem>>
      %dma_wait3A_814 = arith.constant 0 : i32
      %dma_wait3A_815 = arith.constant 0 : i32
      %dma_wait3A_816 = tpu.memref_slice %arg3[%dma_wait3A_814, %dma_wait3A_815] : memref<16x1000000xf32, #tpu.memory_space<hbm>> -> memref<16x128xf32, #tpu.memory_space<hbm>>
      %dma_wait3A_817 = arith.constant 0 : i32
      %dma_wait3A_818 = arith.constant 0 : i32
      %dma_wait3A_819 = tpu.memref_slice %arg6[%dma_wait3A_808, %dma_wait3A_809, %dma_wait3A_817, %dma_wait3A_818] : memref<2x16x16x128xf32, #tpu.memory_space<vmem>> -> memref<1x1x16x128xf32, #tpu.memory_space<vmem>>
      %dma_wait3A_820 = tpu.memref_squeeze %dma_wait3A_819 : memref<1x1x16x128xf32, #tpu.memory_space<vmem>> -> memref<16x128xf32, #tpu.memory_space<vmem>>
      %dma_wait3A_821 = arith.constant 0 : i32
      %dma_wait3A_822 = arith.constant 0 : i32
      %dma_wait3A_823 = tpu.memref_slice %arg3[%dma_wait3A_821, %dma_wait3A_822] : memref<16x1000000xf32, #tpu.memory_space<hbm>> -> memref<16x128xf32, #tpu.memory_space<hbm>>
      tpu.wait_dma2 semaphore(%arg8 : memref<!tpu.dma_semaphore, #tpu.memory_space<semaphore_mem>>) src(%dma_wait3A_823 : memref<16x128xf32, #tpu.memory_space<hbm>>) dst(%dma_wait3A_820 : memref<16x128xf32, #tpu.memory_space<vmem>>)
      %mul3A_824 = arith.constant 16 : i32
      %mul3A_825 = arith.muli %mul3A_284, %mul3A_824 : i32
      %get3A_826 = arith.index_cast %mul3A_825 : i32 to index
      %get3A_827 = tpu.vector_load %arg5[%get3A_826] {strides = array<i32>} : memref<512xi32, #tpu.memory_space<vmem>>, vector<16xi32>,
      %and3A = arith.constant 127 : i32
      %and3A_828 = vector.broadcast %and3A : i32 to vector<16xi32>
      %and3A_829 = arith.andi %get3A_827, %and3A_828 : vector<16xi32>
      %mul3A_830 = arith.constant 16 : i32
      %mul3A_831 = arith.muli %mul3A_284, %mul3A_830 : i32
      %add3A_832 = vector.broadcast %mul3A_831 : i32 to vector<16xi32>
      %add3A_833 = arith.addi %add3A_832, %iota3A : vector<16xi32>
      %broadcast_in_dim3A = arith.constant 0 : i32
      %broadcast_in_dim3A_834 = vector.broadcast %broadcast_in_dim3A : i32 to vector<16xi32>
      %gather3A = arith.constant 0 : i32
      %gather3A_835 = arith.constant 0 : i32
      %gather3A_836 = arith.constant 0 : i32
      %gather3A_837 = arith.constant 0 : i32
      %gather3A_838 = tpu.memref_slice %arg6[%gather3A, %gather3A_835, %gather3A_836, %gather3A_837] : memref<2x16x16x128xf32, #tpu.memory_space<vmem>> -> memref<1x16x16x128xf32, #tpu.memory_space<vmem>>
      %gather3A_839 = tpu.memref_squeeze %gather3A_838 : memref<1x16x16x128xf32, #tpu.memory_space<vmem>> -> memref<16x16x128xf32, #tpu.memory_space<vmem>>
      %gather3A_840 = tpu.vector_load_idx %gather3A_839[%iota3A, %broadcast_in_dim3A_834, %and3A_829] : memref<16x16x128xf32, #tpu.memory_space<vmem>>[vector<16xi32>, vector<16xi32>, vector<16xi32>], vector<16xf32>,
      tpu.vector_store_idx %arg7[%broadcast_in_dim3A_834, %add3A_833], %gather3A_840 : memref<16x512xf32, #tpu.memory_space<vmem>>[vector<16xi32>, vector<16xi32>], vector<16xf32>,
      %broadcast_in_dim3A_841 = arith.constant 1 : i32
      %broadcast_in_dim3A_842 = vector.broadcast %broadcast_in_dim3A_841 : i32 to vector<16xi32>
      %gather3A_843 = arith.constant 0 : i32
      %gather3A_844 = arith.constant 0 : i32
      %gather3A_845 = arith.constant 0 : i32
      %gather3A_846 = arith.constant 0 : i32
      %gather3A_847 = tpu.memref_slice %arg6[%gather3A_843, %gather3A_844, %gather3A_845, %gather3A_846] : memref<2x16x16x128xf32, #tpu.memory_space<vmem>> -> memref<1x16x16x128xf32, #tpu.memory_space<vmem>>
      %gather3A_848 = tpu.memref_squeeze %gather3A_847 : memref<1x16x16x128xf32, #tpu.memory_space<vmem>> -> memref<16x16x128xf32, #tpu.memory_space<vmem>>
      %gather3A_849 = tpu.vector_load_idx %gather3A_848[%iota3A, %broadcast_in_dim3A_842, %and3A_829] : memref<16x16x128xf32, #tpu.memory_space<vmem>>[vector<16xi32>, vector<16xi32>, vector<16xi32>], vector<16xf32>,
      tpu.vector_store_idx %arg7[%broadcast_in_dim3A_842, %add3A_833], %gather3A_849 : memref<16x512xf32, #tpu.memory_space<vmem>>[vector<16xi32>, vector<16xi32>], vector<16xf32>,
      %broadcast_in_dim3A_850 = arith.constant 2 : i32
      %broadcast_in_dim3A_851 = vector.broadcast %broadcast_in_dim3A_850 : i32 to vector<16xi32>
      %gather3A_852 = arith.constant 0 : i32
      %gather3A_853 = arith.constant 0 : i32
      %gather3A_854 = arith.constant 0 : i32
      %gather3A_855 = arith.constant 0 : i32
      %gather3A_856 = tpu.memref_slice %arg6[%gather3A_852, %gather3A_853, %gather3A_854, %gather3A_855] : memref<2x16x16x128xf32, #tpu.memory_space<vmem>> -> memref<1x16x16x128xf32, #tpu.memory_space<vmem>>
      %gather3A_857 = tpu.memref_squeeze %gather3A_856 : memref<1x16x16x128xf32, #tpu.memory_space<vmem>> -> memref<16x16x128xf32, #tpu.memory_space<vmem>>
      %gather3A_858 = tpu.vector_load_idx %gather3A_857[%iota3A, %broadcast_in_dim3A_851, %and3A_829] : memref<16x16x128xf32, #tpu.memory_space<vmem>>[vector<16xi32>, vector<16xi32>, vector<16xi32>], vector<16xf32>,
      tpu.vector_store_idx %arg7[%broadcast_in_dim3A_851, %add3A_833], %gather3A_858 : memref<16x512xf32, #tpu.memory_space<vmem>>[vector<16xi32>, vector<16xi32>], vector<16xf32>,
      %broadcast_in_dim3A_859 = arith.constant 3 : i32
      %broadcast_in_dim3A_860 = vector.broadcast %broadcast_in_dim3A_859 : i32 to vector<16xi32>
      %gather3A_861 = arith.constant 0 : i32
      %gather3A_862 = arith.constant 0 : i32
      %gather3A_863 = arith.constant 0 : i32
      %gather3A_864 = arith.constant 0 : i32
      %gather3A_865 = tpu.memref_slice %arg6[%gather3A_861, %gather3A_862, %gather3A_863, %gather3A_864] : memref<2x16x16x128xf32, #tpu.memory_space<vmem>> -> memref<1x16x16x128xf32, #tpu.memory_space<vmem>>
      %gather3A_866 = tpu.memref_squeeze %gather3A_865 : memref<1x16x16x128xf32, #tpu.memory_space<vmem>> -> memref<16x16x128xf32, #tpu.memory_space<vmem>>
      %gather3A_867 = tpu.vector_load_idx %gather3A_866[%iota3A, %broadcast_in_dim3A_860, %and3A_829] : memref<16x16x128xf32, #tpu.memory_space<vmem>>[vector<16xi32>, vector<16xi32>, vector<16xi32>], vector<16xf32>,
      tpu.vector_store_idx %arg7[%broadcast_in_dim3A_860, %add3A_833], %gather3A_867 : memref<16x512xf32, #tpu.memory_space<vmem>>[vector<16xi32>, vector<16xi32>], vector<16xf32>,
      %broadcast_in_dim3A_868 = arith.constant 4 : i32
      %broadcast_in_dim3A_869 = vector.broadcast %broadcast_in_dim3A_868 : i32 to vector<16xi32>
      %gather3A_870 = arith.constant 0 : i32
      %gather3A_871 = arith.constant 0 : i32
      %gather3A_872 = arith.constant 0 : i32
      %gather3A_873 = arith.constant 0 : i32
      %gather3A_874 = tpu.memref_slice %arg6[%gather3A_870, %gather3A_871, %gather3A_872, %gather3A_873] : memref<2x16x16x128xf32, #tpu.memory_space<vmem>> -> memref<1x16x16x128xf32, #tpu.memory_space<vmem>>
      %gather3A_875 = tpu.memref_squeeze %gather3A_874 : memref<1x16x16x128xf32, #tpu.memory_space<vmem>> -> memref<16x16x128xf32, #tpu.memory_space<vmem>>
      %gather3A_876 = tpu.vector_load_idx %gather3A_875[%iota3A, %broadcast_in_dim3A_869, %and3A_829] : memref<16x16x128xf32, #tpu.memory_space<vmem>>[vector<16xi32>, vector<16xi32>, vector<16xi32>], vector<16xf32>,
      tpu.vector_store_idx %arg7[%broadcast_in_dim3A_869, %add3A_833], %gather3A_876 : memref<16x512xf32, #tpu.memory_space<vmem>>[vector<16xi32>, vector<16xi32>], vector<16xf32>,
      %broadcast_in_dim3A_877 = arith.constant 5 : i32
      %broadcast_in_dim3A_878 = vector.broadcast %broadcast_in_dim3A_877 : i32 to vector<16xi32>
      %gather3A_879 = arith.constant 0 : i32
      %gather3A_880 = arith.constant 0 : i32
      %gather3A_881 = arith.constant 0 : i32
      %gather3A_882 = arith.constant 0 : i32
      %gather3A_883 = tpu.memref_slice %arg6[%gather3A_879, %gather3A_880, %gather3A_881, %gather3A_882] : memref<2x16x16x128xf32, #tpu.memory_space<vmem>> -> memref<1x16x16x128xf32, #tpu.memory_space<vmem>>
      %gather3A_884 = tpu.memref_squeeze %gather3A_883 : memref<1x16x16x128xf32, #tpu.memory_space<vmem>> -> memref<16x16x128xf32, #tpu.memory_space<vmem>>
      %gather3A_885 = tpu.vector_load_idx %gather3A_884[%iota3A, %broadcast_in_dim3A_878, %and3A_829] : memref<16x16x128xf32, #tpu.memory_space<vmem>>[vector<16xi32>, vector<16xi32>, vector<16xi32>], vector<16xf32>,
      tpu.vector_store_idx %arg7[%broadcast_in_dim3A_878, %add3A_833], %gather3A_885 : memref<16x512xf32, #tpu.memory_space<vmem>>[vector<16xi32>, vector<16xi32>], vector<16xf32>,
      %broadcast_in_dim3A_886 = arith.constant 6 : i32
      %broadcast_in_dim3A_887 = vector.broadcast %broadcast_in_dim3A_886 : i32 to vector<16xi32>
      %gather3A_888 = arith.constant 0 : i32
      %gather3A_889 = arith.constant 0 : i32
      %gather3A_890 = arith.constant 0 : i32
      %gather3A_891 = arith.constant 0 : i32
      %gather3A_892 = tpu.memref_slice %arg6[%gather3A_888, %gather3A_889, %gather3A_890, %gather3A_891] : memref<2x16x16x128xf32, #tpu.memory_space<vmem>> -> memref<1x16x16x128xf32, #tpu.memory_space<vmem>>
      %gather3A_893 = tpu.memref_squeeze %gather3A_892 : memref<1x16x16x128xf32, #tpu.memory_space<vmem>> -> memref<16x16x128xf32, #tpu.memory_space<vmem>>
      %gather3A_894 = tpu.vector_load_idx %gather3A_893[%iota3A, %broadcast_in_dim3A_887, %and3A_829] : memref<16x16x128xf32, #tpu.memory_space<vmem>>[vector<16xi32>, vector<16xi32>, vector<16xi32>], vector<16xf32>,
      tpu.vector_store_idx %arg7[%broadcast_in_dim3A_887, %add3A_833], %gather3A_894 : memref<16x512xf32, #tpu.memory_space<vmem>>[vector<16xi32>, vector<16xi32>], vector<16xf32>,
      %broadcast_in_dim3A_895 = arith.constant 7 : i32
      %broadcast_in_dim3A_896 = vector.broadcast %broadcast_in_dim3A_895 : i32 to vector<16xi32>
      %gather3A_897 = arith.constant 0 : i32
      %gather3A_898 = arith.constant 0 : i32
      %gather3A_899 = arith.constant 0 : i32
      %gather3A_900 = arith.constant 0 : i32
      %gather3A_901 = tpu.memref_slice %arg6[%gather3A_897, %gather3A_898, %gather3A_899, %gather3A_900] : memref<2x16x16x128xf32, #tpu.memory_space<vmem>> -> memref<1x16x16x128xf32, #tpu.memory_space<vmem>>
      %gather3A_902 = tpu.memref_squeeze %gather3A_901 : memref<1x16x16x128xf32, #tpu.memory_space<vmem>> -> memref<16x16x128xf32, #tpu.memory_space<vmem>>
      %gather3A_903 = tpu.vector_load_idx %gather3A_902[%iota3A, %broadcast_in_dim3A_896, %and3A_829] : memref<16x16x128xf32, #tpu.memory_space<vmem>>[vector<16xi32>, vector<16xi32>, vector<16xi32>], vector<16xf32>,
      tpu.vector_store_idx %arg7[%broadcast_in_dim3A_896, %add3A_833], %gather3A_903 : memref<16x512xf32, #tpu.memory_space<vmem>>[vector<16xi32>, vector<16xi32>], vector<16xf32>,
      %broadcast_in_dim3A_904 = arith.constant 8 : i32
      %broadcast_in_dim3A_905 = vector.broadcast %broadcast_in_dim3A_904 : i32 to vector<16xi32>
      %gather3A_906 = arith.constant 0 : i32
      %gather3A_907 = arith.constant 0 : i32
      %gather3A_908 = arith.constant 0 : i32
      %gather3A_909 = arith.constant 0 : i32
      %gather3A_910 = tpu.memref_slice %arg6[%gather3A_906, %gather3A_907, %gather3A_908, %gather3A_909] : memref<2x16x16x128xf32, #tpu.memory_space<vmem>> -> memref<1x16x16x128xf32, #tpu.memory_space<vmem>>
      %gather3A_911 = tpu.memref_squeeze %gather3A_910 : memref<1x16x16x128xf32, #tpu.memory_space<vmem>> -> memref<16x16x128xf32, #tpu.memory_space<vmem>>
      %gather3A_912 = tpu.vector_load_idx %gather3A_911[%iota3A, %broadcast_in_dim3A_905, %and3A_829] : memref<16x16x128xf32, #tpu.memory_space<vmem>>[vector<16xi32>, vector<16xi32>, vector<16xi32>], vector<16xf32>,
      tpu.vector_store_idx %arg7[%broadcast_in_dim3A_905, %add3A_833], %gather3A_912 : memref<16x512xf32, #tpu.memory_space<vmem>>[vector<16xi32>, vector<16xi32>], vector<16xf32>,
      %broadcast_in_dim3A_913 = arith.constant 9 : i32
      %broadcast_in_dim3A_914 = vector.broadcast %broadcast_in_dim3A_913 : i32 to vector<16xi32>
      %gather3A_915 = arith.constant 0 : i32
      %gather3A_916 = arith.constant 0 : i32
      %gather3A_917 = arith.constant 0 : i32
      %gather3A_918 = arith.constant 0 : i32
      %gather3A_919 = tpu.memref_slice %arg6[%gather3A_915, %gather3A_916, %gather3A_917, %gather3A_918] : memref<2x16x16x128xf32, #tpu.memory_space<vmem>> -> memref<1x16x16x128xf32, #tpu.memory_space<vmem>>
      %gather3A_920 = tpu.memref_squeeze %gather3A_919 : memref<1x16x16x128xf32, #tpu.memory_space<vmem>> -> memref<16x16x128xf32, #tpu.memory_space<vmem>>
      %gather3A_921 = tpu.vector_load_idx %gather3A_920[%iota3A, %broadcast_in_dim3A_914, %and3A_829] : memref<16x16x128xf32, #tpu.memory_space<vmem>>[vector<16xi32>, vector<16xi32>, vector<16xi32>], vector<16xf32>,
      tpu.vector_store_idx %arg7[%broadcast_in_dim3A_914, %add3A_833], %gather3A_921 : memref<16x512xf32, #tpu.memory_space<vmem>>[vector<16xi32>, vector<16xi32>], vector<16xf32>,
      %broadcast_in_dim3A_922 = arith.constant 10 : i32
      %broadcast_in_dim3A_923 = vector.broadcast %broadcast_in_dim3A_922 : i32 to vector<16xi32>
      %gather3A_924 = arith.constant 0 : i32
      %gather3A_925 = arith.constant 0 : i32
      %gather3A_926 = arith.constant 0 : i32
      %gather3A_927 = arith.constant 0 : i32
      %gather3A_928 = tpu.memref_slice %arg6[%gather3A_924, %gather3A_925, %gather3A_926, %gather3A_927] : memref<2x16x16x128xf32, #tpu.memory_space<vmem>> -> memref<1x16x16x128xf32, #tpu.memory_space<vmem>>
      %gather3A_929 = tpu.memref_squeeze %gather3A_928 : memref<1x16x16x128xf32, #tpu.memory_space<vmem>> -> memref<16x16x128xf32, #tpu.memory_space<vmem>>
      %gather3A_930 = tpu.vector_load_idx %gather3A_929[%iota3A, %broadcast_in_dim3A_923, %and3A_829] : memref<16x16x128xf32, #tpu.memory_space<vmem>>[vector<16xi32>, vector<16xi32>, vector<16xi32>], vector<16xf32>,
      tpu.vector_store_idx %arg7[%broadcast_in_dim3A_923, %add3A_833], %gather3A_930 : memref<16x512xf32, #tpu.memory_space<vmem>>[vector<16xi32>, vector<16xi32>], vector<16xf32>,
      %broadcast_in_dim3A_931 = arith.constant 11 : i32
      %broadcast_in_dim3A_932 = vector.broadcast %broadcast_in_dim3A_931 : i32 to vector<16xi32>
      %gather3A_933 = arith.constant 0 : i32
      %gather3A_934 = arith.constant 0 : i32
      %gather3A_935 = arith.constant 0 : i32
      %gather3A_936 = arith.constant 0 : i32
      %gather3A_937 = tpu.memref_slice %arg6[%gather3A_933, %gather3A_934, %gather3A_935, %gather3A_936] : memref<2x16x16x128xf32, #tpu.memory_space<vmem>> -> memref<1x16x16x128xf32, #tpu.memory_space<vmem>>
      %gather3A_938 = tpu.memref_squeeze %gather3A_937 : memref<1x16x16x128xf32, #tpu.memory_space<vmem>> -> memref<16x16x128xf32, #tpu.memory_space<vmem>>
      %gather3A_939 = tpu.vector_load_idx %gather3A_938[%iota3A, %broadcast_in_dim3A_932, %and3A_829] : memref<16x16x128xf32, #tpu.memory_space<vmem>>[vector<16xi32>, vector<16xi32>, vector<16xi32>], vector<16xf32>,
      tpu.vector_store_idx %arg7[%broadcast_in_dim3A_932, %add3A_833], %gather3A_939 : memref<16x512xf32, #tpu.memory_space<vmem>>[vector<16xi32>, vector<16xi32>], vector<16xf32>,
      %broadcast_in_dim3A_940 = arith.constant 12 : i32
      %broadcast_in_dim3A_941 = vector.broadcast %broadcast_in_dim3A_940 : i32 to vector<16xi32>
      %gather3A_942 = arith.constant 0 : i32
      %gather3A_943 = arith.constant 0 : i32
      %gather3A_944 = arith.constant 0 : i32
      %gather3A_945 = arith.constant 0 : i32
      %gather3A_946 = tpu.memref_slice %arg6[%gather3A_942, %gather3A_943, %gather3A_944, %gather3A_945] : memref<2x16x16x128xf32, #tpu.memory_space<vmem>> -> memref<1x16x16x128xf32, #tpu.memory_space<vmem>>
      %gather3A_947 = tpu.memref_squeeze %gather3A_946 : memref<1x16x16x128xf32, #tpu.memory_space<vmem>> -> memref<16x16x128xf32, #tpu.memory_space<vmem>>
      %gather3A_948 = tpu.vector_load_idx %gather3A_947[%iota3A, %broadcast_in_dim3A_941, %and3A_829] : memref<16x16x128xf32, #tpu.memory_space<vmem>>[vector<16xi32>, vector<16xi32>, vector<16xi32>], vector<16xf32>,
      tpu.vector_store_idx %arg7[%broadcast_in_dim3A_941, %add3A_833], %gather3A_948 : memref<16x512xf32, #tpu.memory_space<vmem>>[vector<16xi32>, vector<16xi32>], vector<16xf32>,
      %broadcast_in_dim3A_949 = arith.constant 13 : i32
      %broadcast_in_dim3A_950 = vector.broadcast %broadcast_in_dim3A_949 : i32 to vector<16xi32>
      %gather3A_951 = arith.constant 0 : i32
      %gather3A_952 = arith.constant 0 : i32
      %gather3A_953 = arith.constant 0 : i32
      %gather3A_954 = arith.constant 0 : i32
      %gather3A_955 = tpu.memref_slice %arg6[%gather3A_951, %gather3A_952, %gather3A_953, %gather3A_954] : memref<2x16x16x128xf32, #tpu.memory_space<vmem>> -> memref<1x16x16x128xf32, #tpu.memory_space<vmem>>
      %gather3A_956 = tpu.memref_squeeze %gather3A_955 : memref<1x16x16x128xf32, #tpu.memory_space<vmem>> -> memref<16x16x128xf32, #tpu.memory_space<vmem>>
      %gather3A_957 = tpu.vector_load_idx %gather3A_956[%iota3A, %broadcast_in_dim3A_950, %and3A_829] : memref<16x16x128xf32, #tpu.memory_space<vmem>>[vector<16xi32>, vector<16xi32>, vector<16xi32>], vector<16xf32>,
      tpu.vector_store_idx %arg7[%broadcast_in_dim3A_950, %add3A_833], %gather3A_957 : memref<16x512xf32, #tpu.memory_space<vmem>>[vector<16xi32>, vector<16xi32>], vector<16xf32>,
      %broadcast_in_dim3A_958 = arith.constant 14 : i32
      %broadcast_in_dim3A_959 = vector.broadcast %broadcast_in_dim3A_958 : i32 to vector<16xi32>
      %gather3A_960 = arith.constant 0 : i32
      %gather3A_961 = arith.constant 0 : i32
      %gather3A_962 = arith.constant 0 : i32
      %gather3A_963 = arith.constant 0 : i32
      %gather3A_964 = tpu.memref_slice %arg6[%gather3A_960, %gather3A_961, %gather3A_962, %gather3A_963] : memref<2x16x16x128xf32, #tpu.memory_space<vmem>> -> memref<1x16x16x128xf32, #tpu.memory_space<vmem>>
      %gather3A_965 = tpu.memref_squeeze %gather3A_964 : memref<1x16x16x128xf32, #tpu.memory_space<vmem>> -> memref<16x16x128xf32, #tpu.memory_space<vmem>>
      %gather3A_966 = tpu.vector_load_idx %gather3A_965[%iota3A, %broadcast_in_dim3A_959, %and3A_829] : memref<16x16x128xf32, #tpu.memory_space<vmem>>[vector<16xi32>, vector<16xi32>, vector<16xi32>], vector<16xf32>,
      tpu.vector_store_idx %arg7[%broadcast_in_dim3A_959, %add3A_833], %gather3A_966 : memref<16x512xf32, #tpu.memory_space<vmem>>[vector<16xi32>, vector<16xi32>], vector<16xf32>,
      %broadcast_in_dim3A_967 = arith.constant 15 : i32
      %broadcast_in_dim3A_968 = vector.broadcast %broadcast_in_dim3A_967 : i32 to vector<16xi32>
      %gather3A_969 = arith.constant 0 : i32
      %gather3A_970 = arith.constant 0 : i32
      %gather3A_971 = arith.constant 0 : i32
      %gather3A_972 = arith.constant 0 : i32
      %gather3A_973 = tpu.memref_slice %arg6[%gather3A_969, %gather3A_970, %gather3A_971, %gather3A_972] : memref<2x16x16x128xf32, #tpu.memory_space<vmem>> -> memref<1x16x16x128xf32, #tpu.memory_space<vmem>>
      %gather3A_974 = tpu.memref_squeeze %gather3A_973 : memref<1x16x16x128xf32, #tpu.memory_space<vmem>> -> memref<16x16x128xf32, #tpu.memory_space<vmem>>
      %gather3A_975 = tpu.vector_load_idx %gather3A_974[%iota3A, %broadcast_in_dim3A_968, %and3A_829] : memref<16x16x128xf32, #tpu.memory_space<vmem>>[vector<16xi32>, vector<16xi32>, vector<16xi32>], vector<16xf32>,
      tpu.vector_store_idx %arg7[%broadcast_in_dim3A_968, %add3A_833], %gather3A_975 : memref<16x512xf32, #tpu.memory_space<vmem>>[vector<16xi32>, vector<16xi32>], vector<16xf32>,
      %add3A_976 = arith.constant 2 : i32
      %add3A_977 = arith.addi %mul3A_284, %add3A_976 : i32
      %lt3A = arith.constant 32 : i32
      %lt3A_978 = arith.cmpi slt, %add3A_977, %lt3A : i32
      %convert_element_type3A = arith.extui %lt3A_978 : i1 to i32
      %cond3A = arith.constant 0 : i32
      %cond3A_979 = arith.cmpi ne, %convert_element_type3A, %cond3A : i32
      scf.if %cond3A_979 {
        %add3A_1393 = arith.constant 2 : i32
        %add3A_1394 = arith.addi %mul3A_284, %add3A_1393 : i32
        %mul3A_1395 = arith.constant 16 : i32
        %mul3A_1396 = arith.muli %add3A_1394, %mul3A_1395 : i32
        %get3A_1397 = arith.index_cast %mul3A_1396 : i32 to index
        %get3A_1398 = tpu.vector_load %arg5[%get3A_1397] {strides = array<i32>} : memref<512xi32, #tpu.memory_space<vmem>>, vector<16xi32>,
        %shift_right_logical3A_1399 = arith.constant 7 : i32
        %shift_right_logical3A_1400 = vector.broadcast %shift_right_logical3A_1399 : i32 to vector<16xi32>
        %shift_right_logical3A_1401 = arith.shrui %get3A_1398, %shift_right_logical3A_1400 : vector<16xi32>
        %mul3A_1402 = arith.constant 128 : i32
        %mul3A_1403 = vector.broadcast %mul3A_1402 : i32 to vector<16xi32>
        %mul3A_1404 = arith.muli %shift_right_logical3A_1401, %mul3A_1403 : vector<16xi32>
        %slice3A_1405 = vector.extract_strided_slice %mul3A_1404 {offsets = [0], sizes = [1], strides = [1]} : vector<16xi32> to vector<1xi32>
        %squeeze3A_1406 = vector.extract %slice3A_1405[0] : i32 from vector<1xi32>
        %multiple_of3A_1407 = tpu.assume_multiple %squeeze3A_1406, 128 : i32
        %dma_start3A_1408 = arith.constant 0 : i32
        %dma_start3A_1409 = arith.constant 0 : i32
        %dma_start3A_1410 = arith.constant 0 : i32
        %dma_start3A_1411 = arith.constant 0 : i32
        %dma_start3A_1412 = tpu.memref_slice %arg6[%dma_start3A_1408, %dma_start3A_1409, %dma_start3A_1410, %dma_start3A_1411] : memref<2x16x16x128xf32, #tpu.memory_space<vmem>> -> memref<1x1x16x128xf32, #tpu.memory_space<vmem>>
        %dma_start3A_1413 = tpu.memref_squeeze %dma_start3A_1412 : memref<1x1x16x128xf32, #tpu.memory_space<vmem>> -> memref<16x128xf32, #tpu.memory_space<vmem>>
        %dma_start3A_1414 = arith.constant 0 : i32
        %dma_start3A_1415 = tpu.memref_slice %arg3[%dma_start3A_1414, %multiple_of3A_1407] : memref<16x1000000xf32, #tpu.memory_space<hbm>> -> memref<16x128xf32, #tpu.memory_space<hbm>>
        %dma_start3A_1416 = arith.constant 0 : i32
        %dma_start3A_1417 = arith.constant 0 : i32
        %dma_start3A_1418 = tpu.memref_slice %arg6[%dma_start3A_1408, %dma_start3A_1409, %dma_start3A_1416, %dma_start3A_1417] : memref<2x16x16x128xf32, #tpu.memory_space<vmem>> -> memref<1x1x16x128xf32, #tpu.memory_space<vmem>>
        %dma_start3A_1419 = tpu.memref_squeeze %dma_start3A_1418 : memref<1x1x16x128xf32, #tpu.memory_space<vmem>> -> memref<16x128xf32, #tpu.memory_space<vmem>>
        %dma_start3A_1420 = arith.constant 0 : i32
        %dma_start3A_1421 = tpu.memref_slice %arg3[%dma_start3A_1420, %multiple_of3A_1407] : memref<16x1000000xf32, #tpu.memory_space<hbm>> -> memref<16x128xf32, #tpu.memory_space<hbm>>
        tpu.enqueue_dma source(%dma_start3A_1421 : memref<16x128xf32, #tpu.memory_space<hbm>>) target(%dma_start3A_1419 : memref<16x128xf32, #tpu.memory_space<vmem>>) target_semaphore(%arg8 : memref<!tpu.dma_semaphore, #tpu.memory_space<semaphore_mem>>)
        %slice3A_1422 = vector.extract_strided_slice %mul3A_1404 {offsets = [1], sizes = [1], strides = [1]} : vector<16xi32> to vector<1xi32>
        %squeeze3A_1423 = vector.extract %slice3A_1422[0] : i32 from vector<1xi32>
        %multiple_of3A_1424 = tpu.assume_multiple %squeeze3A_1423, 128 : i32
        %dma_start3A_1425 = arith.constant 0 : i32
        %dma_start3A_1426 = arith.constant 1 : i32
        %dma_start3A_1427 = arith.constant 0 : i32
        %dma_start3A_1428 = arith.constant 0 : i32
        %dma_start3A_1429 = tpu.memref_slice %arg6[%dma_start3A_1425, %dma_start3A_1426, %dma_start3A_1427, %dma_start3A_1428] : memref<2x16x16x128xf32, #tpu.memory_space<vmem>> -> memref<1x1x16x128xf32, #tpu.memory_space<vmem>>
        %dma_start3A_1430 = tpu.memref_squeeze %dma_start3A_1429 : memref<1x1x16x128xf32, #tpu.memory_space<vmem>> -> memref<16x128xf32, #tpu.memory_space<vmem>>
        %dma_start3A_1431 = arith.constant 0 : i32
        %dma_start3A_1432 = tpu.memref_slice %arg3[%dma_start3A_1431, %multiple_of3A_1424] : memref<16x1000000xf32, #tpu.memory_space<hbm>> -> memref<16x128xf32, #tpu.memory_space<hbm>>
        %dma_start3A_1433 = arith.constant 0 : i32
        %dma_start3A_1434 = arith.constant 0 : i32
        %dma_start3A_1435 = tpu.memref_slice %arg6[%dma_start3A_1425, %dma_start3A_1426, %dma_start3A_1433, %dma_start3A_1434] : memref<2x16x16x128xf32, #tpu.memory_space<vmem>> -> memref<1x1x16x128xf32, #tpu.memory_space<vmem>>
        %dma_start3A_1436 = tpu.memref_squeeze %dma_start3A_1435 : memref<1x1x16x128xf32, #tpu.memory_space<vmem>> -> memref<16x128xf32, #tpu.memory_space<vmem>>
        %dma_start3A_1437 = arith.constant 0 : i32
        %dma_start3A_1438 = tpu.memref_slice %arg3[%dma_start3A_1437, %multiple_of3A_1424] : memref<16x1000000xf32, #tpu.memory_space<hbm>> -> memref<16x128xf32, #tpu.memory_space<hbm>>
        tpu.enqueue_dma source(%dma_start3A_1438 : memref<16x128xf32, #tpu.memory_space<hbm>>) target(%dma_start3A_1436 : memref<16x128xf32, #tpu.memory_space<vmem>>) target_semaphore(%arg8 : memref<!tpu.dma_semaphore, #tpu.memory_space<semaphore_mem>>)
        %slice3A_1439 = vector.extract_strided_slice %mul3A_1404 {offsets = [2], sizes = [1], strides = [1]} : vector<16xi32> to vector<1xi32>
        %squeeze3A_1440 = vector.extract %slice3A_1439[0] : i32 from vector<1xi32>
        %multiple_of3A_1441 = tpu.assume_multiple %squeeze3A_1440, 128 : i32
        %dma_start3A_1442 = arith.constant 0 : i32
        %dma_start3A_1443 = arith.constant 2 : i32
        %dma_start3A_1444 = arith.constant 0 : i32
        %dma_start3A_1445 = arith.constant 0 : i32
        %dma_start3A_1446 = tpu.memref_slice %arg6[%dma_start3A_1442, %dma_start3A_1443, %dma_start3A_1444, %dma_start3A_1445] : memref<2x16x16x128xf32, #tpu.memory_space<vmem>> -> memref<1x1x16x128xf32, #tpu.memory_space<vmem>>
        %dma_start3A_1447 = tpu.memref_squeeze %dma_start3A_1446 : memref<1x1x16x128xf32, #tpu.memory_space<vmem>> -> memref<16x128xf32, #tpu.memory_space<vmem>>
        %dma_start3A_1448 = arith.constant 0 : i32
        %dma_start3A_1449 = tpu.memref_slice %arg3[%dma_start3A_1448, %multiple_of3A_1441] : memref<16x1000000xf32, #tpu.memory_space<hbm>> -> memref<16x128xf32, #tpu.memory_space<hbm>>
        %dma_start3A_1450 = arith.constant 0 : i32
        %dma_start3A_1451 = arith.constant 0 : i32
        %dma_start3A_1452 = tpu.memref_slice %arg6[%dma_start3A_1442, %dma_start3A_1443, %dma_start3A_1450, %dma_start3A_1451] : memref<2x16x16x128xf32, #tpu.memory_space<vmem>> -> memref<1x1x16x128xf32, #tpu.memory_space<vmem>>
        %dma_start3A_1453 = tpu.memref_squeeze %dma_start3A_1452 : memref<1x1x16x128xf32, #tpu.memory_space<vmem>> -> memref<16x128xf32, #tpu.memory_space<vmem>>
        %dma_start3A_1454 = arith.constant 0 : i32
        %dma_start3A_1455 = tpu.memref_slice %arg3[%dma_start3A_1454, %multiple_of3A_1441] : memref<16x1000000xf32, #tpu.memory_space<hbm>> -> memref<16x128xf32, #tpu.memory_space<hbm>>
        tpu.enqueue_dma source(%dma_start3A_1455 : memref<16x128xf32, #tpu.memory_space<hbm>>) target(%dma_start3A_1453 : memref<16x128xf32, #tpu.memory_space<vmem>>) target_semaphore(%arg8 : memref<!tpu.dma_semaphore, #tpu.memory_space<semaphore_mem>>)
        %slice3A_1456 = vector.extract_strided_slice %mul3A_1404 {offsets = [3], sizes = [1], strides = [1]} : vector<16xi32> to vector<1xi32>
        %squeeze3A_1457 = vector.extract %slice3A_1456[0] : i32 from vector<1xi32>
        %multiple_of3A_1458 = tpu.assume_multiple %squeeze3A_1457, 128 : i32
        %dma_start3A_1459 = arith.constant 0 : i32
        %dma_start3A_1460 = arith.constant 3 : i32
        %dma_start3A_1461 = arith.constant 0 : i32
        %dma_start3A_1462 = arith.constant 0 : i32
        %dma_start3A_1463 = tpu.memref_slice %arg6[%dma_start3A_1459, %dma_start3A_1460, %dma_start3A_1461, %dma_start3A_1462] : memref<2x16x16x128xf32, #tpu.memory_space<vmem>> -> memref<1x1x16x128xf32, #tpu.memory_space<vmem>>
        %dma_start3A_1464 = tpu.memref_squeeze %dma_start3A_1463 : memref<1x1x16x128xf32, #tpu.memory_space<vmem>> -> memref<16x128xf32, #tpu.memory_space<vmem>>
        %dma_start3A_1465 = arith.constant 0 : i32
        %dma_start3A_1466 = tpu.memref_slice %arg3[%dma_start3A_1465, %multiple_of3A_1458] : memref<16x1000000xf32, #tpu.memory_space<hbm>> -> memref<16x128xf32, #tpu.memory_space<hbm>>
        %dma_start3A_1467 = arith.constant 0 : i32
        %dma_start3A_1468 = arith.constant 0 : i32
        %dma_start3A_1469 = tpu.memref_slice %arg6[%dma_start3A_1459, %dma_start3A_1460, %dma_start3A_1467, %dma_start3A_1468] : memref<2x16x16x128xf32, #tpu.memory_space<vmem>> -> memref<1x1x16x128xf32, #tpu.memory_space<vmem>>
        %dma_start3A_1470 = tpu.memref_squeeze %dma_start3A_1469 : memref<1x1x16x128xf32, #tpu.memory_space<vmem>> -> memref<16x128xf32, #tpu.memory_space<vmem>>
        %dma_start3A_1471 = arith.constant 0 : i32
        %dma_start3A_1472 = tpu.memref_slice %arg3[%dma_start3A_1471, %multiple_of3A_1458] : memref<16x1000000xf32, #tpu.memory_space<hbm>> -> memref<16x128xf32, #tpu.memory_space<hbm>>
        tpu.enqueue_dma source(%dma_start3A_1472 : memref<16x128xf32, #tpu.memory_space<hbm>>) target(%dma_start3A_1470 : memref<16x128xf32, #tpu.memory_space<vmem>>) target_semaphore(%arg8 : memref<!tpu.dma_semaphore, #tpu.memory_space<semaphore_mem>>)
        %slice3A_1473 = vector.extract_strided_slice %mul3A_1404 {offsets = [4], sizes = [1], strides = [1]} : vector<16xi32> to vector<1xi32>
        %squeeze3A_1474 = vector.extract %slice3A_1473[0] : i32 from vector<1xi32>
        %multiple_of3A_1475 = tpu.assume_multiple %squeeze3A_1474, 128 : i32
        %dma_start3A_1476 = arith.constant 0 : i32
        %dma_start3A_1477 = arith.constant 4 : i32
        %dma_start3A_1478 = arith.constant 0 : i32
        %dma_start3A_1479 = arith.constant 0 : i32
        %dma_start3A_1480 = tpu.memref_slice %arg6[%dma_start3A_1476, %dma_start3A_1477, %dma_start3A_1478, %dma_start3A_1479] : memref<2x16x16x128xf32, #tpu.memory_space<vmem>> -> memref<1x1x16x128xf32, #tpu.memory_space<vmem>>
        %dma_start3A_1481 = tpu.memref_squeeze %dma_start3A_1480 : memref<1x1x16x128xf32, #tpu.memory_space<vmem>> -> memref<16x128xf32, #tpu.memory_space<vmem>>
        %dma_start3A_1482 = arith.constant 0 : i32
        %dma_start3A_1483 = tpu.memref_slice %arg3[%dma_start3A_1482, %multiple_of3A_1475] : memref<16x1000000xf32, #tpu.memory_space<hbm>> -> memref<16x128xf32, #tpu.memory_space<hbm>>
        %dma_start3A_1484 = arith.constant 0 : i32
        %dma_start3A_1485 = arith.constant 0 : i32
        %dma_start3A_1486 = tpu.memref_slice %arg6[%dma_start3A_1476, %dma_start3A_1477, %dma_start3A_1484, %dma_start3A_1485] : memref<2x16x16x128xf32, #tpu.memory_space<vmem>> -> memref<1x1x16x128xf32, #tpu.memory_space<vmem>>
        %dma_start3A_1487 = tpu.memref_squeeze %dma_start3A_1486 : memref<1x1x16x128xf32, #tpu.memory_space<vmem>> -> memref<16x128xf32, #tpu.memory_space<vmem>>
        %dma_start3A_1488 = arith.constant 0 : i32
        %dma_start3A_1489 = tpu.memref_slice %arg3[%dma_start3A_1488, %multiple_of3A_1475] : memref<16x1000000xf32, #tpu.memory_space<hbm>> -> memref<16x128xf32, #tpu.memory_space<hbm>>
        tpu.enqueue_dma source(%dma_start3A_1489 : memref<16x128xf32, #tpu.memory_space<hbm>>) target(%dma_start3A_1487 : memref<16x128xf32, #tpu.memory_space<vmem>>) target_semaphore(%arg8 : memref<!tpu.dma_semaphore, #tpu.memory_space<semaphore_mem>>)
        %slice3A_1490 = vector.extract_strided_slice %mul3A_1404 {offsets = [5], sizes = [1], strides = [1]} : vector<16xi32> to vector<1xi32>
        %squeeze3A_1491 = vector.extract %slice3A_1490[0] : i32 from vector<1xi32>
        %multiple_of3A_1492 = tpu.assume_multiple %squeeze3A_1491, 128 : i32
        %dma_start3A_1493 = arith.constant 0 : i32
        %dma_start3A_1494 = arith.constant 5 : i32
        %dma_start3A_1495 = arith.constant 0 : i32
        %dma_start3A_1496 = arith.constant 0 : i32
        %dma_start3A_1497 = tpu.memref_slice %arg6[%dma_start3A_1493, %dma_start3A_1494, %dma_start3A_1495, %dma_start3A_1496] : memref<2x16x16x128xf32, #tpu.memory_space<vmem>> -> memref<1x1x16x128xf32, #tpu.memory_space<vmem>>
        %dma_start3A_1498 = tpu.memref_squeeze %dma_start3A_1497 : memref<1x1x16x128xf32, #tpu.memory_space<vmem>> -> memref<16x128xf32, #tpu.memory_space<vmem>>
        %dma_start3A_1499 = arith.constant 0 : i32
        %dma_start3A_1500 = tpu.memref_slice %arg3[%dma_start3A_1499, %multiple_of3A_1492] : memref<16x1000000xf32, #tpu.memory_space<hbm>> -> memref<16x128xf32, #tpu.memory_space<hbm>>
        %dma_start3A_1501 = arith.constant 0 : i32
        %dma_start3A_1502 = arith.constant 0 : i32
        %dma_start3A_1503 = tpu.memref_slice %arg6[%dma_start3A_1493, %dma_start3A_1494, %dma_start3A_1501, %dma_start3A_1502] : memref<2x16x16x128xf32, #tpu.memory_space<vmem>> -> memref<1x1x16x128xf32, #tpu.memory_space<vmem>>
        %dma_start3A_1504 = tpu.memref_squeeze %dma_start3A_1503 : memref<1x1x16x128xf32, #tpu.memory_space<vmem>> -> memref<16x128xf32, #tpu.memory_space<vmem>>
        %dma_start3A_1505 = arith.constant 0 : i32
        %dma_start3A_1506 = tpu.memref_slice %arg3[%dma_start3A_1505, %multiple_of3A_1492] : memref<16x1000000xf32, #tpu.memory_space<hbm>> -> memref<16x128xf32, #tpu.memory_space<hbm>>
        tpu.enqueue_dma source(%dma_start3A_1506 : memref<16x128xf32, #tpu.memory_space<hbm>>) target(%dma_start3A_1504 : memref<16x128xf32, #tpu.memory_space<vmem>>) target_semaphore(%arg8 : memref<!tpu.dma_semaphore, #tpu.memory_space<semaphore_mem>>)
        %slice3A_1507 = vector.extract_strided_slice %mul3A_1404 {offsets = [6], sizes = [1], strides = [1]} : vector<16xi32> to vector<1xi32>
        %squeeze3A_1508 = vector.extract %slice3A_1507[0] : i32 from vector<1xi32>
        %multiple_of3A_1509 = tpu.assume_multiple %squeeze3A_1508, 128 : i32
        %dma_start3A_1510 = arith.constant 0 : i32
        %dma_start3A_1511 = arith.constant 6 : i32
        %dma_start3A_1512 = arith.constant 0 : i32
        %dma_start3A_1513 = arith.constant 0 : i32
        %dma_start3A_1514 = tpu.memref_slice %arg6[%dma_start3A_1510, %dma_start3A_1511, %dma_start3A_1512, %dma_start3A_1513] : memref<2x16x16x128xf32, #tpu.memory_space<vmem>> -> memref<1x1x16x128xf32, #tpu.memory_space<vmem>>
        %dma_start3A_1515 = tpu.memref_squeeze %dma_start3A_1514 : memref<1x1x16x128xf32, #tpu.memory_space<vmem>> -> memref<16x128xf32, #tpu.memory_space<vmem>>
        %dma_start3A_1516 = arith.constant 0 : i32
        %dma_start3A_1517 = tpu.memref_slice %arg3[%dma_start3A_1516, %multiple_of3A_1509] : memref<16x1000000xf32, #tpu.memory_space<hbm>> -> memref<16x128xf32, #tpu.memory_space<hbm>>
        %dma_start3A_1518 = arith.constant 0 : i32
        %dma_start3A_1519 = arith.constant 0 : i32
        %dma_start3A_1520 = tpu.memref_slice %arg6[%dma_start3A_1510, %dma_start3A_1511, %dma_start3A_1518, %dma_start3A_1519] : memref<2x16x16x128xf32, #tpu.memory_space<vmem>> -> memref<1x1x16x128xf32, #tpu.memory_space<vmem>>
        %dma_start3A_1521 = tpu.memref_squeeze %dma_start3A_1520 : memref<1x1x16x128xf32, #tpu.memory_space<vmem>> -> memref<16x128xf32, #tpu.memory_space<vmem>>
        %dma_start3A_1522 = arith.constant 0 : i32
        %dma_start3A_1523 = tpu.memref_slice %arg3[%dma_start3A_1522, %multiple_of3A_1509] : memref<16x1000000xf32, #tpu.memory_space<hbm>> -> memref<16x128xf32, #tpu.memory_space<hbm>>
        tpu.enqueue_dma source(%dma_start3A_1523 : memref<16x128xf32, #tpu.memory_space<hbm>>) target(%dma_start3A_1521 : memref<16x128xf32, #tpu.memory_space<vmem>>) target_semaphore(%arg8 : memref<!tpu.dma_semaphore, #tpu.memory_space<semaphore_mem>>)
        %slice3A_1524 = vector.extract_strided_slice %mul3A_1404 {offsets = [7], sizes = [1], strides = [1]} : vector<16xi32> to vector<1xi32>
        %squeeze3A_1525 = vector.extract %slice3A_1524[0] : i32 from vector<1xi32>
        %multiple_of3A_1526 = tpu.assume_multiple %squeeze3A_1525, 128 : i32
        %dma_start3A_1527 = arith.constant 0 : i32
        %dma_start3A_1528 = arith.constant 7 : i32
        %dma_start3A_1529 = arith.constant 0 : i32
        %dma_start3A_1530 = arith.constant 0 : i32
        %dma_start3A_1531 = tpu.memref_slice %arg6[%dma_start3A_1527, %dma_start3A_1528, %dma_start3A_1529, %dma_start3A_1530] : memref<2x16x16x128xf32, #tpu.memory_space<vmem>> -> memref<1x1x16x128xf32, #tpu.memory_space<vmem>>
        %dma_start3A_1532 = tpu.memref_squeeze %dma_start3A_1531 : memref<1x1x16x128xf32, #tpu.memory_space<vmem>> -> memref<16x128xf32, #tpu.memory_space<vmem>>
        %dma_start3A_1533 = arith.constant 0 : i32
        %dma_start3A_1534 = tpu.memref_slice %arg3[%dma_start3A_1533, %multiple_of3A_1526] : memref<16x1000000xf32, #tpu.memory_space<hbm>> -> memref<16x128xf32, #tpu.memory_space<hbm>>
        %dma_start3A_1535 = arith.constant 0 : i32
        %dma_start3A_1536 = arith.constant 0 : i32
        %dma_start3A_1537 = tpu.memref_slice %arg6[%dma_start3A_1527, %dma_start3A_1528, %dma_start3A_1535, %dma_start3A_1536] : memref<2x16x16x128xf32, #tpu.memory_space<vmem>> -> memref<1x1x16x128xf32, #tpu.memory_space<vmem>>
        %dma_start3A_1538 = tpu.memref_squeeze %dma_start3A_1537 : memref<1x1x16x128xf32, #tpu.memory_space<vmem>> -> memref<16x128xf32, #tpu.memory_space<vmem>>
        %dma_start3A_1539 = arith.constant 0 : i32
        %dma_start3A_1540 = tpu.memref_slice %arg3[%dma_start3A_1539, %multiple_of3A_1526] : memref<16x1000000xf32, #tpu.memory_space<hbm>> -> memref<16x128xf32, #tpu.memory_space<hbm>>
        tpu.enqueue_dma source(%dma_start3A_1540 : memref<16x128xf32, #tpu.memory_space<hbm>>) target(%dma_start3A_1538 : memref<16x128xf32, #tpu.memory_space<vmem>>) target_semaphore(%arg8 : memref<!tpu.dma_semaphore, #tpu.memory_space<semaphore_mem>>)
        %slice3A_1541 = vector.extract_strided_slice %mul3A_1404 {offsets = [8], sizes = [1], strides = [1]} : vector<16xi32> to vector<1xi32>
        %squeeze3A_1542 = vector.extract %slice3A_1541[0] : i32 from vector<1xi32>
        %multiple_of3A_1543 = tpu.assume_multiple %squeeze3A_1542, 128 : i32
        %dma_start3A_1544 = arith.constant 0 : i32
        %dma_start3A_1545 = arith.constant 8 : i32
        %dma_start3A_1546 = arith.constant 0 : i32
        %dma_start3A_1547 = arith.constant 0 : i32
        %dma_start3A_1548 = tpu.memref_slice %arg6[%dma_start3A_1544, %dma_start3A_1545, %dma_start3A_1546, %dma_start3A_1547] : memref<2x16x16x128xf32, #tpu.memory_space<vmem>> -> memref<1x1x16x128xf32, #tpu.memory_space<vmem>>
        %dma_start3A_1549 = tpu.memref_squeeze %dma_start3A_1548 : memref<1x1x16x128xf32, #tpu.memory_space<vmem>> -> memref<16x128xf32, #tpu.memory_space<vmem>>
        %dma_start3A_1550 = arith.constant 0 : i32
        %dma_start3A_1551 = tpu.memref_slice %arg3[%dma_start3A_1550, %multiple_of3A_1543] : memref<16x1000000xf32, #tpu.memory_space<hbm>> -> memref<16x128xf32, #tpu.memory_space<hbm>>
        %dma_start3A_1552 = arith.constant 0 : i32
        %dma_start3A_1553 = arith.constant 0 : i32
        %dma_start3A_1554 = tpu.memref_slice %arg6[%dma_start3A_1544, %dma_start3A_1545, %dma_start3A_1552, %dma_start3A_1553] : memref<2x16x16x128xf32, #tpu.memory_space<vmem>> -> memref<1x1x16x128xf32, #tpu.memory_space<vmem>>
        %dma_start3A_1555 = tpu.memref_squeeze %dma_start3A_1554 : memref<1x1x16x128xf32, #tpu.memory_space<vmem>> -> memref<16x128xf32, #tpu.memory_space<vmem>>
        %dma_start3A_1556 = arith.constant 0 : i32
        %dma_start3A_1557 = tpu.memref_slice %arg3[%dma_start3A_1556, %multiple_of3A_1543] : memref<16x1000000xf32, #tpu.memory_space<hbm>> -> memref<16x128xf32, #tpu.memory_space<hbm>>
        tpu.enqueue_dma source(%dma_start3A_1557 : memref<16x128xf32, #tpu.memory_space<hbm>>) target(%dma_start3A_1555 : memref<16x128xf32, #tpu.memory_space<vmem>>) target_semaphore(%arg8 : memref<!tpu.dma_semaphore, #tpu.memory_space<semaphore_mem>>)
        %slice3A_1558 = vector.extract_strided_slice %mul3A_1404 {offsets = [9], sizes = [1], strides = [1]} : vector<16xi32> to vector<1xi32>
        %squeeze3A_1559 = vector.extract %slice3A_1558[0] : i32 from vector<1xi32>
        %multiple_of3A_1560 = tpu.assume_multiple %squeeze3A_1559, 128 : i32
        %dma_start3A_1561 = arith.constant 0 : i32
        %dma_start3A_1562 = arith.constant 9 : i32
        %dma_start3A_1563 = arith.constant 0 : i32
        %dma_start3A_1564 = arith.constant 0 : i32
        %dma_start3A_1565 = tpu.memref_slice %arg6[%dma_start3A_1561, %dma_start3A_1562, %dma_start3A_1563, %dma_start3A_1564] : memref<2x16x16x128xf32, #tpu.memory_space<vmem>> -> memref<1x1x16x128xf32, #tpu.memory_space<vmem>>
        %dma_start3A_1566 = tpu.memref_squeeze %dma_start3A_1565 : memref<1x1x16x128xf32, #tpu.memory_space<vmem>> -> memref<16x128xf32, #tpu.memory_space<vmem>>
        %dma_start3A_1567 = arith.constant 0 : i32
        %dma_start3A_1568 = tpu.memref_slice %arg3[%dma_start3A_1567, %multiple_of3A_1560] : memref<16x1000000xf32, #tpu.memory_space<hbm>> -> memref<16x128xf32, #tpu.memory_space<hbm>>
        %dma_start3A_1569 = arith.constant 0 : i32
        %dma_start3A_1570 = arith.constant 0 : i32
        %dma_start3A_1571 = tpu.memref_slice %arg6[%dma_start3A_1561, %dma_start3A_1562, %dma_start3A_1569, %dma_start3A_1570] : memref<2x16x16x128xf32, #tpu.memory_space<vmem>> -> memref<1x1x16x128xf32, #tpu.memory_space<vmem>>
        %dma_start3A_1572 = tpu.memref_squeeze %dma_start3A_1571 : memref<1x1x16x128xf32, #tpu.memory_space<vmem>> -> memref<16x128xf32, #tpu.memory_space<vmem>>
        %dma_start3A_1573 = arith.constant 0 : i32
        %dma_start3A_1574 = tpu.memref_slice %arg3[%dma_start3A_1573, %multiple_of3A_1560] : memref<16x1000000xf32, #tpu.memory_space<hbm>> -> memref<16x128xf32, #tpu.memory_space<hbm>>
        tpu.enqueue_dma source(%dma_start3A_1574 : memref<16x128xf32, #tpu.memory_space<hbm>>) target(%dma_start3A_1572 : memref<16x128xf32, #tpu.memory_space<vmem>>) target_semaphore(%arg8 : memref<!tpu.dma_semaphore, #tpu.memory_space<semaphore_mem>>)
        %slice3A_1575 = vector.extract_strided_slice %mul3A_1404 {offsets = [10], sizes = [1], strides = [1]} : vector<16xi32> to vector<1xi32>
        %squeeze3A_1576 = vector.extract %slice3A_1575[0] : i32 from vector<1xi32>
        %multiple_of3A_1577 = tpu.assume_multiple %squeeze3A_1576, 128 : i32
        %dma_start3A_1578 = arith.constant 0 : i32
        %dma_start3A_1579 = arith.constant 10 : i32
        %dma_start3A_1580 = arith.constant 0 : i32
        %dma_start3A_1581 = arith.constant 0 : i32
        %dma_start3A_1582 = tpu.memref_slice %arg6[%dma_start3A_1578, %dma_start3A_1579, %dma_start3A_1580, %dma_start3A_1581] : memref<2x16x16x128xf32, #tpu.memory_space<vmem>> -> memref<1x1x16x128xf32, #tpu.memory_space<vmem>>
        %dma_start3A_1583 = tpu.memref_squeeze %dma_start3A_1582 : memref<1x1x16x128xf32, #tpu.memory_space<vmem>> -> memref<16x128xf32, #tpu.memory_space<vmem>>
        %dma_start3A_1584 = arith.constant 0 : i32
        %dma_start3A_1585 = tpu.memref_slice %arg3[%dma_start3A_1584, %multiple_of3A_1577] : memref<16x1000000xf32, #tpu.memory_space<hbm>> -> memref<16x128xf32, #tpu.memory_space<hbm>>
        %dma_start3A_1586 = arith.constant 0 : i32
        %dma_start3A_1587 = arith.constant 0 : i32
        %dma_start3A_1588 = tpu.memref_slice %arg6[%dma_start3A_1578, %dma_start3A_1579, %dma_start3A_1586, %dma_start3A_1587] : memref<2x16x16x128xf32, #tpu.memory_space<vmem>> -> memref<1x1x16x128xf32, #tpu.memory_space<vmem>>
        %dma_start3A_1589 = tpu.memref_squeeze %dma_start3A_1588 : memref<1x1x16x128xf32, #tpu.memory_space<vmem>> -> memref<16x128xf32, #tpu.memory_space<vmem>>
        %dma_start3A_1590 = arith.constant 0 : i32
        %dma_start3A_1591 = tpu.memref_slice %arg3[%dma_start3A_1590, %multiple_of3A_1577] : memref<16x1000000xf32, #tpu.memory_space<hbm>> -> memref<16x128xf32, #tpu.memory_space<hbm>>
        tpu.enqueue_dma source(%dma_start3A_1591 : memref<16x128xf32, #tpu.memory_space<hbm>>) target(%dma_start3A_1589 : memref<16x128xf32, #tpu.memory_space<vmem>>) target_semaphore(%arg8 : memref<!tpu.dma_semaphore, #tpu.memory_space<semaphore_mem>>)
        %slice3A_1592 = vector.extract_strided_slice %mul3A_1404 {offsets = [11], sizes = [1], strides = [1]} : vector<16xi32> to vector<1xi32>
        %squeeze3A_1593 = vector.extract %slice3A_1592[0] : i32 from vector<1xi32>
        %multiple_of3A_1594 = tpu.assume_multiple %squeeze3A_1593, 128 : i32
        %dma_start3A_1595 = arith.constant 0 : i32
        %dma_start3A_1596 = arith.constant 11 : i32
        %dma_start3A_1597 = arith.constant 0 : i32
        %dma_start3A_1598 = arith.constant 0 : i32
        %dma_start3A_1599 = tpu.memref_slice %arg6[%dma_start3A_1595, %dma_start3A_1596, %dma_start3A_1597, %dma_start3A_1598] : memref<2x16x16x128xf32, #tpu.memory_space<vmem>> -> memref<1x1x16x128xf32, #tpu.memory_space<vmem>>
        %dma_start3A_1600 = tpu.memref_squeeze %dma_start3A_1599 : memref<1x1x16x128xf32, #tpu.memory_space<vmem>> -> memref<16x128xf32, #tpu.memory_space<vmem>>
        %dma_start3A_1601 = arith.constant 0 : i32
        %dma_start3A_1602 = tpu.memref_slice %arg3[%dma_start3A_1601, %multiple_of3A_1594] : memref<16x1000000xf32, #tpu.memory_space<hbm>> -> memref<16x128xf32, #tpu.memory_space<hbm>>
        %dma_start3A_1603 = arith.constant 0 : i32
        %dma_start3A_1604 = arith.constant 0 : i32
        %dma_start3A_1605 = tpu.memref_slice %arg6[%dma_start3A_1595, %dma_start3A_1596, %dma_start3A_1603, %dma_start3A_1604] : memref<2x16x16x128xf32, #tpu.memory_space<vmem>> -> memref<1x1x16x128xf32, #tpu.memory_space<vmem>>
        %dma_start3A_1606 = tpu.memref_squeeze %dma_start3A_1605 : memref<1x1x16x128xf32, #tpu.memory_space<vmem>> -> memref<16x128xf32, #tpu.memory_space<vmem>>
        %dma_start3A_1607 = arith.constant 0 : i32
        %dma_start3A_1608 = tpu.memref_slice %arg3[%dma_start3A_1607, %multiple_of3A_1594] : memref<16x1000000xf32, #tpu.memory_space<hbm>> -> memref<16x128xf32, #tpu.memory_space<hbm>>
        tpu.enqueue_dma source(%dma_start3A_1608 : memref<16x128xf32, #tpu.memory_space<hbm>>) target(%dma_start3A_1606 : memref<16x128xf32, #tpu.memory_space<vmem>>) target_semaphore(%arg8 : memref<!tpu.dma_semaphore, #tpu.memory_space<semaphore_mem>>)
        %slice3A_1609 = vector.extract_strided_slice %mul3A_1404 {offsets = [12], sizes = [1], strides = [1]} : vector<16xi32> to vector<1xi32>
        %squeeze3A_1610 = vector.extract %slice3A_1609[0] : i32 from vector<1xi32>
        %multiple_of3A_1611 = tpu.assume_multiple %squeeze3A_1610, 128 : i32
        %dma_start3A_1612 = arith.constant 0 : i32
        %dma_start3A_1613 = arith.constant 12 : i32
        %dma_start3A_1614 = arith.constant 0 : i32
        %dma_start3A_1615 = arith.constant 0 : i32
        %dma_start3A_1616 = tpu.memref_slice %arg6[%dma_start3A_1612, %dma_start3A_1613, %dma_start3A_1614, %dma_start3A_1615] : memref<2x16x16x128xf32, #tpu.memory_space<vmem>> -> memref<1x1x16x128xf32, #tpu.memory_space<vmem>>
        %dma_start3A_1617 = tpu.memref_squeeze %dma_start3A_1616 : memref<1x1x16x128xf32, #tpu.memory_space<vmem>> -> memref<16x128xf32, #tpu.memory_space<vmem>>
        %dma_start3A_1618 = arith.constant 0 : i32
        %dma_start3A_1619 = tpu.memref_slice %arg3[%dma_start3A_1618, %multiple_of3A_1611] : memref<16x1000000xf32, #tpu.memory_space<hbm>> -> memref<16x128xf32, #tpu.memory_space<hbm>>
        %dma_start3A_1620 = arith.constant 0 : i32
        %dma_start3A_1621 = arith.constant 0 : i32
        %dma_start3A_1622 = tpu.memref_slice %arg6[%dma_start3A_1612, %dma_start3A_1613, %dma_start3A_1620, %dma_start3A_1621] : memref<2x16x16x128xf32, #tpu.memory_space<vmem>> -> memref<1x1x16x128xf32, #tpu.memory_space<vmem>>
        %dma_start3A_1623 = tpu.memref_squeeze %dma_start3A_1622 : memref<1x1x16x128xf32, #tpu.memory_space<vmem>> -> memref<16x128xf32, #tpu.memory_space<vmem>>
        %dma_start3A_1624 = arith.constant 0 : i32
        %dma_start3A_1625 = tpu.memref_slice %arg3[%dma_start3A_1624, %multiple_of3A_1611] : memref<16x1000000xf32, #tpu.memory_space<hbm>> -> memref<16x128xf32, #tpu.memory_space<hbm>>
        tpu.enqueue_dma source(%dma_start3A_1625 : memref<16x128xf32, #tpu.memory_space<hbm>>) target(%dma_start3A_1623 : memref<16x128xf32, #tpu.memory_space<vmem>>) target_semaphore(%arg8 : memref<!tpu.dma_semaphore, #tpu.memory_space<semaphore_mem>>)
        %slice3A_1626 = vector.extract_strided_slice %mul3A_1404 {offsets = [13], sizes = [1], strides = [1]} : vector<16xi32> to vector<1xi32>
        %squeeze3A_1627 = vector.extract %slice3A_1626[0] : i32 from vector<1xi32>
        %multiple_of3A_1628 = tpu.assume_multiple %squeeze3A_1627, 128 : i32
        %dma_start3A_1629 = arith.constant 0 : i32
        %dma_start3A_1630 = arith.constant 13 : i32
        %dma_start3A_1631 = arith.constant 0 : i32
        %dma_start3A_1632 = arith.constant 0 : i32
        %dma_start3A_1633 = tpu.memref_slice %arg6[%dma_start3A_1629, %dma_start3A_1630, %dma_start3A_1631, %dma_start3A_1632] : memref<2x16x16x128xf32, #tpu.memory_space<vmem>> -> memref<1x1x16x128xf32, #tpu.memory_space<vmem>>
        %dma_start3A_1634 = tpu.memref_squeeze %dma_start3A_1633 : memref<1x1x16x128xf32, #tpu.memory_space<vmem>> -> memref<16x128xf32, #tpu.memory_space<vmem>>
        %dma_start3A_1635 = arith.constant 0 : i32
        %dma_start3A_1636 = tpu.memref_slice %arg3[%dma_start3A_1635, %multiple_of3A_1628] : memref<16x1000000xf32, #tpu.memory_space<hbm>> -> memref<16x128xf32, #tpu.memory_space<hbm>>
        %dma_start3A_1637 = arith.constant 0 : i32
        %dma_start3A_1638 = arith.constant 0 : i32
        %dma_start3A_1639 = tpu.memref_slice %arg6[%dma_start3A_1629, %dma_start3A_1630, %dma_start3A_1637, %dma_start3A_1638] : memref<2x16x16x128xf32, #tpu.memory_space<vmem>> -> memref<1x1x16x128xf32, #tpu.memory_space<vmem>>
        %dma_start3A_1640 = tpu.memref_squeeze %dma_start3A_1639 : memref<1x1x16x128xf32, #tpu.memory_space<vmem>> -> memref<16x128xf32, #tpu.memory_space<vmem>>
        %dma_start3A_1641 = arith.constant 0 : i32
        %dma_start3A_1642 = tpu.memref_slice %arg3[%dma_start3A_1641, %multiple_of3A_1628] : memref<16x1000000xf32, #tpu.memory_space<hbm>> -> memref<16x128xf32, #tpu.memory_space<hbm>>
        tpu.enqueue_dma source(%dma_start3A_1642 : memref<16x128xf32, #tpu.memory_space<hbm>>) target(%dma_start3A_1640 : memref<16x128xf32, #tpu.memory_space<vmem>>) target_semaphore(%arg8 : memref<!tpu.dma_semaphore, #tpu.memory_space<semaphore_mem>>)
        %slice3A_1643 = vector.extract_strided_slice %mul3A_1404 {offsets = [14], sizes = [1], strides = [1]} : vector<16xi32> to vector<1xi32>
        %squeeze3A_1644 = vector.extract %slice3A_1643[0] : i32 from vector<1xi32>
        %multiple_of3A_1645 = tpu.assume_multiple %squeeze3A_1644, 128 : i32
        %dma_start3A_1646 = arith.constant 0 : i32
        %dma_start3A_1647 = arith.constant 14 : i32
        %dma_start3A_1648 = arith.constant 0 : i32
        %dma_start3A_1649 = arith.constant 0 : i32
        %dma_start3A_1650 = tpu.memref_slice %arg6[%dma_start3A_1646, %dma_start3A_1647, %dma_start3A_1648, %dma_start3A_1649] : memref<2x16x16x128xf32, #tpu.memory_space<vmem>> -> memref<1x1x16x128xf32, #tpu.memory_space<vmem>>
        %dma_start3A_1651 = tpu.memref_squeeze %dma_start3A_1650 : memref<1x1x16x128xf32, #tpu.memory_space<vmem>> -> memref<16x128xf32, #tpu.memory_space<vmem>>
        %dma_start3A_1652 = arith.constant 0 : i32
        %dma_start3A_1653 = tpu.memref_slice %arg3[%dma_start3A_1652, %multiple_of3A_1645] : memref<16x1000000xf32, #tpu.memory_space<hbm>> -> memref<16x128xf32, #tpu.memory_space<hbm>>
        %dma_start3A_1654 = arith.constant 0 : i32
        %dma_start3A_1655 = arith.constant 0 : i32
        %dma_start3A_1656 = tpu.memref_slice %arg6[%dma_start3A_1646, %dma_start3A_1647, %dma_start3A_1654, %dma_start3A_1655] : memref<2x16x16x128xf32, #tpu.memory_space<vmem>> -> memref<1x1x16x128xf32, #tpu.memory_space<vmem>>
        %dma_start3A_1657 = tpu.memref_squeeze %dma_start3A_1656 : memref<1x1x16x128xf32, #tpu.memory_space<vmem>> -> memref<16x128xf32, #tpu.memory_space<vmem>>
        %dma_start3A_1658 = arith.constant 0 : i32
        %dma_start3A_1659 = tpu.memref_slice %arg3[%dma_start3A_1658, %multiple_of3A_1645] : memref<16x1000000xf32, #tpu.memory_space<hbm>> -> memref<16x128xf32, #tpu.memory_space<hbm>>
        tpu.enqueue_dma source(%dma_start3A_1659 : memref<16x128xf32, #tpu.memory_space<hbm>>) target(%dma_start3A_1657 : memref<16x128xf32, #tpu.memory_space<vmem>>) target_semaphore(%arg8 : memref<!tpu.dma_semaphore, #tpu.memory_space<semaphore_mem>>)
        %slice3A_1660 = vector.extract_strided_slice %mul3A_1404 {offsets = [15], sizes = [1], strides = [1]} : vector<16xi32> to vector<1xi32>
        %squeeze3A_1661 = vector.extract %slice3A_1660[0] : i32 from vector<1xi32>
        %multiple_of3A_1662 = tpu.assume_multiple %squeeze3A_1661, 128 : i32
        %dma_start3A_1663 = arith.constant 0 : i32
        %dma_start3A_1664 = arith.constant 15 : i32
        %dma_start3A_1665 = arith.constant 0 : i32
        %dma_start3A_1666 = arith.constant 0 : i32
        %dma_start3A_1667 = tpu.memref_slice %arg6[%dma_start3A_1663, %dma_start3A_1664, %dma_start3A_1665, %dma_start3A_1666] : memref<2x16x16x128xf32, #tpu.memory_space<vmem>> -> memref<1x1x16x128xf32, #tpu.memory_space<vmem>>
        %dma_start3A_1668 = tpu.memref_squeeze %dma_start3A_1667 : memref<1x1x16x128xf32, #tpu.memory_space<vmem>> -> memref<16x128xf32, #tpu.memory_space<vmem>>
        %dma_start3A_1669 = arith.constant 0 : i32
        %dma_start3A_1670 = tpu.memref_slice %arg3[%dma_start3A_1669, %multiple_of3A_1662] : memref<16x1000000xf32, #tpu.memory_space<hbm>> -> memref<16x128xf32, #tpu.memory_space<hbm>>
        %dma_start3A_1671 = arith.constant 0 : i32
        %dma_start3A_1672 = arith.constant 0 : i32
        %dma_start3A_1673 = tpu.memref_slice %arg6[%dma_start3A_1663, %dma_start3A_1664, %dma_start3A_1671, %dma_start3A_1672] : memref<2x16x16x128xf32, #tpu.memory_space<vmem>> -> memref<1x1x16x128xf32, #tpu.memory_space<vmem>>
        %dma_start3A_1674 = tpu.memref_squeeze %dma_start3A_1673 : memref<1x1x16x128xf32, #tpu.memory_space<vmem>> -> memref<16x128xf32, #tpu.memory_space<vmem>>
        %dma_start3A_1675 = arith.constant 0 : i32
        %dma_start3A_1676 = tpu.memref_slice %arg3[%dma_start3A_1675, %multiple_of3A_1662] : memref<16x1000000xf32, #tpu.memory_space<hbm>> -> memref<16x128xf32, #tpu.memory_space<hbm>>
        tpu.enqueue_dma source(%dma_start3A_1676 : memref<16x128xf32, #tpu.memory_space<hbm>>) target(%dma_start3A_1674 : memref<16x128xf32, #tpu.memory_space<vmem>>) target_semaphore(%arg8 : memref<!tpu.dma_semaphore, #tpu.memory_space<semaphore_mem>>)
      } else {
      }
      %dma_wait3A_980 = arith.constant 1 : i32
      %dma_wait3A_981 = arith.constant 0 : i32
      %dma_wait3A_982 = arith.constant 0 : i32
      %dma_wait3A_983 = arith.constant 0 : i32
      %dma_wait3A_984 = tpu.memref_slice %arg6[%dma_wait3A_980, %dma_wait3A_981, %dma_wait3A_982, %dma_wait3A_983] : memref<2x16x16x128xf32, #tpu.memory_space<vmem>> -> memref<1x1x16x128xf32, #tpu.memory_space<vmem>>
      %dma_wait3A_985 = tpu.memref_squeeze %dma_wait3A_984 : memref<1x1x16x128xf32, #tpu.memory_space<vmem>> -> memref<16x128xf32, #tpu.memory_space<vmem>>
      %dma_wait3A_986 = arith.constant 0 : i32
      %dma_wait3A_987 = arith.constant 0 : i32
      %dma_wait3A_988 = tpu.memref_slice %arg3[%dma_wait3A_986, %dma_wait3A_987] : memref<16x1000000xf32, #tpu.memory_space<hbm>> -> memref<16x128xf32, #tpu.memory_space<hbm>>
      %dma_wait3A_989 = arith.constant 0 : i32
      %dma_wait3A_990 = arith.constant 0 : i32
      %dma_wait3A_991 = tpu.memref_slice %arg6[%dma_wait3A_980, %dma_wait3A_981, %dma_wait3A_989, %dma_wait3A_990] : memref<2x16x16x128xf32, #tpu.memory_space<vmem>> -> memref<1x1x16x128xf32, #tpu.memory_space<vmem>>
      %dma_wait3A_992 = tpu.memref_squeeze %dma_wait3A_991 : memref<1x1x16x128xf32, #tpu.memory_space<vmem>> -> memref<16x128xf32, #tpu.memory_space<vmem>>
      %dma_wait3A_993 = arith.constant 0 : i32
      %dma_wait3A_994 = arith.constant 0 : i32
      %dma_wait3A_995 = tpu.memref_slice %arg3[%dma_wait3A_993, %dma_wait3A_994] : memref<16x1000000xf32, #tpu.memory_space<hbm>> -> memref<16x128xf32, #tpu.memory_space<hbm>>
      tpu.wait_dma2 semaphore(%arg8 : memref<!tpu.dma_semaphore, #tpu.memory_space<semaphore_mem>>) src(%dma_wait3A_995 : memref<16x128xf32, #tpu.memory_space<hbm>>) dst(%dma_wait3A_992 : memref<16x128xf32, #tpu.memory_space<vmem>>)
      %dma_wait3A_996 = arith.constant 1 : i32
      %dma_wait3A_997 = arith.constant 1 : i32
      %dma_wait3A_998 = arith.constant 0 : i32
      %dma_wait3A_999 = arith.constant 0 : i32
      %dma_wait3A_1000 = tpu.memref_slice %arg6[%dma_wait3A_996, %dma_wait3A_997, %dma_wait3A_998, %dma_wait3A_999] : memref<2x16x16x128xf32, #tpu.memory_space<vmem>> -> memref<1x1x16x128xf32, #tpu.memory_space<vmem>>
      %dma_wait3A_1001 = tpu.memref_squeeze %dma_wait3A_1000 : memref<1x1x16x128xf32, #tpu.memory_space<vmem>> -> memref<16x128xf32, #tpu.memory_space<vmem>>
      %dma_wait3A_1002 = arith.constant 0 : i32
      %dma_wait3A_1003 = arith.constant 0 : i32
      %dma_wait3A_1004 = tpu.memref_slice %arg3[%dma_wait3A_1002, %dma_wait3A_1003] : memref<16x1000000xf32, #tpu.memory_space<hbm>> -> memref<16x128xf32, #tpu.memory_space<hbm>>
      %dma_wait3A_1005 = arith.constant 0 : i32
      %dma_wait3A_1006 = arith.constant 0 : i32
      %dma_wait3A_1007 = tpu.memref_slice %arg6[%dma_wait3A_996, %dma_wait3A_997, %dma_wait3A_1005, %dma_wait3A_1006] : memref<2x16x16x128xf32, #tpu.memory_space<vmem>> -> memref<1x1x16x128xf32, #tpu.memory_space<vmem>>
      %dma_wait3A_1008 = tpu.memref_squeeze %dma_wait3A_1007 : memref<1x1x16x128xf32, #tpu.memory_space<vmem>> -> memref<16x128xf32, #tpu.memory_space<vmem>>
      %dma_wait3A_1009 = arith.constant 0 : i32
      %dma_wait3A_1010 = arith.constant 0 : i32
      %dma_wait3A_1011 = tpu.memref_slice %arg3[%dma_wait3A_1009, %dma_wait3A_1010] : memref<16x1000000xf32, #tpu.memory_space<hbm>> -> memref<16x128xf32, #tpu.memory_space<hbm>>
      tpu.wait_dma2 semaphore(%arg8 : memref<!tpu.dma_semaphore, #tpu.memory_space<semaphore_mem>>) src(%dma_wait3A_1011 : memref<16x128xf32, #tpu.memory_space<hbm>>) dst(%dma_wait3A_1008 : memref<16x128xf32, #tpu.memory_space<vmem>>)
      %dma_wait3A_1012 = arith.constant 1 : i32
      %dma_wait3A_1013 = arith.constant 2 : i32
      %dma_wait3A_1014 = arith.constant 0 : i32
      %dma_wait3A_1015 = arith.constant 0 : i32
      %dma_wait3A_1016 = tpu.memref_slice %arg6[%dma_wait3A_1012, %dma_wait3A_1013, %dma_wait3A_1014, %dma_wait3A_1015] : memref<2x16x16x128xf32, #tpu.memory_space<vmem>> -> memref<1x1x16x128xf32, #tpu.memory_space<vmem>>
      %dma_wait3A_1017 = tpu.memref_squeeze %dma_wait3A_1016 : memref<1x1x16x128xf32, #tpu.memory_space<vmem>> -> memref<16x128xf32, #tpu.memory_space<vmem>>
      %dma_wait3A_1018 = arith.constant 0 : i32
      %dma_wait3A_1019 = arith.constant 0 : i32
      %dma_wait3A_1020 = tpu.memref_slice %arg3[%dma_wait3A_1018, %dma_wait3A_1019] : memref<16x1000000xf32, #tpu.memory_space<hbm>> -> memref<16x128xf32, #tpu.memory_space<hbm>>
      %dma_wait3A_1021 = arith.constant 0 : i32
      %dma_wait3A_1022 = arith.constant 0 : i32
      %dma_wait3A_1023 = tpu.memref_slice %arg6[%dma_wait3A_1012, %dma_wait3A_1013, %dma_wait3A_1021, %dma_wait3A_1022] : memref<2x16x16x128xf32, #tpu.memory_space<vmem>> -> memref<1x1x16x128xf32, #tpu.memory_space<vmem>>
      %dma_wait3A_1024 = tpu.memref_squeeze %dma_wait3A_1023 : memref<1x1x16x128xf32, #tpu.memory_space<vmem>> -> memref<16x128xf32, #tpu.memory_space<vmem>>
      %dma_wait3A_1025 = arith.constant 0 : i32
      %dma_wait3A_1026 = arith.constant 0 : i32
      %dma_wait3A_1027 = tpu.memref_slice %arg3[%dma_wait3A_1025, %dma_wait3A_1026] : memref<16x1000000xf32, #tpu.memory_space<hbm>> -> memref<16x128xf32, #tpu.memory_space<hbm>>
      tpu.wait_dma2 semaphore(%arg8 : memref<!tpu.dma_semaphore, #tpu.memory_space<semaphore_mem>>) src(%dma_wait3A_1027 : memref<16x128xf32, #tpu.memory_space<hbm>>) dst(%dma_wait3A_1024 : memref<16x128xf32, #tpu.memory_space<vmem>>)
      %dma_wait3A_1028 = arith.constant 1 : i32
      %dma_wait3A_1029 = arith.constant 3 : i32
      %dma_wait3A_1030 = arith.constant 0 : i32
      %dma_wait3A_1031 = arith.constant 0 : i32
      %dma_wait3A_1032 = tpu.memref_slice %arg6[%dma_wait3A_1028, %dma_wait3A_1029, %dma_wait3A_1030, %dma_wait3A_1031] : memref<2x16x16x128xf32, #tpu.memory_space<vmem>> -> memref<1x1x16x128xf32, #tpu.memory_space<vmem>>
      %dma_wait3A_1033 = tpu.memref_squeeze %dma_wait3A_1032 : memref<1x1x16x128xf32, #tpu.memory_space<vmem>> -> memref<16x128xf32, #tpu.memory_space<vmem>>
      %dma_wait3A_1034 = arith.constant 0 : i32
      %dma_wait3A_1035 = arith.constant 0 : i32
      %dma_wait3A_1036 = tpu.memref_slice %arg3[%dma_wait3A_1034, %dma_wait3A_1035] : memref<16x1000000xf32, #tpu.memory_space<hbm>> -> memref<16x128xf32, #tpu.memory_space<hbm>>
      %dma_wait3A_1037 = arith.constant 0 : i32
      %dma_wait3A_1038 = arith.constant 0 : i32
      %dma_wait3A_1039 = tpu.memref_slice %arg6[%dma_wait3A_1028, %dma_wait3A_1029, %dma_wait3A_1037, %dma_wait3A_1038] : memref<2x16x16x128xf32, #tpu.memory_space<vmem>> -> memref<1x1x16x128xf32, #tpu.memory_space<vmem>>
      %dma_wait3A_1040 = tpu.memref_squeeze %dma_wait3A_1039 : memref<1x1x16x128xf32, #tpu.memory_space<vmem>> -> memref<16x128xf32, #tpu.memory_space<vmem>>
      %dma_wait3A_1041 = arith.constant 0 : i32
      %dma_wait3A_1042 = arith.constant 0 : i32
      %dma_wait3A_1043 = tpu.memref_slice %arg3[%dma_wait3A_1041, %dma_wait3A_1042] : memref<16x1000000xf32, #tpu.memory_space<hbm>> -> memref<16x128xf32, #tpu.memory_space<hbm>>
      tpu.wait_dma2 semaphore(%arg8 : memref<!tpu.dma_semaphore, #tpu.memory_space<semaphore_mem>>) src(%dma_wait3A_1043 : memref<16x128xf32, #tpu.memory_space<hbm>>) dst(%dma_wait3A_1040 : memref<16x128xf32, #tpu.memory_space<vmem>>)
      %dma_wait3A_1044 = arith.constant 1 : i32
      %dma_wait3A_1045 = arith.constant 4 : i32
      %dma_wait3A_1046 = arith.constant 0 : i32
      %dma_wait3A_1047 = arith.constant 0 : i32
      %dma_wait3A_1048 = tpu.memref_slice %arg6[%dma_wait3A_1044, %dma_wait3A_1045, %dma_wait3A_1046, %dma_wait3A_1047] : memref<2x16x16x128xf32, #tpu.memory_space<vmem>> -> memref<1x1x16x128xf32, #tpu.memory_space<vmem>>
      %dma_wait3A_1049 = tpu.memref_squeeze %dma_wait3A_1048 : memref<1x1x16x128xf32, #tpu.memory_space<vmem>> -> memref<16x128xf32, #tpu.memory_space<vmem>>
      %dma_wait3A_1050 = arith.constant 0 : i32
      %dma_wait3A_1051 = arith.constant 0 : i32
      %dma_wait3A_1052 = tpu.memref_slice %arg3[%dma_wait3A_1050, %dma_wait3A_1051] : memref<16x1000000xf32, #tpu.memory_space<hbm>> -> memref<16x128xf32, #tpu.memory_space<hbm>>
      %dma_wait3A_1053 = arith.constant 0 : i32
      %dma_wait3A_1054 = arith.constant 0 : i32
      %dma_wait3A_1055 = tpu.memref_slice %arg6[%dma_wait3A_1044, %dma_wait3A_1045, %dma_wait3A_1053, %dma_wait3A_1054] : memref<2x16x16x128xf32, #tpu.memory_space<vmem>> -> memref<1x1x16x128xf32, #tpu.memory_space<vmem>>
      %dma_wait3A_1056 = tpu.memref_squeeze %dma_wait3A_1055 : memref<1x1x16x128xf32, #tpu.memory_space<vmem>> -> memref<16x128xf32, #tpu.memory_space<vmem>>
      %dma_wait3A_1057 = arith.constant 0 : i32
      %dma_wait3A_1058 = arith.constant 0 : i32
      %dma_wait3A_1059 = tpu.memref_slice %arg3[%dma_wait3A_1057, %dma_wait3A_1058] : memref<16x1000000xf32, #tpu.memory_space<hbm>> -> memref<16x128xf32, #tpu.memory_space<hbm>>
      tpu.wait_dma2 semaphore(%arg8 : memref<!tpu.dma_semaphore, #tpu.memory_space<semaphore_mem>>) src(%dma_wait3A_1059 : memref<16x128xf32, #tpu.memory_space<hbm>>) dst(%dma_wait3A_1056 : memref<16x128xf32, #tpu.memory_space<vmem>>)
      %dma_wait3A_1060 = arith.constant 1 : i32
      %dma_wait3A_1061 = arith.constant 5 : i32
      %dma_wait3A_1062 = arith.constant 0 : i32
      %dma_wait3A_1063 = arith.constant 0 : i32
      %dma_wait3A_1064 = tpu.memref_slice %arg6[%dma_wait3A_1060, %dma_wait3A_1061, %dma_wait3A_1062, %dma_wait3A_1063] : memref<2x16x16x128xf32, #tpu.memory_space<vmem>> -> memref<1x1x16x128xf32, #tpu.memory_space<vmem>>
      %dma_wait3A_1065 = tpu.memref_squeeze %dma_wait3A_1064 : memref<1x1x16x128xf32, #tpu.memory_space<vmem>> -> memref<16x128xf32, #tpu.memory_space<vmem>>
      %dma_wait3A_1066 = arith.constant 0 : i32
      %dma_wait3A_1067 = arith.constant 0 : i32
      %dma_wait3A_1068 = tpu.memref_slice %arg3[%dma_wait3A_1066, %dma_wait3A_1067] : memref<16x1000000xf32, #tpu.memory_space<hbm>> -> memref<16x128xf32, #tpu.memory_space<hbm>>
      %dma_wait3A_1069 = arith.constant 0 : i32
      %dma_wait3A_1070 = arith.constant 0 : i32
      %dma_wait3A_1071 = tpu.memref_slice %arg6[%dma_wait3A_1060, %dma_wait3A_1061, %dma_wait3A_1069, %dma_wait3A_1070] : memref<2x16x16x128xf32, #tpu.memory_space<vmem>> -> memref<1x1x16x128xf32, #tpu.memory_space<vmem>>
      %dma_wait3A_1072 = tpu.memref_squeeze %dma_wait3A_1071 : memref<1x1x16x128xf32, #tpu.memory_space<vmem>> -> memref<16x128xf32, #tpu.memory_space<vmem>>
      %dma_wait3A_1073 = arith.constant 0 : i32
      %dma_wait3A_1074 = arith.constant 0 : i32
      %dma_wait3A_1075 = tpu.memref_slice %arg3[%dma_wait3A_1073, %dma_wait3A_1074] : memref<16x1000000xf32, #tpu.memory_space<hbm>> -> memref<16x128xf32, #tpu.memory_space<hbm>>
      tpu.wait_dma2 semaphore(%arg8 : memref<!tpu.dma_semaphore, #tpu.memory_space<semaphore_mem>>) src(%dma_wait3A_1075 : memref<16x128xf32, #tpu.memory_space<hbm>>) dst(%dma_wait3A_1072 : memref<16x128xf32, #tpu.memory_space<vmem>>)
      %dma_wait3A_1076 = arith.constant 1 : i32
      %dma_wait3A_1077 = arith.constant 6 : i32
      %dma_wait3A_1078 = arith.constant 0 : i32
      %dma_wait3A_1079 = arith.constant 0 : i32
      %dma_wait3A_1080 = tpu.memref_slice %arg6[%dma_wait3A_1076, %dma_wait3A_1077, %dma_wait3A_1078, %dma_wait3A_1079] : memref<2x16x16x128xf32, #tpu.memory_space<vmem>> -> memref<1x1x16x128xf32, #tpu.memory_space<vmem>>
      %dma_wait3A_1081 = tpu.memref_squeeze %dma_wait3A_1080 : memref<1x1x16x128xf32, #tpu.memory_space<vmem>> -> memref<16x128xf32, #tpu.memory_space<vmem>>
      %dma_wait3A_1082 = arith.constant 0 : i32
      %dma_wait3A_1083 = arith.constant 0 : i32
      %dma_wait3A_1084 = tpu.memref_slice %arg3[%dma_wait3A_1082, %dma_wait3A_1083] : memref<16x1000000xf32, #tpu.memory_space<hbm>> -> memref<16x128xf32, #tpu.memory_space<hbm>>
      %dma_wait3A_1085 = arith.constant 0 : i32
      %dma_wait3A_1086 = arith.constant 0 : i32
      %dma_wait3A_1087 = tpu.memref_slice %arg6[%dma_wait3A_1076, %dma_wait3A_1077, %dma_wait3A_1085, %dma_wait3A_1086] : memref<2x16x16x128xf32, #tpu.memory_space<vmem>> -> memref<1x1x16x128xf32, #tpu.memory_space<vmem>>
      %dma_wait3A_1088 = tpu.memref_squeeze %dma_wait3A_1087 : memref<1x1x16x128xf32, #tpu.memory_space<vmem>> -> memref<16x128xf32, #tpu.memory_space<vmem>>
      %dma_wait3A_1089 = arith.constant 0 : i32
      %dma_wait3A_1090 = arith.constant 0 : i32
      %dma_wait3A_1091 = tpu.memref_slice %arg3[%dma_wait3A_1089, %dma_wait3A_1090] : memref<16x1000000xf32, #tpu.memory_space<hbm>> -> memref<16x128xf32, #tpu.memory_space<hbm>>
      tpu.wait_dma2 semaphore(%arg8 : memref<!tpu.dma_semaphore, #tpu.memory_space<semaphore_mem>>) src(%dma_wait3A_1091 : memref<16x128xf32, #tpu.memory_space<hbm>>) dst(%dma_wait3A_1088 : memref<16x128xf32, #tpu.memory_space<vmem>>)
      %dma_wait3A_1092 = arith.constant 1 : i32
      %dma_wait3A_1093 = arith.constant 7 : i32
      %dma_wait3A_1094 = arith.constant 0 : i32
      %dma_wait3A_1095 = arith.constant 0 : i32
      %dma_wait3A_1096 = tpu.memref_slice %arg6[%dma_wait3A_1092, %dma_wait3A_1093, %dma_wait3A_1094, %dma_wait3A_1095] : memref<2x16x16x128xf32, #tpu.memory_space<vmem>> -> memref<1x1x16x128xf32, #tpu.memory_space<vmem>>
      %dma_wait3A_1097 = tpu.memref_squeeze %dma_wait3A_1096 : memref<1x1x16x128xf32, #tpu.memory_space<vmem>> -> memref<16x128xf32, #tpu.memory_space<vmem>>
      %dma_wait3A_1098 = arith.constant 0 : i32
      %dma_wait3A_1099 = arith.constant 0 : i32
      %dma_wait3A_1100 = tpu.memref_slice %arg3[%dma_wait3A_1098, %dma_wait3A_1099] : memref<16x1000000xf32, #tpu.memory_space<hbm>> -> memref<16x128xf32, #tpu.memory_space<hbm>>
      %dma_wait3A_1101 = arith.constant 0 : i32
      %dma_wait3A_1102 = arith.constant 0 : i32
      %dma_wait3A_1103 = tpu.memref_slice %arg6[%dma_wait3A_1092, %dma_wait3A_1093, %dma_wait3A_1101, %dma_wait3A_1102] : memref<2x16x16x128xf32, #tpu.memory_space<vmem>> -> memref<1x1x16x128xf32, #tpu.memory_space<vmem>>
      %dma_wait3A_1104 = tpu.memref_squeeze %dma_wait3A_1103 : memref<1x1x16x128xf32, #tpu.memory_space<vmem>> -> memref<16x128xf32, #tpu.memory_space<vmem>>
      %dma_wait3A_1105 = arith.constant 0 : i32
      %dma_wait3A_1106 = arith.constant 0 : i32
      %dma_wait3A_1107 = tpu.memref_slice %arg3[%dma_wait3A_1105, %dma_wait3A_1106] : memref<16x1000000xf32, #tpu.memory_space<hbm>> -> memref<16x128xf32, #tpu.memory_space<hbm>>
      tpu.wait_dma2 semaphore(%arg8 : memref<!tpu.dma_semaphore, #tpu.memory_space<semaphore_mem>>) src(%dma_wait3A_1107 : memref<16x128xf32, #tpu.memory_space<hbm>>) dst(%dma_wait3A_1104 : memref<16x128xf32, #tpu.memory_space<vmem>>)
      %dma_wait3A_1108 = arith.constant 1 : i32
      %dma_wait3A_1109 = arith.constant 8 : i32
      %dma_wait3A_1110 = arith.constant 0 : i32
      %dma_wait3A_1111 = arith.constant 0 : i32
      %dma_wait3A_1112 = tpu.memref_slice %arg6[%dma_wait3A_1108, %dma_wait3A_1109, %dma_wait3A_1110, %dma_wait3A_1111] : memref<2x16x16x128xf32, #tpu.memory_space<vmem>> -> memref<1x1x16x128xf32, #tpu.memory_space<vmem>>
      %dma_wait3A_1113 = tpu.memref_squeeze %dma_wait3A_1112 : memref<1x1x16x128xf32, #tpu.memory_space<vmem>> -> memref<16x128xf32, #tpu.memory_space<vmem>>
      %dma_wait3A_1114 = arith.constant 0 : i32
      %dma_wait3A_1115 = arith.constant 0 : i32
      %dma_wait3A_1116 = tpu.memref_slice %arg3[%dma_wait3A_1114, %dma_wait3A_1115] : memref<16x1000000xf32, #tpu.memory_space<hbm>> -> memref<16x128xf32, #tpu.memory_space<hbm>>
      %dma_wait3A_1117 = arith.constant 0 : i32
      %dma_wait3A_1118 = arith.constant 0 : i32
      %dma_wait3A_1119 = tpu.memref_slice %arg6[%dma_wait3A_1108, %dma_wait3A_1109, %dma_wait3A_1117, %dma_wait3A_1118] : memref<2x16x16x128xf32, #tpu.memory_space<vmem>> -> memref<1x1x16x128xf32, #tpu.memory_space<vmem>>
      %dma_wait3A_1120 = tpu.memref_squeeze %dma_wait3A_1119 : memref<1x1x16x128xf32, #tpu.memory_space<vmem>> -> memref<16x128xf32, #tpu.memory_space<vmem>>
      %dma_wait3A_1121 = arith.constant 0 : i32
      %dma_wait3A_1122 = arith.constant 0 : i32
      %dma_wait3A_1123 = tpu.memref_slice %arg3[%dma_wait3A_1121, %dma_wait3A_1122] : memref<16x1000000xf32, #tpu.memory_space<hbm>> -> memref<16x128xf32, #tpu.memory_space<hbm>>
      tpu.wait_dma2 semaphore(%arg8 : memref<!tpu.dma_semaphore, #tpu.memory_space<semaphore_mem>>) src(%dma_wait3A_1123 : memref<16x128xf32, #tpu.memory_space<hbm>>) dst(%dma_wait3A_1120 : memref<16x128xf32, #tpu.memory_space<vmem>>)
      %dma_wait3A_1124 = arith.constant 1 : i32
      %dma_wait3A_1125 = arith.constant 9 : i32
      %dma_wait3A_1126 = arith.constant 0 : i32
      %dma_wait3A_1127 = arith.constant 0 : i32
      %dma_wait3A_1128 = tpu.memref_slice %arg6[%dma_wait3A_1124, %dma_wait3A_1125, %dma_wait3A_1126, %dma_wait3A_1127] : memref<2x16x16x128xf32, #tpu.memory_space<vmem>> -> memref<1x1x16x128xf32, #tpu.memory_space<vmem>>
      %dma_wait3A_1129 = tpu.memref_squeeze %dma_wait3A_1128 : memref<1x1x16x128xf32, #tpu.memory_space<vmem>> -> memref<16x128xf32, #tpu.memory_space<vmem>>
      %dma_wait3A_1130 = arith.constant 0 : i32
      %dma_wait3A_1131 = arith.constant 0 : i32
      %dma_wait3A_1132 = tpu.memref_slice %arg3[%dma_wait3A_1130, %dma_wait3A_1131] : memref<16x1000000xf32, #tpu.memory_space<hbm>> -> memref<16x128xf32, #tpu.memory_space<hbm>>
      %dma_wait3A_1133 = arith.constant 0 : i32
      %dma_wait3A_1134 = arith.constant 0 : i32
      %dma_wait3A_1135 = tpu.memref_slice %arg6[%dma_wait3A_1124, %dma_wait3A_1125, %dma_wait3A_1133, %dma_wait3A_1134] : memref<2x16x16x128xf32, #tpu.memory_space<vmem>> -> memref<1x1x16x128xf32, #tpu.memory_space<vmem>>
      %dma_wait3A_1136 = tpu.memref_squeeze %dma_wait3A_1135 : memref<1x1x16x128xf32, #tpu.memory_space<vmem>> -> memref<16x128xf32, #tpu.memory_space<vmem>>
      %dma_wait3A_1137 = arith.constant 0 : i32
      %dma_wait3A_1138 = arith.constant 0 : i32
      %dma_wait3A_1139 = tpu.memref_slice %arg3[%dma_wait3A_1137, %dma_wait3A_1138] : memref<16x1000000xf32, #tpu.memory_space<hbm>> -> memref<16x128xf32, #tpu.memory_space<hbm>>
      tpu.wait_dma2 semaphore(%arg8 : memref<!tpu.dma_semaphore, #tpu.memory_space<semaphore_mem>>) src(%dma_wait3A_1139 : memref<16x128xf32, #tpu.memory_space<hbm>>) dst(%dma_wait3A_1136 : memref<16x128xf32, #tpu.memory_space<vmem>>)
      %dma_wait3A_1140 = arith.constant 1 : i32
      %dma_wait3A_1141 = arith.constant 10 : i32
      %dma_wait3A_1142 = arith.constant 0 : i32
      %dma_wait3A_1143 = arith.constant 0 : i32
      %dma_wait3A_1144 = tpu.memref_slice %arg6[%dma_wait3A_1140, %dma_wait3A_1141, %dma_wait3A_1142, %dma_wait3A_1143] : memref<2x16x16x128xf32, #tpu.memory_space<vmem>> -> memref<1x1x16x128xf32, #tpu.memory_space<vmem>>
      %dma_wait3A_1145 = tpu.memref_squeeze %dma_wait3A_1144 : memref<1x1x16x128xf32, #tpu.memory_space<vmem>> -> memref<16x128xf32, #tpu.memory_space<vmem>>
      %dma_wait3A_1146 = arith.constant 0 : i32
      %dma_wait3A_1147 = arith.constant 0 : i32
      %dma_wait3A_1148 = tpu.memref_slice %arg3[%dma_wait3A_1146, %dma_wait3A_1147] : memref<16x1000000xf32, #tpu.memory_space<hbm>> -> memref<16x128xf32, #tpu.memory_space<hbm>>
      %dma_wait3A_1149 = arith.constant 0 : i32
      %dma_wait3A_1150 = arith.constant 0 : i32
      %dma_wait3A_1151 = tpu.memref_slice %arg6[%dma_wait3A_1140, %dma_wait3A_1141, %dma_wait3A_1149, %dma_wait3A_1150] : memref<2x16x16x128xf32, #tpu.memory_space<vmem>> -> memref<1x1x16x128xf32, #tpu.memory_space<vmem>>
      %dma_wait3A_1152 = tpu.memref_squeeze %dma_wait3A_1151 : memref<1x1x16x128xf32, #tpu.memory_space<vmem>> -> memref<16x128xf32, #tpu.memory_space<vmem>>
      %dma_wait3A_1153 = arith.constant 0 : i32
      %dma_wait3A_1154 = arith.constant 0 : i32
      %dma_wait3A_1155 = tpu.memref_slice %arg3[%dma_wait3A_1153, %dma_wait3A_1154] : memref<16x1000000xf32, #tpu.memory_space<hbm>> -> memref<16x128xf32, #tpu.memory_space<hbm>>
      tpu.wait_dma2 semaphore(%arg8 : memref<!tpu.dma_semaphore, #tpu.memory_space<semaphore_mem>>) src(%dma_wait3A_1155 : memref<16x128xf32, #tpu.memory_space<hbm>>) dst(%dma_wait3A_1152 : memref<16x128xf32, #tpu.memory_space<vmem>>)
      %dma_wait3A_1156 = arith.constant 1 : i32
      %dma_wait3A_1157 = arith.constant 11 : i32
      %dma_wait3A_1158 = arith.constant 0 : i32
      %dma_wait3A_1159 = arith.constant 0 : i32
      %dma_wait3A_1160 = tpu.memref_slice %arg6[%dma_wait3A_1156, %dma_wait3A_1157, %dma_wait3A_1158, %dma_wait3A_1159] : memref<2x16x16x128xf32, #tpu.memory_space<vmem>> -> memref<1x1x16x128xf32, #tpu.memory_space<vmem>>
      %dma_wait3A_1161 = tpu.memref_squeeze %dma_wait3A_1160 : memref<1x1x16x128xf32, #tpu.memory_space<vmem>> -> memref<16x128xf32, #tpu.memory_space<vmem>>
      %dma_wait3A_1162 = arith.constant 0 : i32
      %dma_wait3A_1163 = arith.constant 0 : i32
      %dma_wait3A_1164 = tpu.memref_slice %arg3[%dma_wait3A_1162, %dma_wait3A_1163] : memref<16x1000000xf32, #tpu.memory_space<hbm>> -> memref<16x128xf32, #tpu.memory_space<hbm>>
      %dma_wait3A_1165 = arith.constant 0 : i32
      %dma_wait3A_1166 = arith.constant 0 : i32
      %dma_wait3A_1167 = tpu.memref_slice %arg6[%dma_wait3A_1156, %dma_wait3A_1157, %dma_wait3A_1165, %dma_wait3A_1166] : memref<2x16x16x128xf32, #tpu.memory_space<vmem>> -> memref<1x1x16x128xf32, #tpu.memory_space<vmem>>
      %dma_wait3A_1168 = tpu.memref_squeeze %dma_wait3A_1167 : memref<1x1x16x128xf32, #tpu.memory_space<vmem>> -> memref<16x128xf32, #tpu.memory_space<vmem>>
      %dma_wait3A_1169 = arith.constant 0 : i32
      %dma_wait3A_1170 = arith.constant 0 : i32
      %dma_wait3A_1171 = tpu.memref_slice %arg3[%dma_wait3A_1169, %dma_wait3A_1170] : memref<16x1000000xf32, #tpu.memory_space<hbm>> -> memref<16x128xf32, #tpu.memory_space<hbm>>
      tpu.wait_dma2 semaphore(%arg8 : memref<!tpu.dma_semaphore, #tpu.memory_space<semaphore_mem>>) src(%dma_wait3A_1171 : memref<16x128xf32, #tpu.memory_space<hbm>>) dst(%dma_wait3A_1168 : memref<16x128xf32, #tpu.memory_space<vmem>>)
      %dma_wait3A_1172 = arith.constant 1 : i32
      %dma_wait3A_1173 = arith.constant 12 : i32
      %dma_wait3A_1174 = arith.constant 0 : i32
      %dma_wait3A_1175 = arith.constant 0 : i32
      %dma_wait3A_1176 = tpu.memref_slice %arg6[%dma_wait3A_1172, %dma_wait3A_1173, %dma_wait3A_1174, %dma_wait3A_1175] : memref<2x16x16x128xf32, #tpu.memory_space<vmem>> -> memref<1x1x16x128xf32, #tpu.memory_space<vmem>>
      %dma_wait3A_1177 = tpu.memref_squeeze %dma_wait3A_1176 : memref<1x1x16x128xf32, #tpu.memory_space<vmem>> -> memref<16x128xf32, #tpu.memory_space<vmem>>
      %dma_wait3A_1178 = arith.constant 0 : i32
      %dma_wait3A_1179 = arith.constant 0 : i32
      %dma_wait3A_1180 = tpu.memref_slice %arg3[%dma_wait3A_1178, %dma_wait3A_1179] : memref<16x1000000xf32, #tpu.memory_space<hbm>> -> memref<16x128xf32, #tpu.memory_space<hbm>>
      %dma_wait3A_1181 = arith.constant 0 : i32
      %dma_wait3A_1182 = arith.constant 0 : i32
      %dma_wait3A_1183 = tpu.memref_slice %arg6[%dma_wait3A_1172, %dma_wait3A_1173, %dma_wait3A_1181, %dma_wait3A_1182] : memref<2x16x16x128xf32, #tpu.memory_space<vmem>> -> memref<1x1x16x128xf32, #tpu.memory_space<vmem>>
      %dma_wait3A_1184 = tpu.memref_squeeze %dma_wait3A_1183 : memref<1x1x16x128xf32, #tpu.memory_space<vmem>> -> memref<16x128xf32, #tpu.memory_space<vmem>>
      %dma_wait3A_1185 = arith.constant 0 : i32
      %dma_wait3A_1186 = arith.constant 0 : i32
      %dma_wait3A_1187 = tpu.memref_slice %arg3[%dma_wait3A_1185, %dma_wait3A_1186] : memref<16x1000000xf32, #tpu.memory_space<hbm>> -> memref<16x128xf32, #tpu.memory_space<hbm>>
      tpu.wait_dma2 semaphore(%arg8 : memref<!tpu.dma_semaphore, #tpu.memory_space<semaphore_mem>>) src(%dma_wait3A_1187 : memref<16x128xf32, #tpu.memory_space<hbm>>) dst(%dma_wait3A_1184 : memref<16x128xf32, #tpu.memory_space<vmem>>)
      %dma_wait3A_1188 = arith.constant 1 : i32
      %dma_wait3A_1189 = arith.constant 13 : i32
      %dma_wait3A_1190 = arith.constant 0 : i32
      %dma_wait3A_1191 = arith.constant 0 : i32
      %dma_wait3A_1192 = tpu.memref_slice %arg6[%dma_wait3A_1188, %dma_wait3A_1189, %dma_wait3A_1190, %dma_wait3A_1191] : memref<2x16x16x128xf32, #tpu.memory_space<vmem>> -> memref<1x1x16x128xf32, #tpu.memory_space<vmem>>
      %dma_wait3A_1193 = tpu.memref_squeeze %dma_wait3A_1192 : memref<1x1x16x128xf32, #tpu.memory_space<vmem>> -> memref<16x128xf32, #tpu.memory_space<vmem>>
      %dma_wait3A_1194 = arith.constant 0 : i32
      %dma_wait3A_1195 = arith.constant 0 : i32
      %dma_wait3A_1196 = tpu.memref_slice %arg3[%dma_wait3A_1194, %dma_wait3A_1195] : memref<16x1000000xf32, #tpu.memory_space<hbm>> -> memref<16x128xf32, #tpu.memory_space<hbm>>
      %dma_wait3A_1197 = arith.constant 0 : i32
      %dma_wait3A_1198 = arith.constant 0 : i32
      %dma_wait3A_1199 = tpu.memref_slice %arg6[%dma_wait3A_1188, %dma_wait3A_1189, %dma_wait3A_1197, %dma_wait3A_1198] : memref<2x16x16x128xf32, #tpu.memory_space<vmem>> -> memref<1x1x16x128xf32, #tpu.memory_space<vmem>>
      %dma_wait3A_1200 = tpu.memref_squeeze %dma_wait3A_1199 : memref<1x1x16x128xf32, #tpu.memory_space<vmem>> -> memref<16x128xf32, #tpu.memory_space<vmem>>
      %dma_wait3A_1201 = arith.constant 0 : i32
      %dma_wait3A_1202 = arith.constant 0 : i32
      %dma_wait3A_1203 = tpu.memref_slice %arg3[%dma_wait3A_1201, %dma_wait3A_1202] : memref<16x1000000xf32, #tpu.memory_space<hbm>> -> memref<16x128xf32, #tpu.memory_space<hbm>>
      tpu.wait_dma2 semaphore(%arg8 : memref<!tpu.dma_semaphore, #tpu.memory_space<semaphore_mem>>) src(%dma_wait3A_1203 : memref<16x128xf32, #tpu.memory_space<hbm>>) dst(%dma_wait3A_1200 : memref<16x128xf32, #tpu.memory_space<vmem>>)
      %dma_wait3A_1204 = arith.constant 1 : i32
      %dma_wait3A_1205 = arith.constant 14 : i32
      %dma_wait3A_1206 = arith.constant 0 : i32
      %dma_wait3A_1207 = arith.constant 0 : i32
      %dma_wait3A_1208 = tpu.memref_slice %arg6[%dma_wait3A_1204, %dma_wait3A_1205, %dma_wait3A_1206, %dma_wait3A_1207] : memref<2x16x16x128xf32, #tpu.memory_space<vmem>> -> memref<1x1x16x128xf32, #tpu.memory_space<vmem>>
      %dma_wait3A_1209 = tpu.memref_squeeze %dma_wait3A_1208 : memref<1x1x16x128xf32, #tpu.memory_space<vmem>> -> memref<16x128xf32, #tpu.memory_space<vmem>>
      %dma_wait3A_1210 = arith.constant 0 : i32
      %dma_wait3A_1211 = arith.constant 0 : i32
      %dma_wait3A_1212 = tpu.memref_slice %arg3[%dma_wait3A_1210, %dma_wait3A_1211] : memref<16x1000000xf32, #tpu.memory_space<hbm>> -> memref<16x128xf32, #tpu.memory_space<hbm>>
      %dma_wait3A_1213 = arith.constant 0 : i32
      %dma_wait3A_1214 = arith.constant 0 : i32
      %dma_wait3A_1215 = tpu.memref_slice %arg6[%dma_wait3A_1204, %dma_wait3A_1205, %dma_wait3A_1213, %dma_wait3A_1214] : memref<2x16x16x128xf32, #tpu.memory_space<vmem>> -> memref<1x1x16x128xf32, #tpu.memory_space<vmem>>
      %dma_wait3A_1216 = tpu.memref_squeeze %dma_wait3A_1215 : memref<1x1x16x128xf32, #tpu.memory_space<vmem>> -> memref<16x128xf32, #tpu.memory_space<vmem>>
      %dma_wait3A_1217 = arith.constant 0 : i32
      %dma_wait3A_1218 = arith.constant 0 : i32
      %dma_wait3A_1219 = tpu.memref_slice %arg3[%dma_wait3A_1217, %dma_wait3A_1218] : memref<16x1000000xf32, #tpu.memory_space<hbm>> -> memref<16x128xf32, #tpu.memory_space<hbm>>
      tpu.wait_dma2 semaphore(%arg8 : memref<!tpu.dma_semaphore, #tpu.memory_space<semaphore_mem>>) src(%dma_wait3A_1219 : memref<16x128xf32, #tpu.memory_space<hbm>>) dst(%dma_wait3A_1216 : memref<16x128xf32, #tpu.memory_space<vmem>>)
      %dma_wait3A_1220 = arith.constant 1 : i32
      %dma_wait3A_1221 = arith.constant 15 : i32
      %dma_wait3A_1222 = arith.constant 0 : i32
      %dma_wait3A_1223 = arith.constant 0 : i32
      %dma_wait3A_1224 = tpu.memref_slice %arg6[%dma_wait3A_1220, %dma_wait3A_1221, %dma_wait3A_1222, %dma_wait3A_1223] : memref<2x16x16x128xf32, #tpu.memory_space<vmem>> -> memref<1x1x16x128xf32, #tpu.memory_space<vmem>>
      %dma_wait3A_1225 = tpu.memref_squeeze %dma_wait3A_1224 : memref<1x1x16x128xf32, #tpu.memory_space<vmem>> -> memref<16x128xf32, #tpu.memory_space<vmem>>
      %dma_wait3A_1226 = arith.constant 0 : i32
      %dma_wait3A_1227 = arith.constant 0 : i32
      %dma_wait3A_1228 = tpu.memref_slice %arg3[%dma_wait3A_1226, %dma_wait3A_1227] : memref<16x1000000xf32, #tpu.memory_space<hbm>> -> memref<16x128xf32, #tpu.memory_space<hbm>>
      %dma_wait3A_1229 = arith.constant 0 : i32
      %dma_wait3A_1230 = arith.constant 0 : i32
      %dma_wait3A_1231 = tpu.memref_slice %arg6[%dma_wait3A_1220, %dma_wait3A_1221, %dma_wait3A_1229, %dma_wait3A_1230] : memref<2x16x16x128xf32, #tpu.memory_space<vmem>> -> memref<1x1x16x128xf32, #tpu.memory_space<vmem>>
      %dma_wait3A_1232 = tpu.memref_squeeze %dma_wait3A_1231 : memref<1x1x16x128xf32, #tpu.memory_space<vmem>> -> memref<16x128xf32, #tpu.memory_space<vmem>>
      %dma_wait3A_1233 = arith.constant 0 : i32
      %dma_wait3A_1234 = arith.constant 0 : i32
      %dma_wait3A_1235 = tpu.memref_slice %arg3[%dma_wait3A_1233, %dma_wait3A_1234] : memref<16x1000000xf32, #tpu.memory_space<hbm>> -> memref<16x128xf32, #tpu.memory_space<hbm>>
      tpu.wait_dma2 semaphore(%arg8 : memref<!tpu.dma_semaphore, #tpu.memory_space<semaphore_mem>>) src(%dma_wait3A_1235 : memref<16x128xf32, #tpu.memory_space<hbm>>) dst(%dma_wait3A_1232 : memref<16x128xf32, #tpu.memory_space<vmem>>)
      %add3A_1236 = arith.constant 1 : i32
      %add3A_1237 = arith.addi %mul3A_284, %add3A_1236 : i32
      %mul3A_1238 = arith.constant 16 : i32
      %mul3A_1239 = arith.muli %add3A_1237, %mul3A_1238 : i32
      %get3A_1240 = arith.index_cast %mul3A_1239 : i32 to index
      %get3A_1241 = tpu.vector_load %arg5[%get3A_1240] {strides = array<i32>} : memref<512xi32, #tpu.memory_space<vmem>>, vector<16xi32>,
      %and3A_1242 = arith.constant 127 : i32
      %and3A_1243 = vector.broadcast %and3A_1242 : i32 to vector<16xi32>
      %and3A_1244 = arith.andi %get3A_1241, %and3A_1243 : vector<16xi32>
      %mul3A_1245 = arith.constant 16 : i32
      %mul3A_1246 = arith.muli %add3A_1237, %mul3A_1245 : i32
      %add3A_1247 = vector.broadcast %mul3A_1246 : i32 to vector<16xi32>
      %add3A_1248 = arith.addi %add3A_1247, %iota3A : vector<16xi32>
      %broadcast_in_dim3A_1249 = arith.constant 0 : i32
      %broadcast_in_dim3A_1250 = vector.broadcast %broadcast_in_dim3A_1249 : i32 to vector<16xi32>
      %gather3A_1251 = arith.constant 1 : i32
      %gather3A_1252 = arith.constant 0 : i32
      %gather3A_1253 = arith.constant 0 : i32
      %gather3A_1254 = arith.constant 0 : i32
      %gather3A_1255 = tpu.memref_slice %arg6[%gather3A_1251, %gather3A_1252, %gather3A_1253, %gather3A_1254] : memref<2x16x16x128xf32, #tpu.memory_space<vmem>> -> memref<1x16x16x128xf32, #tpu.memory_space<vmem>>
      %gather3A_1256 = tpu.memref_squeeze %gather3A_1255 : memref<1x16x16x128xf32, #tpu.memory_space<vmem>> -> memref<16x16x128xf32, #tpu.memory_space<vmem>>
      %gather3A_1257 = tpu.vector_load_idx %gather3A_1256[%iota3A, %broadcast_in_dim3A_1250, %and3A_1244] : memref<16x16x128xf32, #tpu.memory_space<vmem>>[vector<16xi32>, vector<16xi32>, vector<16xi32>], vector<16xf32>,
      tpu.vector_store_idx %arg7[%broadcast_in_dim3A_1250, %add3A_1248], %gather3A_1257 : memref<16x512xf32, #tpu.memory_space<vmem>>[vector<16xi32>, vector<16xi32>], vector<16xf32>,
      %broadcast_in_dim3A_1258 = arith.constant 1 : i32
      %broadcast_in_dim3A_1259 = vector.broadcast %broadcast_in_dim3A_1258 : i32 to vector<16xi32>
      %gather3A_1260 = arith.constant 1 : i32
      %gather3A_1261 = arith.constant 0 : i32
      %gather3A_1262 = arith.constant 0 : i32
      %gather3A_1263 = arith.constant 0 : i32
      %gather3A_1264 = tpu.memref_slice %arg6[%gather3A_1260, %gather3A_1261, %gather3A_1262, %gather3A_1263] : memref<2x16x16x128xf32, #tpu.memory_space<vmem>> -> memref<1x16x16x128xf32, #tpu.memory_space<vmem>>
      %gather3A_1265 = tpu.memref_squeeze %gather3A_1264 : memref<1x16x16x128xf32, #tpu.memory_space<vmem>> -> memref<16x16x128xf32, #tpu.memory_space<vmem>>
      %gather3A_1266 = tpu.vector_load_idx %gather3A_1265[%iota3A, %broadcast_in_dim3A_1259, %and3A_1244] : memref<16x16x128xf32, #tpu.memory_space<vmem>>[vector<16xi32>, vector<16xi32>, vector<16xi32>], vector<16xf32>,
      tpu.vector_store_idx %arg7[%broadcast_in_dim3A_1259, %add3A_1248], %gather3A_1266 : memref<16x512xf32, #tpu.memory_space<vmem>>[vector<16xi32>, vector<16xi32>], vector<16xf32>,
      %broadcast_in_dim3A_1267 = arith.constant 2 : i32
      %broadcast_in_dim3A_1268 = vector.broadcast %broadcast_in_dim3A_1267 : i32 to vector<16xi32>
      %gather3A_1269 = arith.constant 1 : i32
      %gather3A_1270 = arith.constant 0 : i32
      %gather3A_1271 = arith.constant 0 : i32
      %gather3A_1272 = arith.constant 0 : i32
      %gather3A_1273 = tpu.memref_slice %arg6[%gather3A_1269, %gather3A_1270, %gather3A_1271, %gather3A_1272] : memref<2x16x16x128xf32, #tpu.memory_space<vmem>> -> memref<1x16x16x128xf32, #tpu.memory_space<vmem>>
      %gather3A_1274 = tpu.memref_squeeze %gather3A_1273 : memref<1x16x16x128xf32, #tpu.memory_space<vmem>> -> memref<16x16x128xf32, #tpu.memory_space<vmem>>
      %gather3A_1275 = tpu.vector_load_idx %gather3A_1274[%iota3A, %broadcast_in_dim3A_1268, %and3A_1244] : memref<16x16x128xf32, #tpu.memory_space<vmem>>[vector<16xi32>, vector<16xi32>, vector<16xi32>], vector<16xf32>,
      tpu.vector_store_idx %arg7[%broadcast_in_dim3A_1268, %add3A_1248], %gather3A_1275 : memref<16x512xf32, #tpu.memory_space<vmem>>[vector<16xi32>, vector<16xi32>], vector<16xf32>,
      %broadcast_in_dim3A_1276 = arith.constant 3 : i32
      %broadcast_in_dim3A_1277 = vector.broadcast %broadcast_in_dim3A_1276 : i32 to vector<16xi32>
      %gather3A_1278 = arith.constant 1 : i32
      %gather3A_1279 = arith.constant 0 : i32
      %gather3A_1280 = arith.constant 0 : i32
      %gather3A_1281 = arith.constant 0 : i32
      %gather3A_1282 = tpu.memref_slice %arg6[%gather3A_1278, %gather3A_1279, %gather3A_1280, %gather3A_1281] : memref<2x16x16x128xf32, #tpu.memory_space<vmem>> -> memref<1x16x16x128xf32, #tpu.memory_space<vmem>>
      %gather3A_1283 = tpu.memref_squeeze %gather3A_1282 : memref<1x16x16x128xf32, #tpu.memory_space<vmem>> -> memref<16x16x128xf32, #tpu.memory_space<vmem>>
      %gather3A_1284 = tpu.vector_load_idx %gather3A_1283[%iota3A, %broadcast_in_dim3A_1277, %and3A_1244] : memref<16x16x128xf32, #tpu.memory_space<vmem>>[vector<16xi32>, vector<16xi32>, vector<16xi32>], vector<16xf32>,
      tpu.vector_store_idx %arg7[%broadcast_in_dim3A_1277, %add3A_1248], %gather3A_1284 : memref<16x512xf32, #tpu.memory_space<vmem>>[vector<16xi32>, vector<16xi32>], vector<16xf32>,
      %broadcast_in_dim3A_1285 = arith.constant 4 : i32
      %broadcast_in_dim3A_1286 = vector.broadcast %broadcast_in_dim3A_1285 : i32 to vector<16xi32>
      %gather3A_1287 = arith.constant 1 : i32
      %gather3A_1288 = arith.constant 0 : i32
      %gather3A_1289 = arith.constant 0 : i32
      %gather3A_1290 = arith.constant 0 : i32
      %gather3A_1291 = tpu.memref_slice %arg6[%gather3A_1287, %gather3A_1288, %gather3A_1289, %gather3A_1290] : memref<2x16x16x128xf32, #tpu.memory_space<vmem>> -> memref<1x16x16x128xf32, #tpu.memory_space<vmem>>
      %gather3A_1292 = tpu.memref_squeeze %gather3A_1291 : memref<1x16x16x128xf32, #tpu.memory_space<vmem>> -> memref<16x16x128xf32, #tpu.memory_space<vmem>>
      %gather3A_1293 = tpu.vector_load_idx %gather3A_1292[%iota3A, %broadcast_in_dim3A_1286, %and3A_1244] : memref<16x16x128xf32, #tpu.memory_space<vmem>>[vector<16xi32>, vector<16xi32>, vector<16xi32>], vector<16xf32>,
      tpu.vector_store_idx %arg7[%broadcast_in_dim3A_1286, %add3A_1248], %gather3A_1293 : memref<16x512xf32, #tpu.memory_space<vmem>>[vector<16xi32>, vector<16xi32>], vector<16xf32>,
      %broadcast_in_dim3A_1294 = arith.constant 5 : i32
      %broadcast_in_dim3A_1295 = vector.broadcast %broadcast_in_dim3A_1294 : i32 to vector<16xi32>
      %gather3A_1296 = arith.constant 1 : i32
      %gather3A_1297 = arith.constant 0 : i32
      %gather3A_1298 = arith.constant 0 : i32
      %gather3A_1299 = arith.constant 0 : i32
      %gather3A_1300 = tpu.memref_slice %arg6[%gather3A_1296, %gather3A_1297, %gather3A_1298, %gather3A_1299] : memref<2x16x16x128xf32, #tpu.memory_space<vmem>> -> memref<1x16x16x128xf32, #tpu.memory_space<vmem>>
      %gather3A_1301 = tpu.memref_squeeze %gather3A_1300 : memref<1x16x16x128xf32, #tpu.memory_space<vmem>> -> memref<16x16x128xf32, #tpu.memory_space<vmem>>
      %gather3A_1302 = tpu.vector_load_idx %gather3A_1301[%iota3A, %broadcast_in_dim3A_1295, %and3A_1244] : memref<16x16x128xf32, #tpu.memory_space<vmem>>[vector<16xi32>, vector<16xi32>, vector<16xi32>], vector<16xf32>,
      tpu.vector_store_idx %arg7[%broadcast_in_dim3A_1295, %add3A_1248], %gather3A_1302 : memref<16x512xf32, #tpu.memory_space<vmem>>[vector<16xi32>, vector<16xi32>], vector<16xf32>,
      %broadcast_in_dim3A_1303 = arith.constant 6 : i32
      %broadcast_in_dim3A_1304 = vector.broadcast %broadcast_in_dim3A_1303 : i32 to vector<16xi32>
      %gather3A_1305 = arith.constant 1 : i32
      %gather3A_1306 = arith.constant 0 : i32
      %gather3A_1307 = arith.constant 0 : i32
      %gather3A_1308 = arith.constant 0 : i32
      %gather3A_1309 = tpu.memref_slice %arg6[%gather3A_1305, %gather3A_1306, %gather3A_1307, %gather3A_1308] : memref<2x16x16x128xf32, #tpu.memory_space<vmem>> -> memref<1x16x16x128xf32, #tpu.memory_space<vmem>>
      %gather3A_1310 = tpu.memref_squeeze %gather3A_1309 : memref<1x16x16x128xf32, #tpu.memory_space<vmem>> -> memref<16x16x128xf32, #tpu.memory_space<vmem>>
      %gather3A_1311 = tpu.vector_load_idx %gather3A_1310[%iota3A, %broadcast_in_dim3A_1304, %and3A_1244] : memref<16x16x128xf32, #tpu.memory_space<vmem>>[vector<16xi32>, vector<16xi32>, vector<16xi32>], vector<16xf32>,
      tpu.vector_store_idx %arg7[%broadcast_in_dim3A_1304, %add3A_1248], %gather3A_1311 : memref<16x512xf32, #tpu.memory_space<vmem>>[vector<16xi32>, vector<16xi32>], vector<16xf32>,
      %broadcast_in_dim3A_1312 = arith.constant 7 : i32
      %broadcast_in_dim3A_1313 = vector.broadcast %broadcast_in_dim3A_1312 : i32 to vector<16xi32>
      %gather3A_1314 = arith.constant 1 : i32
      %gather3A_1315 = arith.constant 0 : i32
      %gather3A_1316 = arith.constant 0 : i32
      %gather3A_1317 = arith.constant 0 : i32
      %gather3A_1318 = tpu.memref_slice %arg6[%gather3A_1314, %gather3A_1315, %gather3A_1316, %gather3A_1317] : memref<2x16x16x128xf32, #tpu.memory_space<vmem>> -> memref<1x16x16x128xf32, #tpu.memory_space<vmem>>
      %gather3A_1319 = tpu.memref_squeeze %gather3A_1318 : memref<1x16x16x128xf32, #tpu.memory_space<vmem>> -> memref<16x16x128xf32, #tpu.memory_space<vmem>>
      %gather3A_1320 = tpu.vector_load_idx %gather3A_1319[%iota3A, %broadcast_in_dim3A_1313, %and3A_1244] : memref<16x16x128xf32, #tpu.memory_space<vmem>>[vector<16xi32>, vector<16xi32>, vector<16xi32>], vector<16xf32>,
      tpu.vector_store_idx %arg7[%broadcast_in_dim3A_1313, %add3A_1248], %gather3A_1320 : memref<16x512xf32, #tpu.memory_space<vmem>>[vector<16xi32>, vector<16xi32>], vector<16xf32>,
      %broadcast_in_dim3A_1321 = arith.constant 8 : i32
      %broadcast_in_dim3A_1322 = vector.broadcast %broadcast_in_dim3A_1321 : i32 to vector<16xi32>
      %gather3A_1323 = arith.constant 1 : i32
      %gather3A_1324 = arith.constant 0 : i32
      %gather3A_1325 = arith.constant 0 : i32
      %gather3A_1326 = arith.constant 0 : i32
      %gather3A_1327 = tpu.memref_slice %arg6[%gather3A_1323, %gather3A_1324, %gather3A_1325, %gather3A_1326] : memref<2x16x16x128xf32, #tpu.memory_space<vmem>> -> memref<1x16x16x128xf32, #tpu.memory_space<vmem>>
      %gather3A_1328 = tpu.memref_squeeze %gather3A_1327 : memref<1x16x16x128xf32, #tpu.memory_space<vmem>> -> memref<16x16x128xf32, #tpu.memory_space<vmem>>
      %gather3A_1329 = tpu.vector_load_idx %gather3A_1328[%iota3A, %broadcast_in_dim3A_1322, %and3A_1244] : memref<16x16x128xf32, #tpu.memory_space<vmem>>[vector<16xi32>, vector<16xi32>, vector<16xi32>], vector<16xf32>,
      tpu.vector_store_idx %arg7[%broadcast_in_dim3A_1322, %add3A_1248], %gather3A_1329 : memref<16x512xf32, #tpu.memory_space<vmem>>[vector<16xi32>, vector<16xi32>], vector<16xf32>,
      %broadcast_in_dim3A_1330 = arith.constant 9 : i32
      %broadcast_in_dim3A_1331 = vector.broadcast %broadcast_in_dim3A_1330 : i32 to vector<16xi32>
      %gather3A_1332 = arith.constant 1 : i32
      %gather3A_1333 = arith.constant 0 : i32
      %gather3A_1334 = arith.constant 0 : i32
      %gather3A_1335 = arith.constant 0 : i32
      %gather3A_1336 = tpu.memref_slice %arg6[%gather3A_1332, %gather3A_1333, %gather3A_1334, %gather3A_1335] : memref<2x16x16x128xf32, #tpu.memory_space<vmem>> -> memref<1x16x16x128xf32, #tpu.memory_space<vmem>>
      %gather3A_1337 = tpu.memref_squeeze %gather3A_1336 : memref<1x16x16x128xf32, #tpu.memory_space<vmem>> -> memref<16x16x128xf32, #tpu.memory_space<vmem>>
      %gather3A_1338 = tpu.vector_load_idx %gather3A_1337[%iota3A, %broadcast_in_dim3A_1331, %and3A_1244] : memref<16x16x128xf32, #tpu.memory_space<vmem>>[vector<16xi32>, vector<16xi32>, vector<16xi32>], vector<16xf32>,
      tpu.vector_store_idx %arg7[%broadcast_in_dim3A_1331, %add3A_1248], %gather3A_1338 : memref<16x512xf32, #tpu.memory_space<vmem>>[vector<16xi32>, vector<16xi32>], vector<16xf32>,
      %broadcast_in_dim3A_1339 = arith.constant 10 : i32
      %broadcast_in_dim3A_1340 = vector.broadcast %broadcast_in_dim3A_1339 : i32 to vector<16xi32>
      %gather3A_1341 = arith.constant 1 : i32
      %gather3A_1342 = arith.constant 0 : i32
      %gather3A_1343 = arith.constant 0 : i32
      %gather3A_1344 = arith.constant 0 : i32
      %gather3A_1345 = tpu.memref_slice %arg6[%gather3A_1341, %gather3A_1342, %gather3A_1343, %gather3A_1344] : memref<2x16x16x128xf32, #tpu.memory_space<vmem>> -> memref<1x16x16x128xf32, #tpu.memory_space<vmem>>
      %gather3A_1346 = tpu.memref_squeeze %gather3A_1345 : memref<1x16x16x128xf32, #tpu.memory_space<vmem>> -> memref<16x16x128xf32, #tpu.memory_space<vmem>>
      %gather3A_1347 = tpu.vector_load_idx %gather3A_1346[%iota3A, %broadcast_in_dim3A_1340, %and3A_1244] : memref<16x16x128xf32, #tpu.memory_space<vmem>>[vector<16xi32>, vector<16xi32>, vector<16xi32>], vector<16xf32>,
      tpu.vector_store_idx %arg7[%broadcast_in_dim3A_1340, %add3A_1248], %gather3A_1347 : memref<16x512xf32, #tpu.memory_space<vmem>>[vector<16xi32>, vector<16xi32>], vector<16xf32>,
      %broadcast_in_dim3A_1348 = arith.constant 11 : i32
      %broadcast_in_dim3A_1349 = vector.broadcast %broadcast_in_dim3A_1348 : i32 to vector<16xi32>
      %gather3A_1350 = arith.constant 1 : i32
      %gather3A_1351 = arith.constant 0 : i32
      %gather3A_1352 = arith.constant 0 : i32
      %gather3A_1353 = arith.constant 0 : i32
      %gather3A_1354 = tpu.memref_slice %arg6[%gather3A_1350, %gather3A_1351, %gather3A_1352, %gather3A_1353] : memref<2x16x16x128xf32, #tpu.memory_space<vmem>> -> memref<1x16x16x128xf32, #tpu.memory_space<vmem>>
      %gather3A_1355 = tpu.memref_squeeze %gather3A_1354 : memref<1x16x16x128xf32, #tpu.memory_space<vmem>> -> memref<16x16x128xf32, #tpu.memory_space<vmem>>
      %gather3A_1356 = tpu.vector_load_idx %gather3A_1355[%iota3A, %broadcast_in_dim3A_1349, %and3A_1244] : memref<16x16x128xf32, #tpu.memory_space<vmem>>[vector<16xi32>, vector<16xi32>, vector<16xi32>], vector<16xf32>,
      tpu.vector_store_idx %arg7[%broadcast_in_dim3A_1349, %add3A_1248], %gather3A_1356 : memref<16x512xf32, #tpu.memory_space<vmem>>[vector<16xi32>, vector<16xi32>], vector<16xf32>,
      %broadcast_in_dim3A_1357 = arith.constant 12 : i32
      %broadcast_in_dim3A_1358 = vector.broadcast %broadcast_in_dim3A_1357 : i32 to vector<16xi32>
      %gather3A_1359 = arith.constant 1 : i32
      %gather3A_1360 = arith.constant 0 : i32
      %gather3A_1361 = arith.constant 0 : i32
      %gather3A_1362 = arith.constant 0 : i32
      %gather3A_1363 = tpu.memref_slice %arg6[%gather3A_1359, %gather3A_1360, %gather3A_1361, %gather3A_1362] : memref<2x16x16x128xf32, #tpu.memory_space<vmem>> -> memref<1x16x16x128xf32, #tpu.memory_space<vmem>>
      %gather3A_1364 = tpu.memref_squeeze %gather3A_1363 : memref<1x16x16x128xf32, #tpu.memory_space<vmem>> -> memref<16x16x128xf32, #tpu.memory_space<vmem>>
      %gather3A_1365 = tpu.vector_load_idx %gather3A_1364[%iota3A, %broadcast_in_dim3A_1358, %and3A_1244] : memref<16x16x128xf32, #tpu.memory_space<vmem>>[vector<16xi32>, vector<16xi32>, vector<16xi32>], vector<16xf32>,
      tpu.vector_store_idx %arg7[%broadcast_in_dim3A_1358, %add3A_1248], %gather3A_1365 : memref<16x512xf32, #tpu.memory_space<vmem>>[vector<16xi32>, vector<16xi32>], vector<16xf32>,
      %broadcast_in_dim3A_1366 = arith.constant 13 : i32
      %broadcast_in_dim3A_1367 = vector.broadcast %broadcast_in_dim3A_1366 : i32 to vector<16xi32>
      %gather3A_1368 = arith.constant 1 : i32
      %gather3A_1369 = arith.constant 0 : i32
      %gather3A_1370 = arith.constant 0 : i32
      %gather3A_1371 = arith.constant 0 : i32
      %gather3A_1372 = tpu.memref_slice %arg6[%gather3A_1368, %gather3A_1369, %gather3A_1370, %gather3A_1371] : memref<2x16x16x128xf32, #tpu.memory_space<vmem>> -> memref<1x16x16x128xf32, #tpu.memory_space<vmem>>
      %gather3A_1373 = tpu.memref_squeeze %gather3A_1372 : memref<1x16x16x128xf32, #tpu.memory_space<vmem>> -> memref<16x16x128xf32, #tpu.memory_space<vmem>>
      %gather3A_1374 = tpu.vector_load_idx %gather3A_1373[%iota3A, %broadcast_in_dim3A_1367, %and3A_1244] : memref<16x16x128xf32, #tpu.memory_space<vmem>>[vector<16xi32>, vector<16xi32>, vector<16xi32>], vector<16xf32>,
      tpu.vector_store_idx %arg7[%broadcast_in_dim3A_1367, %add3A_1248], %gather3A_1374 : memref<16x512xf32, #tpu.memory_space<vmem>>[vector<16xi32>, vector<16xi32>], vector<16xf32>,
      %broadcast_in_dim3A_1375 = arith.constant 14 : i32
      %broadcast_in_dim3A_1376 = vector.broadcast %broadcast_in_dim3A_1375 : i32 to vector<16xi32>
      %gather3A_1377 = arith.constant 1 : i32
      %gather3A_1378 = arith.constant 0 : i32
      %gather3A_1379 = arith.constant 0 : i32
      %gather3A_1380 = arith.constant 0 : i32
      %gather3A_1381 = tpu.memref_slice %arg6[%gather3A_1377, %gather3A_1378, %gather3A_1379, %gather3A_1380] : memref<2x16x16x128xf32, #tpu.memory_space<vmem>> -> memref<1x16x16x128xf32, #tpu.memory_space<vmem>>
      %gather3A_1382 = tpu.memref_squeeze %gather3A_1381 : memref<1x16x16x128xf32, #tpu.memory_space<vmem>> -> memref<16x16x128xf32, #tpu.memory_space<vmem>>
      %gather3A_1383 = tpu.vector_load_idx %gather3A_1382[%iota3A, %broadcast_in_dim3A_1376, %and3A_1244] : memref<16x16x128xf32, #tpu.memory_space<vmem>>[vector<16xi32>, vector<16xi32>, vector<16xi32>], vector<16xf32>,
      tpu.vector_store_idx %arg7[%broadcast_in_dim3A_1376, %add3A_1248], %gather3A_1383 : memref<16x512xf32, #tpu.memory_space<vmem>>[vector<16xi32>, vector<16xi32>], vector<16xf32>,
      %broadcast_in_dim3A_1384 = arith.constant 15 : i32
      %broadcast_in_dim3A_1385 = vector.broadcast %broadcast_in_dim3A_1384 : i32 to vector<16xi32>
      %gather3A_1386 = arith.constant 1 : i32
      %gather3A_1387 = arith.constant 0 : i32
      %gather3A_1388 = arith.constant 0 : i32
      %gather3A_1389 = arith.constant 0 : i32
      %gather3A_1390 = tpu.memref_slice %arg6[%gather3A_1386, %gather3A_1387, %gather3A_1388, %gather3A_1389] : memref<2x16x16x128xf32, #tpu.memory_space<vmem>> -> memref<1x16x16x128xf32, #tpu.memory_space<vmem>>
      %gather3A_1391 = tpu.memref_squeeze %gather3A_1390 : memref<1x16x16x128xf32, #tpu.memory_space<vmem>> -> memref<16x16x128xf32, #tpu.memory_space<vmem>>
      %gather3A_1392 = tpu.vector_load_idx %gather3A_1391[%iota3A, %broadcast_in_dim3A_1385, %and3A_1244] : memref<16x16x128xf32, #tpu.memory_space<vmem>>[vector<16xi32>, vector<16xi32>, vector<16xi32>], vector<16xf32>,
      tpu.vector_store_idx %arg7[%broadcast_in_dim3A_1385, %add3A_1248], %gather3A_1392 : memref<16x512xf32, #tpu.memory_space<vmem>>[vector<16xi32>, vector<16xi32>], vector<16xf32>,
    }
    %scan3A_281 = arith.constant 16 : i32
    "tpu.region"() ({
      %run_scoped3A = tpu.sem_alloc : memref<!tpu.dma_semaphore, #tpu.memory_space<semaphore_mem>>
      %dma_start3A_282 = arith.constant 0 : i32
      %dma_start3A_283 = tpu.memref_slice %arg4[%dma_start3A_282, %mul3A_2] : memref<16x16384xf32, #tpu.memory_space<hbm>> -> memref<16x512xf32, #tpu.memory_space<hbm>>
      %dma_start3A_284 = arith.constant 0 : i32
      %dma_start3A_285 = tpu.memref_slice %arg4[%dma_start3A_284, %mul3A_2] : memref<16x16384xf32, #tpu.memory_space<hbm>> -> memref<16x512xf32, #tpu.memory_space<hbm>>
      tpu.enqueue_dma source(%arg7 : memref<16x512xf32, #tpu.memory_space<vmem>>) target(%dma_start3A_285 : memref<16x512xf32, #tpu.memory_space<hbm>>) target_semaphore(%run_scoped3A : memref<!tpu.dma_semaphore, #tpu.memory_space<semaphore_mem>>)
      %dma_wait3A = arith.constant 0 : i32
      %dma_wait3A_286 = tpu.memref_slice %arg4[%dma_wait3A, %mul3A_2] : memref<16x16384xf32, #tpu.memory_space<hbm>> -> memref<16x512xf32, #tpu.memory_space<hbm>>
      %dma_wait3A_287 = arith.constant 0 : i32
      %dma_wait3A_288 = tpu.memref_slice %arg4[%dma_wait3A_287, %mul3A_2] : memref<16x16384xf32, #tpu.memory_space<hbm>> -> memref<16x512xf32, #tpu.memory_space<hbm>>
      tpu.wait_dma2 semaphore(%run_scoped3A : memref<!tpu.dma_semaphore, #tpu.memory_space<semaphore_mem>>) src(%arg7 : memref<16x512xf32, #tpu.memory_space<vmem>>) dst(%dma_wait3A_288 : memref<16x512xf32, #tpu.memory_space<hbm>>)
      tpu.yield
    }) : () -> ()
    return
  }
}

</mosaic_0001>

<sc_bundles>
// kernel: kernel.3.cloned.1.call-start
scs
__scs_entry_jumppad:
0x0: {  	(pc) =	sbr.rel $0x88, $3  }
0x1: {  	(tag) =	ssettag $0x0;
	lr =	simm.s32 $0x1  }
0x2: {  	[smem:$0x3F9F] =	sst lr;
	_ =	strace $0xD0000000  }
0x3: {  	_ = 	snop  }
0x4: {  	_ = 	snop  }
0x5: {  	_ = 	snop  }
0x6: {  	_ = 	snop  }
0x7: {  	_ = 	snop  }
__scs_overlays_trampoline_lowered:
0x8: {  	[smem:$0x3FAE] =	sst s0  }
0x9: {  	[smem:$0x3FAF] =	sst s1  }
0xa: {  	[smem:$0x3FB0] =	sst s2  }
0xb: {  	[smem:$0x3FB1] =	sst s3  }
0xc: {  	[smem:$0x3FB2] =	sst s4  }
0xd: {  	[smem:$0x3FB3] =	sst s5  }
0xe: {  	[smem:$0x3FB4] =	sst s6  }
0xf: {  	[smem:$0x3FB5] =	sst s7  }
0x10: {  	[smem:$0x3FB6] =	sst s8  }
0x11: {  	[smem:$0x3FB7] =	sst s9;
	s0 =	simm.s32 @!p0 $0x0  }
0x12: {  	s1 =	sld [smem:$0x3F9D];
	s0 =	simm.s32 @p0 $0x1  }
0x13: {  	[smem:$0x3FB8] =	sst s0;
	s0 =	simm.s32 @!p1 $0x0  }
0x14: {  	s2 =	sld [smem:$0x3F9C];
	s0 =	simm.s32 @p1 $0x1  }
0x15: {  	[smem:$0x3FB9] =	sst s0;
	s0 =	simm.s32 @!p2 $0x0  }
0x16: {  	s3 =	sld [smem:$0x3FDB];
	s0 =	simm.s32 @p2 $0x1  }
0x17: {  	s4 =	simm.s32 $0x1BF5;
	[smem:$0x3FBB] =	sst s0  }
0x18: {  	s0 =	sld [smem:$0x3F9E];
	_ =	swait.ge [sflag:s4], $0x0  }
0x19: {  	s7 =	sld [smem:$0x3F9F]  }
0x1a: {  	s8 =	sadd.s32 $0xFFFFE003, lr  }
0x1b: {  	s9 =	sadd.s32 $0xFFFFFEF7, lr;
	s5 =	simm.s32 $0xFFFFFFFF;
	p2 =	slt.u32 s8, $0xFFFFF086  }
0x1c: {  	p1 =	slt.u32 s9, $0xF7A;
	s5 =	simm.s32 @!p2 $0x0  }
0x1d: {  	s5 =	simm.s32 @p1 $0x1;
	p0 =	seq.s32 s7, s2  }
0x1e: {  	s7 =	smul.u32 @!p0 $0xF7A, s2;
	p2 =	seq.s32 @!p0 s5, $0x0  }
0x1f: {  	s9 =	smul.u32 $0xF7A, s1;
	s8 =	simm.s32 @!p0 $0x1BF5;
	p2 =	por !p2, p0  }
0x20: {  	[sflag:s8] =	ssyncset.s32 @!p0 $0xFFFFF086;
	s6 =	sadd.s32 @!p0 s3, s7;
	s7 =	simm.s32 @!p0 $0x108  }
0x21: {  	s3 =	sadd.s32 s3, s9;
	s6 =	sadd.s32 @!p0 $0x88, s6;
	s7 =	simm.s32 @p2 $0x1082  }
0x22: {  	[simem:s7], [sflag:s8] =	dma.local @!p0 [hbm:s6], $0xF7A  }
0x23: {  	s9 =	sor.u32 $0xD0000000, s2;
	s6 =	simm.s32 $0x108;
	_ =	swait.ge @!p0 [sflag:s8], $0x0  }
0x24: {  	s3 =	sadd.s32 $0x88, s3;
	s6 =	simm.s32 @!p1 $0x1082;
	[sflag:s4] =	ssyncset.s32 $0xFFFFF086  }
0x25: {  	[simem:s6], [sflag:s4] =	dma.local [hbm:s3], $0xF7A  }
0x26: {  	[smem:$0x3F9F] =	sst s1;
	(tag) =	ssettag s2;
	_ =	strace s9  }
0x27: {  	s1 =	sld [smem:$0x3FAF]  }
0x28: {  	s2 =	sld [smem:$0x3FB0]  }
0x29: {  	s4 =	sld [smem:$0x3FB2]  }
0x2a: {  	p0 =	seq.s32 s5, $0x0;
	s5 =	sld [smem:$0x3FB3]  }
0x2b: {  	s6 =	sld [smem:$0x3FB4]  }
0x2c: {  	s7 =	sld [smem:$0x3FB5]  }
0x2d: {  	s3 =	simm.s32 $0x108;
	s8 =	sld [smem:$0x3FB6]  }
0x2e: {  	s3 =	simm.s32 @!p0 $0x1082;
	s9 =	sld [smem:$0x3FB7]  }
0x2f: {  	lr =	sadd.s32 s0, s3;
	s0 =	sld [smem:$0x3FAE]  }
0x30: {  	s3 =	sld [smem:$0x3FB1]  }
0x31: {  	[smem:$0x3FBA] =	sst s10  }
0x32: {  	s10 =	sld [smem:$0x3FB8];
	_ =	sdelay $0x3  }
0x33: {  	p0 =	seq.s32 s10, $0x1;
	s10 =	sld [smem:$0x3FBA];
	_ =	sdelay $0x3  }
0x34: {  	[smem:$0x3FBA] =	sst s10  }
0x35: {  	s10 =	sld [smem:$0x3FB9];
	_ =	sdelay $0x3  }
0x36: {  	p1 =	seq.s32 s10, $0x1;
	s10 =	sld [smem:$0x3FBA];
	_ =	sdelay $0x3  }
0x37: {  	[smem:$0x3FBA] =	sst s10  }
0x38: {  	s10 =	sld [smem:$0x3FBB]  }
0x39: {  	_ = 	snop;
	(pc) =	sbr.ind lr, $3  }
0x3a: {  	_ = 	snop  }
0x3b: {  	_ = 	snop  }
0x3c: {  	p2 =	seq.s32 s10, $0x1;
	s10 =	sld [smem:$0x3FBA]  }
0x3d: {  	_ =	shalt  }
0x3e: {  	_ =	shalt  }
0x3f: {  	_ =	shalt  }
0x40: {  	_ =	shalt  }
0x41: {  	_ =	shalt  }
0x42: {  	_ =	shalt  }
0x43: {  	_ =	shalt  }
0x44: {  	_ =	shalt  }
0x45: {  	_ =	shalt  }
0x46: {  	_ =	shalt  }
0x47: {  	_ =	shalt  }
0x48: {  	_ =	shalt  }
0x49: {  	_ =	shalt  }
0x4a: {  	_ =	shalt  }
0x4b: {  	_ =	shalt  }
0x4c: {  	_ =	shalt  }
0x4d: {  	_ =	shalt  }
0x4e: {  	_ =	shalt  }
0x4f: {  	_ =	shalt  }
0x50: {  	_ =	shalt  }
0x51: {  	_ =	shalt  }
0x52: {  	_ =	shalt  }
0x53: {  	_ =	shalt  }
0x54: {  	_ =	shalt  }
0x55: {  	_ =	shalt  }
0x56: {  	_ =	shalt  }
0x57: {  	_ =	shalt  }
0x58: {  	_ =	shalt  }
0x59: {  	_ =	shalt  }
0x5a: {  	_ =	shalt  }
0x5b: {  	_ =	shalt  }
0x5c: {  	_ =	shalt  }
0x5d: {  	_ =	shalt  }
0x5e: {  	_ =	shalt  }
0x5f: {  	_ =	shalt  }
0x60: {  	_ =	shalt  }
0x61: {  	_ =	shalt  }
0x62: {  	_ =	shalt  }
0x63: {  	_ =	shalt  }
0x64: {  	_ =	shalt  }
0x65: {  	_ =	shalt  }
0x66: {  	_ =	shalt  }
0x67: {  	_ =	shalt  }
0x68: {  	_ =	shalt  }
0x69: {  	_ =	shalt  }
0x6a: {  	_ =	shalt  }
0x6b: {  	_ =	shalt  }
0x6c: {  	_ =	shalt  }
0x6d: {  	_ =	shalt  }
0x6e: {  	_ =	shalt  }
0x6f: {  	_ =	shalt  }
0x70: {  	_ =	shalt  }
0x71: {  	_ =	shalt  }
0x72: {  	_ =	shalt  }
0x73: {  	_ =	shalt  }
0x74: {  	_ =	shalt  }
0x75: {  	_ =	shalt  }
0x76: {  	_ =	shalt  }
0x77: {  	_ =	shalt  }
0x78: {  	_ =	shalt  }
0x79: {  	_ =	shalt  }
0x7a: {  	_ =	shalt  }
0x7b: {  	_ =	shalt  }
0x7c: {  	_ =	shalt  }
0x7d: {  	_ =	shalt  }
0x7e: {  	_ =	shalt  }
0x7f: {  	_ =	shalt  }
0x80: {  	_ =	shalt  }
0x81: {  	_ =	shalt  }
0x82: {  	_ =	shalt  }
0x83: {  	_ =	shalt  }
0x84: {  	_ =	shalt  }
0x85: {  	_ =	shalt  }
0x86: {  	_ =	shalt  }
0x87: {  	_ =	shalt  }
.Lfunc_end0:
.L_simem_size_0:
called_computation_lowered:
.L_overlay_start_0:
0x88: {  	s2 =	sld [smem:$0x3FD9]  }
0x89: {  	s3 =	sld [smem:$0x3FFE];
	_ =	sdelay $0x1  }
0x8a: {  	s1 =	srdreg.scid  }
0x8b: {  	s0 =	sand.u32 $0x1, s1  }
0x8c: {  	s17 =	sshll.u32 s0, $0xA;
	s2 =	sadd.s32 s3, s2  }
0x8d: {  	s2 =	sadd.s32 s2, s17  }
0x8e: {  	[smem:$0x3FC6] =	sst s2  }
0x8f: {  	_ = 	snop  }
0x90: {  	s2 =	sld [smem:$0x3FC9]  }
0x91: {  	s18 =	sld [smem:$0x3FC8];
	(tm) =	ssettm $0x1  }
0x92: {  	s4 =	sld [smem:$0x3FFB];
	_ =	sdelay $0x3  }
0x93: {  	_ =	strace s4  }
0x94: {  	s4 =	sld [smem:$0x3FFC];
	_ =	sdelay $0x3  }
0x95: {  	_ =	strace s4  }
0x96: {  	s4 =	sld [smem:$0x3FFD];
	_ =	sdelay $0x3  }
0x97: {  	_ =	strace s4  }
0x98: {  	_ =	strace $0x8FFFFFFF  }
0x99: {  	s19 =	sld [smem:$0x3FDB];
	_ =	sdelay $0x1  }
0x9a: {  	s5 =	simm.s32 $_scs_section_size  }
0x9b: {  	s6 =	simm.s32 $_size__tile_overlayer_lowered;
	s7 =	simm.s32 $_tile_overlayer_lowered  }
0x9c: {  	s22 =	simm.s32 $0x1BFF;
	s21 =	sshll.u32 s7, $0x1;
	s4 =	sadd.s32 s5, s19  }
0x9d: {  	s8 =	simm.s32 $0x0;
	s20 =	sshll.u32 s6, $0x1;
	s6 =	sadd.s32 s21, s4  }
0x9e: {  	[timem:s8], [sflag:s22] =	dma.local [hbm:s6], s20  }
0x9f: {  	_ =	swait.ge [sflag:s22], s20  }
0xa0: {  	s5 =	ssub.s32 $0x0, s20;
	[sflag:s22] =	ssyncset.done $0x0  }
0xa1: {  	[sflag:s22] =	ssyncadd.s32 s5;
	_ =	sdelay $0x1  }
0xa2: {  	s23 =	simm.s32 $0x1B8B  }
0xa3: {  	_ =	swait.ge [sflag:s23], $0x1  }
0xa4: {  	[sflag:s23] =	ssyncset.done $0x0  }
0xa5: {  	s25 =	simm.s32 $0x1B8E;
	s24 =	sld [smem:$0x3FFE];
	[sflag:s23] =	ssyncadd.s32 $0xFFFFFFFF  }
0xa6: {  	s26 =	simm.s32 $execute0_lowered;
	[smem:$0x3FD2] =	sst s25  }
0xa7: {  	s6 =	sshll.u32 s26, $0x1;
	_ =	strace $0x80000046;
	[dreg:$0x1] =	wrdreg $0xFFFFFFFF  }
0xa8: {  	s28 =	simm.s32 $_size_execute0_lowered;
	s4 =	sadd.s32 s4, s6;
	[dreg:$0x0] =	wrdreg $0x0  }
0xa9: {  	s6 =	sshll.u32 s28, $0x1;
	[dreg:$0x2] =	wrdreg s4  }
0xaa: {  	[dreg:$0x3] =	wrdreg s6  }
0xab: {  	[dreg:$0x4] =	wrdreg $0xC0  }
0xac: {  	_ =	task [dreg:s8], $0x5FFFF  }
0xad: {  	[dreg:$0x1] =	wrdreg $0xFFFFFFFF  }
0xae: {  	[dreg:$0x0] =	wrdreg $0x60  }
0xaf: {  	[dreg:$0x2] =	wrdreg s2  }
0xb0: {  	[dreg:$0x3] =	wrdreg s18  }
0xb1: {  	[dreg:$0x4] =	wrdreg s24  }
0xb2: {  	[dreg:$0x5] =	wrdreg $0x9  }
0xb3: {  	_ =	task.clear_ibuf [dreg:s8], $0x6FFFF;
	_ =	strace $0x90000046  }
0xb4: {  	s29 =	simm.s32 $0x9;
	_ =	strace $0x80000048  }
0xb5: {  	_ =	swait.ge [sflag:s29], $0x1  }
0xb6: {  	[sflag:s29] =	ssyncadd.s32 $0xFFFFFFFF  }
0xb7: {  	_ =	strace $0x90000048  }
0xb8: {  	_ =	sfence  }
0xb9: {  	s30 =	sld [smem:$0x0];
	_ =	sdelay $0x2  }
0xba: {  	s31 =	sshll.u32 s1, $0xD;
	s1 =	sshrl.u32 s1, $0x2  }
0xbb: {  	s3 =	sand.u32 $0x4000, s31;
	s1 =	sadd.s32 s1, s30  }
0xbc: {  	s0 =	sor.u32 s3, s0;
	s1 =	sshll.u32 s1, $0x11  }
0xbd: {  	s0 =	sor.u32 s1, s0  }
0xbe: {  	s0 =	sadd.s32 $0x8F2B, s0  }
0xbf: {  	[sflag:s0] =	ssyncadd.remote.s32 $0x1  }
0xc0: {  	_ =	sfence.sel $0xFFFF  }
0xc1: {  	[dreg:$0x0] =	wrdreg $0xFFFFFFFF;
	(pc) =	sbr.abs _section_cstart, $3  }
0xc2: {  	[dreg:$0x1] =	wrdreg $0xFFFFFFFF  }
0xc3: {  	_ =	task.clear_ibuf [dreg:s8], $0x2FFFF;
	_ =	strace $0x9FFFFFFF  }
0xc4: {  	(tm) =	ssettm $0x7FFFFFFF  }
0xc5: {  	_ =	shalt  }
tec
execute0_lowered:
.L_overlay_start_1:
0x0: {  	(tag) =	ssettag $0x1  }
0x1: {  	s0 =	rddreg [dreg:$0x0]  }
0x2: {  	s2 =	rddreg [dreg:$0x1]  }
0x3: {  	s1 =	rddreg [dreg:$0x2];
	s3 =	srdreg.scid  }
0x4: {  	s4 =	stileid.u32;
	s6 =	simm.s32 $0x0;
	s19 =	simm.s32 $0x2  }
0x5: {  	s8 =	simm.s32 $0x400;
	s9 =	simm.s32 $0x7A1400;
	s10 =	simm.s32 $0x200  }
0x6: {  	s21 =	simm.s32 $0x5A00;
	s22 =	simm.s32 $0x6200;
	s28 =	simm.s32 $0x8A00  }
0x7: {  	s29 =	simm.s32 $0x9200;
	s30 =	simm.s32 $0x9A00;
	s31 =	simm.s32 $0xA200  }
0x8: {  	s7 =	simm.s32 $0xDA00;
	s11 =	simm.s32 $0xE200;
	s12 =	simm.s32 $0xEA00  }
0x9: {  	s13 =	simm.s32 $0xF200;
	s14 =	simm.s32 $0xFA00;
	s15 =	simm.s32 $0x1  }
0xa: {  	s16 =	simm.s32 $0x10200;
	s18 =	simm.s32 $0x0;
	s3 =	sand.u32 $0x1, s3  }
0xb: {  	s4 =	sshll.u32 s4, $0xA;
	[smem:$0x7FF] =	sst s6;
	s6 =	simm.s32 $0xD200  }
0xc: {  	v0 =	vlaneseq.u32;
	s5 =	sshll.u32 s3, $0x9;
	s3 =	ssub.s32 $0x2, s3;
	_ =	strace $0x80000047  }
0xd: {  	v1 =	vmul.u32 $0x800, v0;
	s4 =	sor.u32 s5, s4;
	s23 =	sshrl.u32 s3, $0x1;
	s5 =	simm.s32 $0xCA00  }
0xe: {  	s24 =	sshrl.u32 s4, $0x3;
	s1 =	sadd.s32 s4, s1;
	s3 =	ssub.s32 s3, s23  }
.Ltmp0:
0xf: {  	v2 =	vor.u32 $0x80, v1;
	v3 =	vor.u32 $0x100, v1;
	v4 =	vor.u32 $0x180, v1;
	s23 =	simm.s32 $0x6A00;
	s0 =	sadd.s32 s0, s24;
	(pc) =	sbr.rel .LBB2_1-.Ltmp0, $4  }
0x10: {  	v5 =	vor.u32 $0x200, v1;
	v6 =	vor.u32 $0x280, v1;
	v7 =	vor.u32 $0x300, v1;
	s4 =	simm.s32 $0xC200;
	s25 =	sadd.s32 $0x400, s1;
	[dreg:$0x4] =	wrdreg s0  }
0x11: {  	v8 =	vor.u32 $0x380, v1;
	v9 =	vor.u32 $0x400, v1;
	v10 =	vor.u32 $0x480, v1;
	s26 =	smax.u32 s3, $0x1;
	s24 =	simm.s32 $0x7200;
	[dreg:$0x5] =	wrdreg s25  }
0x12: {  	v11 =	vor.u32 $0x500, v1;
	v12 =	vor.u32 $0x580, v1;
	v13 =	vor.u32 $0x600, v1;
	s1 =	simm.s32 $0xB200;
	s3 =	simm.s32 $0xBA00;
	[dreg:$0x6] =	wrdreg s26  }
0x13: {  	v14 =	vor.u32 $0x680, v1;
	v15 =	vor.u32 $0x700, v1;
	v16 =	vor.u32 $0x780, v1;
	s25 =	simm.s32 $0x7A00;
	s26 =	simm.s32 $0x8200;
	s0 =	simm.s32 $0xAA00  }
.LBB2_5:
0x14: {  	s17 =	rddreg [dreg:$0x5];
	s18 =	simm.s32 $0x1000;
	s19 =	simm.s32 $0x20000  }
0x15: {  	[hbm4b:s17+s18] =	stream.strided.scatter [tilespmem:s16], [sflag:$0x2], $0x2000, s19, s18, $0x38;
	[tilespmem:$0x12200] =	vst v63  }
0x16: {  	s19 =	simm.s32 $0x2  }
0x17: {  	_ =	swait.ge [sflag:s19], $0x2000  }
0x18: {  	s17 =	rddreg [dreg:$0x7]  }
0x19: {  	s20 =	rddreg [dreg:$0x6];
	s18 =	sadd.s32 $0x1, s17  }
0x1a: {  	p0 =	sne.s32 s18, s20  }
.Ltmp1:
0x1b: {  	_ = 	snop;
	(pc) =	sbr.rel @!p0 .LBB2_6-.Ltmp1, $3  }
0x1c: {  	_ =	sdelay $0x1  }
0x1d: {  	[sflag:s19] =	ssyncset.done $0x0  }
0x1e: {  	[sflag:s19] =	ssyncadd.s32 $0xFFFFE000  }
.LBB2_1:
0x1f: {  	[dreg:$0x7] =	wrdreg s18  }
0x20: {  	s17 =	simm.s32 $0x0;
	s20 =	rddreg [dreg:$0x4]  }
0x21: {  	[tilespmem:s17], [sflag:$0x2] =	stream.linear.gather [hbm4b:s20+s17], $0x200, $0x38;
	[tilespmem:$0x12200] =	vst v63  }
0x22: {  	_ =	swait.ge [sflag:s19], $0x200  }
0x23: {  	[sflag:s19] =	ssyncset.done $0x0  }
0x24: {  	[sflag:s19] =	ssyncadd.s32 $0xFFFFFE00  }
0x25: {  	v17 =	vld [tilespmem:$0x0];
	_ =	sdelay $0x4  }
0x26: {  	v17 =	vand.u32 $0xFFFFFF80, v17  }
0x27: {  	v17 =	vadd.s32 s2, v17  }
0x28: {  	(v2sf) =	vpush v17, $0x0;
	_ =	sdelay $0x1  }
0x29: {  	(v2sf) =	vpush v17, $0x1;
	_ =	sdelay $0x1  }
0x2a: {  	(v2sf) =	vpush v17, $0x2;
	_ =	sdelay $0x1  }
0x2b: {  	(v2sf) =	vpush v17, $0x3;
	_ =	sdelay $0x1  }
0x2c: {  	(v2sf) =	vpush v17, $0x4;
	_ =	sdelay $0x1  }
0x2d: {  	(v2sf) =	vpush v17, $0x5;
	_ =	sdelay $0x1  }
0x2e: {  	(v2sf) =	vpush v17, $0x6;
	_ =	sdelay $0x1  }
0x2f: {  	(v2sf) =	vpush v17, $0x7  }
0x30: {  	s18 =	spop (v2sf)  }
0x31: {  	(v2sf) =	vpush v17, $0x8;
	[tilespmem:s10], [sflag:$0x1] =	stream.strided.gather [hbm4b:s18+s8], $0x800, s9, s8, $0x38;
	[tilespmem:$0x12200] =	vst v63  }
0x32: {  	s20 =	simm.s32 $0xA00;
	s19 =	spop (v2sf)  }
0x33: {  	(v2sf) =	vpush v17, $0x9;
	[tilespmem:s20], [sflag:$0x1] =	stream.strided.gather [hbm4b:s19+s8], $0x800, s9, s8, $0x38;
	[tilespmem:$0x12200] =	vst v63  }
0x34: {  	s19 =	spop (v2sf);
	s20 =	simm.s32 $0x1200  }
0x35: {  	(v2sf) =	vpush v17, $0xA;
	[tilespmem:s20], [sflag:$0x1] =	stream.strided.gather [hbm4b:s19+s8], $0x800, s9, s8, $0x38;
	[tilespmem:$0x12200] =	vst v63  }
0x36: {  	s19 =	spop (v2sf);
	s20 =	simm.s32 $0x1A00  }
0x37: {  	(v2sf) =	vpush v17, $0xB;
	[tilespmem:s20], [sflag:$0x1] =	stream.strided.gather [hbm4b:s19+s8], $0x800, s9, s8, $0x38;
	[tilespmem:$0x12200] =	vst v63  }
0x38: {  	s19 =	spop (v2sf);
	s20 =	simm.s32 $0x2200  }
0x39: {  	(v2sf) =	vpush v17, $0xC;
	[tilespmem:s20], [sflag:$0x1] =	stream.strided.gather [hbm4b:s19+s8], $0x800, s9, s8, $0x38;
	[tilespmem:$0x12200] =	vst v63  }
0x3a: {  	s19 =	spop (v2sf);
	s20 =	simm.s32 $0x2A00  }
0x3b: {  	(v2sf) =	vpush v17, $0xD;
	[tilespmem:s20], [sflag:$0x1] =	stream.strided.gather [hbm4b:s19+s8], $0x800, s9, s8, $0x38;
	[tilespmem:$0x12200] =	vst v63  }
0x3c: {  	s19 =	spop (v2sf);
	s20 =	simm.s32 $0x3200  }
0x3d: {  	[tilespmem:s20], [sflag:$0x1] =	stream.strided.gather [hbm4b:s19+s8], $0x800, s9, s8, $0x38;
	[tilespmem:$0x12200] =	vst v63  }
0x3e: {  	(v2sf) =	vpush v17, $0xE;
	s19 =	spop (v2sf);
	s20 =	simm.s32 $0x3A00  }
0x3f: {  	[tilespmem:s20], [sflag:$0x1] =	stream.strided.gather [hbm4b:s19+s8], $0x800, s9, s8, $0x38;
	[tilespmem:$0x12200] =	vst v63  }
0x40: {  	(v2sf) =	vpush v17, $0xF;
	s19 =	spop (v2sf);
	s20 =	simm.s32 $0x4200  }
0x41: {  	[tilespmem:s20], [sflag:$0x1] =	stream.strided.gather [hbm4b:s19+s8], $0x800, s9, s8, $0x38;
	[tilespmem:$0x12200] =	vst v63  }
0x42: {  	s19 =	spop (v2sf);
	s20 =	simm.s32 $0x4A00  }
0x43: {  	[tilespmem:s20], [sflag:$0x1] =	stream.strided.gather [hbm4b:s19+s8], $0x800, s9, s8, $0x38;
	[tilespmem:$0x12200] =	vst v63  }
0x44: {  	s19 =	spop (v2sf);
	s20 =	simm.s32 $0x5200  }
0x45: {  	[tilespmem:s20], [sflag:$0x1] =	stream.strided.gather [hbm4b:s19+s8], $0x800, s9, s8, $0x38;
	[tilespmem:$0x12200] =	vst v63  }
0x46: {  	s19 =	spop (v2sf)  }
0x47: {  	[tilespmem:s21], [sflag:$0x1] =	stream.strided.gather [hbm4b:s19+s8], $0x800, s9, s8, $0x38;
	[tilespmem:$0x12200] =	vst v63  }
0x48: {  	s20 =	spop (v2sf)  }
0x49: {  	[tilespmem:s22], [sflag:$0x1] =	stream.strided.gather [hbm4b:s20+s8], $0x800, s9, s8, $0x38;
	[tilespmem:$0x12200] =	vst v63  }
0x4a: {  	s18 =	spop (v2sf)  }
0x4b: {  	[tilespmem:s23], [sflag:$0x1] =	stream.strided.gather [hbm4b:s18+s8], $0x800, s9, s8, $0x38;
	[tilespmem:$0x12200] =	vst v63  }
.Ltmp2:
0x4c: {  	_ = 	snop;
	(pc) =	sbr.rel .LBB2_2-.Ltmp2, $4  }
0x4d: {  	s19 =	spop (v2sf)  }
0x4e: {  	[tilespmem:s24], [sflag:$0x1] =	stream.strided.gather [hbm4b:s19+s8], $0x800, s9, s8, $0x38;
	[tilespmem:$0x12200] =	vst v63  }
0x4f: {  	s17 =	simm.s32 $0x10;
	s18 =	simm.s32 $0x0;
	s20 =	spop (v2sf)  }
0x50: {  	[tilespmem:s25], [sflag:$0x1] =	stream.strided.gather [hbm4b:s20+s8], $0x800, s9, s8, $0x38;
	[tilespmem:$0x12200] =	vst v63  }
.LBB2_4:
0x51: {  	_ =	swait.ge [sflag:s15], $0x800  }
0x52: {  	[sflag:s15] =	ssyncset.done $0x0  }
0x53: {  	[sflag:s15] =	ssyncadd.s32 $0xFFFFF800  }
0x54: {  	_ =	swait.ge [sflag:s15], $0x800  }
0x55: {  	[sflag:s15] =	ssyncset.done $0x0  }
0x56: {  	[sflag:s15] =	ssyncadd.s32 $0xFFFFF800  }
0x57: {  	_ =	swait.ge [sflag:s15], $0x800  }
0x58: {  	[sflag:s15] =	ssyncset.done $0x0  }
0x59: {  	[sflag:s15] =	ssyncadd.s32 $0xFFFFF800  }
0x5a: {  	_ =	swait.ge [sflag:s15], $0x800  }
0x5b: {  	[sflag:s15] =	ssyncset.done $0x0  }
0x5c: {  	[sflag:s15] =	ssyncadd.s32 $0xFFFFF800  }
0x5d: {  	_ =	swait.ge [sflag:s15], $0x800  }
0x5e: {  	[sflag:s15] =	ssyncset.done $0x0  }
0x5f: {  	[sflag:s15] =	ssyncadd.s32 $0xFFFFF800  }
0x60: {  	_ =	swait.ge [sflag:s15], $0x800  }
0x61: {  	[sflag:s15] =	ssyncset.done $0x0  }
0x62: {  	[sflag:s15] =	ssyncadd.s32 $0xFFFFF800  }
0x63: {  	_ =	swait.ge [sflag:s15], $0x800  }
0x64: {  	[sflag:s15] =	ssyncset.done $0x0  }
0x65: {  	[sflag:s15] =	ssyncadd.s32 $0xFFFFF800  }
0x66: {  	_ =	swait.ge [sflag:s15], $0x800  }
0x67: {  	[sflag:s15] =	ssyncset.done $0x0  }
0x68: {  	[sflag:s15] =	ssyncadd.s32 $0xFFFFF800  }
0x69: {  	_ =	swait.ge [sflag:s15], $0x800  }
0x6a: {  	[sflag:s15] =	ssyncset.done $0x0  }
0x6b: {  	[sflag:s15] =	ssyncadd.s32 $0xFFFFF800  }
0x6c: {  	_ =	swait.ge [sflag:s15], $0x800  }
0x6d: {  	[sflag:s15] =	ssyncset.done $0x0  }
0x6e: {  	[sflag:s15] =	ssyncadd.s32 $0xFFFFF800  }
0x6f: {  	_ =	swait.ge [sflag:s15], $0x800  }
0x70: {  	[sflag:s15] =	ssyncset.done $0x0  }
0x71: {  	[sflag:s15] =	ssyncadd.s32 $0xFFFFF800  }
0x72: {  	_ =	swait.ge [sflag:s15], $0x800  }
0x73: {  	[sflag:s15] =	ssyncset.done $0x0  }
0x74: {  	[sflag:s15] =	ssyncadd.s32 $0xFFFFF800  }
0x75: {  	_ =	swait.ge [sflag:s15], $0x800  }
0x76: {  	[sflag:s15] =	ssyncset.done $0x0  }
0x77: {  	[sflag:s15] =	ssyncadd.s32 $0xFFFFF800  }
0x78: {  	_ =	swait.ge [sflag:s15], $0x800  }
0x79: {  	[sflag:s15] =	ssyncset.done $0x0  }
0x7a: {  	[sflag:s15] =	ssyncadd.s32 $0xFFFFF800  }
0x7b: {  	_ =	swait.ge [sflag:s15], $0x800  }
0x7c: {  	[sflag:s15] =	ssyncset.done $0x0  }
0x7d: {  	[sflag:s15] =	ssyncadd.s32 $0xFFFFF800  }
0x7e: {  	_ =	swait.ge [sflag:s15], $0x800  }
0x7f: {  	[sflag:s15] =	ssyncset.done $0x0  }
0x80: {  	[sflag:s15] =	ssyncadd.s32 $0xFFFFF800  }
0x81: {  	v17 =	vld [tilespmem:s17+$0x0];
	_ =	sdelay $0x4  }
0x82: {  	v17 =	vand.u32 $0x7F, v17  }
0x83: {  	v18 =	vor.u32 v1, v17  }
0x84: {  	s19 =	sadd.s32 $0x10, s18  }
0x85: {  	v19 =	vmov s19  }
0x86: {  	v20 =	vor.u32 s19, v0;
	v19 =	vshll.u32 v19, $0x3  }
0x87: {  	v20 =	vand.u32 $0x7F, v20;
	v21 =	vand.u32 $0xC00, v19  }
0x88: {  	v21 =	vor.u32 v20, v21;
	v18 =	vld.idx.msk [tilespmem:v18+s26+$0x0], $0xffff  }
0x89: {  	v22 =	vor.u32 v2, v17;
	_ =	sdelay $0x3  }
0x8a: {  	[tilespmem:v21+s16+$0x0] =	vst.idx.msk $0xffff, v18  }
0x8b: {  	v46 =	vor.u32 $0x80, v21;
	v18 =	vld.idx.msk [tilespmem:v22+s26+$0x0], $0xffff  }
0x8c: {  	v23 =	vor.u32 v3, v17;
	_ =	sdelay $0x3  }
0x8d: {  	[tilespmem:v46+s16+$0x0] =	vst.idx.msk $0xffff, v18  }
0x8e: {  	v47 =	vor.u32 $0x100, v21;
	v18 =	vld.idx.msk [tilespmem:v23+s26+$0x0], $0xffff  }
0x8f: {  	v48 =	vor.u32 v4, v17;
	_ =	sdelay $0x3  }
0x90: {  	[tilespmem:v47+s16+$0x0] =	vst.idx.msk $0xffff, v18  }
0x91: {  	v49 =	vor.u32 $0x180, v21;
	v18 =	vld.idx.msk [tilespmem:v48+s26+$0x0], $0xffff  }
0x92: {  	v50 =	vor.u32 v5, v17;
	_ =	sdelay $0x3  }
0x93: {  	[tilespmem:v49+s16+$0x0] =	vst.idx.msk $0xffff, v18  }
0x94: {  	v51 =	vor.u32 $0x200, v21;
	v18 =	vld.idx.msk [tilespmem:v50+s26+$0x0], $0xffff  }
0x95: {  	v52 =	vor.u32 v6, v17;
	_ =	sdelay $0x3  }
0x96: {  	[tilespmem:v51+s16+$0x0] =	vst.idx.msk $0xffff, v18  }
0x97: {  	v53 =	vor.u32 $0x280, v21;
	v18 =	vld.idx.msk [tilespmem:v52+s26+$0x0], $0xffff  }
0x98: {  	v54 =	vor.u32 v7, v17;
	_ =	sdelay $0x3  }
0x99: {  	[tilespmem:v53+s16+$0x0] =	vst.idx.msk $0xffff, v18  }
0x9a: {  	v55 =	vor.u32 $0x300, v21;
	v18 =	vld.idx.msk [tilespmem:v54+s26+$0x0], $0xffff  }
0x9b: {  	v56 =	vor.u32 v8, v17;
	_ =	sdelay $0x3  }
0x9c: {  	[tilespmem:v55+s16+$0x0] =	vst.idx.msk $0xffff, v18;
	v18 =	vor.u32 v20, v19  }
0x9d: {  	v19 =	vld.idx.msk [tilespmem:v56+s26+$0x0], $0xffff;
	v18 =	vor.u32 $0x380, v18  }
0x9e: {  	v57 =	vor.u32 v9, v17;
	_ =	sdelay $0x3  }
0x9f: {  	[tilespmem:v18+s16+$0x0] =	vst.idx.msk $0xffff, v19  }
0xa0: {  	v19 =	vor.u32 $0x1000, v21;
	v18 =	vld.idx.msk [tilespmem:v57+s26+$0x0], $0xffff  }
0xa1: {  	v58 =	vor.u32 v10, v17;
	_ =	sdelay $0x3  }
0xa2: {  	[tilespmem:v19+s16+$0x0] =	vst.idx.msk $0xffff, v18  }
0xa3: {  	v19 =	vor.u32 $0x1080, v21;
	v18 =	vld.idx.msk [tilespmem:v58+s26+$0x0], $0xffff  }
0xa4: {  	v59 =	vor.u32 v11, v17;
	_ =	sdelay $0x3  }
0xa5: {  	[tilespmem:v19+s16+$0x0] =	vst.idx.msk $0xffff, v18  }
0xa6: {  	v19 =	vor.u32 $0x1100, v21;
	v18 =	vld.idx.msk [tilespmem:v59+s26+$0x0], $0xffff  }
0xa7: {  	v60 =	vor.u32 v12, v17;
	_ =	sdelay $0x3  }
0xa8: {  	[tilespmem:v19+s16+$0x0] =	vst.idx.msk $0xffff, v18  }
0xa9: {  	v19 =	vor.u32 $0x1180, v21;
	v18 =	vld.idx.msk [tilespmem:v60+s26+$0x0], $0xffff  }
0xaa: {  	v61 =	vor.u32 v13, v17;
	_ =	sdelay $0x3  }
0xab: {  	[tilespmem:v19+s16+$0x0] =	vst.idx.msk $0xffff, v18  }
0xac: {  	v19 =	vor.u32 $0x1200, v21;
	v18 =	vld.idx.msk [tilespmem:v61+s26+$0x0], $0xffff  }
0xad: {  	v62 =	vor.u32 v14, v17;
	_ =	sdelay $0x3  }
0xae: {  	[tilespmem:v19+s16+$0x0] =	vst.idx.msk $0xffff, v18  }
0xaf: {  	v19 =	vor.u32 $0x1280, v21;
	v18 =	vld.idx.msk [tilespmem:v62+s26+$0x0], $0xffff  }
0xb0: {  	v63 =	vor.u32 v15, v17;
	_ =	sdelay $0x3  }
0xb1: {  	[tilespmem:v19+s16+$0x0] =	vst.idx.msk $0xffff, v18  }
0xb2: {  	v19 =	vor.u32 $0x1300, v21;
	v18 =	vld.idx.msk [tilespmem:v63+s26+$0x0], $0xffff  }
0xb3: {  	v17 =	vor.u32 v16, v17;
	_ =	sdelay $0x3  }
0xb4: {  	s18 =	sadd.s32 $0x20, s18;
	[tilespmem:v19+s16+$0x0] =	vst.idx.msk $0xffff, v18  }
0xb5: {  	p0 =	sne.s32 s18, $0x200;
	v18 =	vor.u32 $0x1380, v21;
	v17 =	vld.idx.msk [tilespmem:v17+s26+$0x0], $0xffff  }
.Ltmp3:
0xb6: {  	_ = 	snop;
	(pc) =	sbr.rel @!p0 .LBB2_5-.Ltmp3, $2  }
0xb7: {  	_ =	sdelay $0x2  }
0xb8: {  	s17 =	sadd.s32 $0x20, s17;
	[tilespmem:v18+s16+$0x0] =	vst.idx.msk $0xffff, v17  }
.LBB2_2:
0xb9: {  	v17 =	vld [tilespmem:s17+$0x0];
	_ =	sdelay $0x4  }
0xba: {  	v17 =	vand.u32 $0xFFFFFF80, v17  }
0xbb: {  	v17 =	vadd.s32 s2, v17  }
0xbc: {  	(v2sf) =	vpush v17, $0x0;
	_ =	sdelay $0x1  }
0xbd: {  	(v2sf) =	vpush v17, $0x1;
	_ =	sdelay $0x1  }
0xbe: {  	(v2sf) =	vpush v17, $0x2;
	_ =	sdelay $0x1  }
0xbf: {  	(v2sf) =	vpush v17, $0x3;
	_ =	sdelay $0x1  }
0xc0: {  	(v2sf) =	vpush v17, $0x4;
	_ =	sdelay $0x1  }
0xc1: {  	(v2sf) =	vpush v17, $0x5;
	_ =	sdelay $0x1  }
0xc2: {  	(v2sf) =	vpush v17, $0x6;
	_ =	sdelay $0x1  }
0xc3: {  	(v2sf) =	vpush v17, $0x7  }
0xc4: {  	s19 =	spop (v2sf)  }
0xc5: {  	(v2sf) =	vpush v17, $0x8;
	[tilespmem:s26], [sflag:$0x1] =	stream.strided.gather [hbm4b:s19+s8], $0x800, s9, s8, $0x38;
	[tilespmem:$0x12200] =	vst v63  }
0xc6: {  	s20 =	spop (v2sf)  }
0xc7: {  	(v2sf) =	vpush v17, $0x9;
	[tilespmem:s28], [sflag:$0x1] =	stream.strided.gather [hbm4b:s20+s8], $0x800, s9, s8, $0x38;
	[tilespmem:$0x12200] =	vst v63  }
0xc8: {  	s20 =	spop (v2sf)  }
0xc9: {  	(v2sf) =	vpush v17, $0xA;
	[tilespmem:s29], [sflag:$0x1] =	stream.strided.gather [hbm4b:s20+s8], $0x800, s9, s8, $0x38;
	[tilespmem:$0x12200] =	vst v63  }
0xca: {  	s20 =	spop (v2sf)  }
0xcb: {  	(v2sf) =	vpush v17, $0xB;
	[tilespmem:s30], [sflag:$0x1] =	stream.strided.gather [hbm4b:s20+s8], $0x800, s9, s8, $0x38;
	[tilespmem:$0x12200] =	vst v63  }
0xcc: {  	s20 =	spop (v2sf)  }
0xcd: {  	(v2sf) =	vpush v17, $0xC;
	[tilespmem:s31], [sflag:$0x1] =	stream.strided.gather [hbm4b:s20+s8], $0x800, s9, s8, $0x38;
	[tilespmem:$0x12200] =	vst v63  }
0xce: {  	s20 =	spop (v2sf)  }
0xcf: {  	(v2sf) =	vpush v17, $0xD;
	[tilespmem:s0], [sflag:$0x1] =	stream.strided.gather [hbm4b:s20+s8], $0x800, s9, s8, $0x38;
	[tilespmem:$0x12200] =	vst v63  }
0xd0: {  	s20 =	spop (v2sf)  }
0xd1: {  	(v2sf) =	vpush v17, $0xE;
	[tilespmem:s1], [sflag:$0x1] =	stream.strided.gather [hbm4b:s20+s8], $0x800, s9, s8, $0x38;
	[tilespmem:$0x12200] =	vst v63  }
0xd2: {  	s20 =	spop (v2sf)  }
0xd3: {  	(v2sf) =	vpush v17, $0xF;
	[tilespmem:s3], [sflag:$0x1] =	stream.strided.gather [hbm4b:s20+s8], $0x800, s9, s8, $0x38;
	[tilespmem:$0x12200] =	vst v63  }
0xd4: {  	s20 =	spop (v2sf)  }
0xd5: {  	[tilespmem:s4], [sflag:$0x1] =	stream.strided.gather [hbm4b:s20+s8], $0x800, s9, s8, $0x38;
	[tilespmem:$0x12200] =	vst v63  }
0xd6: {  	s20 =	spop (v2sf)  }
0xd7: {  	[tilespmem:s5], [sflag:$0x1] =	stream.strided.gather [hbm4b:s20+s8], $0x800, s9, s8, $0x38;
	[tilespmem:$0x12200] =	vst v63  }
0xd8: {  	s20 =	spop (v2sf)  }
0xd9: {  	[tilespmem:s6], [sflag:$0x1] =	stream.strided.gather [hbm4b:s20+s8], $0x800, s9, s8, $0x38;
	[tilespmem:$0x12200] =	vst v63  }
0xda: {  	s20 =	spop (v2sf)  }
0xdb: {  	[tilespmem:s7], [sflag:$0x1] =	stream.strided.gather [hbm4b:s20+s8], $0x800, s9, s8, $0x38;
	[tilespmem:$0x12200] =	vst v63  }
0xdc: {  	s20 =	spop (v2sf)  }
0xdd: {  	[tilespmem:s11], [sflag:$0x1] =	stream.strided.gather [hbm4b:s20+s8], $0x800, s9, s8, $0x38;
	[tilespmem:$0x12200] =	vst v63  }
0xde: {  	s20 =	spop (v2sf)  }
0xdf: {  	[tilespmem:s12], [sflag:$0x1] =	stream.strided.gather [hbm4b:s20+s8], $0x800, s9, s8, $0x38;
	[tilespmem:$0x12200] =	vst v63  }
0xe0: {  	s20 =	spop (v2sf)  }
0xe1: {  	[tilespmem:s13], [sflag:$0x1] =	stream.strided.gather [hbm4b:s20+s8], $0x800, s9, s8, $0x38;
	[tilespmem:$0x12200] =	vst v63  }
0xe2: {  	s20 =	spop (v2sf)  }
0xe3: {  	[tilespmem:s14], [sflag:$0x1] =	stream.strided.gather [hbm4b:s20+s8], $0x800, s9, s8, $0x38;
	[tilespmem:$0x12200] =	vst v63  }
0xe4: {  	_ =	swait.ge [sflag:s15], $0x800  }
0xe5: {  	[sflag:s15] =	ssyncset.done $0x0  }
0xe6: {  	[sflag:s15] =	ssyncadd.s32 $0xFFFFF800  }
0xe7: {  	_ =	swait.ge [sflag:s15], $0x800  }
0xe8: {  	[sflag:s15] =	ssyncset.done $0x0  }
0xe9: {  	[sflag:s15] =	ssyncadd.s32 $0xFFFFF800  }
0xea: {  	_ =	swait.ge [sflag:s15], $0x800  }
0xeb: {  	[sflag:s15] =	ssyncset.done $0x0  }
0xec: {  	[sflag:s15] =	ssyncadd.s32 $0xFFFFF800  }
0xed: {  	_ =	swait.ge [sflag:s15], $0x800  }
0xee: {  	[sflag:s15] =	ssyncset.done $0x0  }
0xef: {  	[sflag:s15] =	ssyncadd.s32 $0xFFFFF800  }
0xf0: {  	_ =	swait.ge [sflag:s15], $0x800  }
0xf1: {  	[sflag:s15] =	ssyncset.done $0x0  }
0xf2: {  	[sflag:s15] =	ssyncadd.s32 $0xFFFFF800  }
0xf3: {  	_ =	swait.ge [sflag:s15], $0x800  }
0xf4: {  	[sflag:s15] =	ssyncset.done $0x0  }
0xf5: {  	[sflag:s15] =	ssyncadd.s32 $0xFFFFF800  }
0xf6: {  	_ =	swait.ge [sflag:s15], $0x800  }
0xf7: {  	[sflag:s15] =	ssyncset.done $0x0  }
0xf8: {  	[sflag:s15] =	ssyncadd.s32 $0xFFFFF800  }
0xf9: {  	_ =	swait.ge [sflag:s15], $0x800  }
0xfa: {  	[sflag:s15] =	ssyncset.done $0x0  }
0xfb: {  	[sflag:s15] =	ssyncadd.s32 $0xFFFFF800  }
0xfc: {  	_ =	swait.ge [sflag:s15], $0x800  }
0xfd: {  	[sflag:s15] =	ssyncset.done $0x0  }
0xfe: {  	[sflag:s15] =	ssyncadd.s32 $0xFFFFF800  }
0xff: {  	_ =	swait.ge [sflag:s15], $0x800  }
0x100: {  	[sflag:s15] =	ssyncset.done $0x0  }
0x101: {  	[sflag:s15] =	ssyncadd.s32 $0xFFFFF800  }
0x102: {  	_ =	swait.ge [sflag:s15], $0x800  }
0x103: {  	[sflag:s15] =	ssyncset.done $0x0  }
0x104: {  	[sflag:s15] =	ssyncadd.s32 $0xFFFFF800  }
0x105: {  	_ =	swait.ge [sflag:s15], $0x800  }
0x106: {  	[sflag:s15] =	ssyncset.done $0x0  }
0x107: {  	[sflag:s15] =	ssyncadd.s32 $0xFFFFF800  }
0x108: {  	_ =	swait.ge [sflag:s15], $0x800  }
0x109: {  	[sflag:s15] =	ssyncset.done $0x0  }
0x10a: {  	[sflag:s15] =	ssyncadd.s32 $0xFFFFF800  }
0x10b: {  	_ =	swait.ge [sflag:s15], $0x800  }
0x10c: {  	[sflag:s15] =	ssyncset.done $0x0  }
0x10d: {  	[sflag:s15] =	ssyncadd.s32 $0xFFFFF800  }
0x10e: {  	_ =	swait.ge [sflag:s15], $0x800  }
0x10f: {  	[sflag:s15] =	ssyncset.done $0x0  }
0x110: {  	[sflag:s15] =	ssyncadd.s32 $0xFFFFF800  }
0x111: {  	_ =	swait.ge [sflag:s15], $0x800  }
0x112: {  	[sflag:s15] =	ssyncset.done $0x0  }
0x113: {  	[sflag:s15] =	ssyncadd.s32 $0xFFFFF800  }
0x114: {  	v17 =	vld [tilespmem:s17+$0xFFFFFFF0];
	_ =	sdelay $0x4  }
0x115: {  	v17 =	vand.u32 $0x7F, v17  }
0x116: {  	v18 =	vor.u32 v1, v17;
	_ =	sdelay $0x1  }
0x117: {  	v19 =	vmov s18  }
0x118: {  	v20 =	vor.u32 s18, v0;
	v19 =	vshll.u32 v19, $0x3  }
0x119: {  	v20 =	vand.u32 $0x6F, v20;
	v21 =	vand.u32 $0xC00, v19  }
0x11a: {  	v21 =	vor.u32 v20, v21;
	v18 =	vld.idx.msk [tilespmem:v18+s10+$0x0], $0xffff  }
0x11b: {  	v22 =	vor.u32 v2, v17;
	_ =	sdelay $0x3  }
0x11c: {  	[tilespmem:v21+s16+$0x0] =	vst.idx.msk $0xffff, v18  }
0x11d: {  	v39 =	vor.u32 $0x80, v21;
	v18 =	vld.idx.msk [tilespmem:v22+s10+$0x0], $0xffff  }
0x11e: {  	v23 =	vor.u32 v3, v17;
	_ =	sdelay $0x3  }
0x11f: {  	[tilespmem:v39+s16+$0x0] =	vst.idx.msk $0xffff, v18  }
0x120: {  	v40 =	vor.u32 $0x100, v21;
	v18 =	vld.idx.msk [tilespmem:v23+s10+$0x0], $0xffff  }
0x121: {  	v41 =	vor.u32 v4, v17;
	_ =	sdelay $0x3  }
0x122: {  	[tilespmem:v40+s16+$0x0] =	vst.idx.msk $0xffff, v18  }
0x123: {  	v42 =	vor.u32 $0x180, v21;
	v18 =	vld.idx.msk [tilespmem:v41+s10+$0x0], $0xffff  }
0x124: {  	v43 =	vor.u32 v5, v17;
	_ =	sdelay $0x3  }
0x125: {  	[tilespmem:v42+s16+$0x0] =	vst.idx.msk $0xffff, v18  }
0x126: {  	v44 =	vor.u32 $0x200, v21;
	v18 =	vld.idx.msk [tilespmem:v43+s10+$0x0], $0xffff  }
0x127: {  	v45 =	vor.u32 v6, v17;
	_ =	sdelay $0x3  }
0x128: {  	[tilespmem:v44+s16+$0x0] =	vst.idx.msk $0xffff, v18  }
0x129: {  	v46 =	vor.u32 $0x280, v21;
	v18 =	vld.idx.msk [tilespmem:v45+s10+$0x0], $0xffff  }
0x12a: {  	v47 =	vor.u32 v7, v17;
	_ =	sdelay $0x3  }
0x12b: {  	[tilespmem:v46+s16+$0x0] =	vst.idx.msk $0xffff, v18;
	v18 =	vor.u32 v19, v20  }
0x12c: {  	v19 =	vld.idx.msk [tilespmem:v47+s10+$0x0], $0xffff;
	v20 =	vor.u32 $0x300, v18  }
0x12d: {  	v48 =	vor.u32 v8, v17;
	_ =	sdelay $0x3  }
0x12e: {  	[tilespmem:v20+s16+$0x0] =	vst.idx.msk $0xffff, v19  }
0x12f: {  	v49 =	vor.u32 $0x380, v18;
	v19 =	vld.idx.msk [tilespmem:v48+s10+$0x0], $0xffff  }
0x130: {  	v50 =	vor.u32 v9, v17;
	_ =	sdelay $0x3  }
0x131: {  	[tilespmem:v49+s16+$0x0] =	vst.idx.msk $0xffff, v19  }
0x132: {  	v51 =	vor.u32 $0x1000, v21;
	v19 =	vld.idx.msk [tilespmem:v50+s10+$0x0], $0xffff  }
0x133: {  	v52 =	vor.u32 v10, v17;
	_ =	sdelay $0x3  }
0x134: {  	[tilespmem:v51+s16+$0x0] =	vst.idx.msk $0xffff, v19  }
0x135: {  	v53 =	vor.u32 $0x1080, v21;
	v19 =	vld.idx.msk [tilespmem:v52+s10+$0x0], $0xffff  }
0x136: {  	v54 =	vor.u32 v11, v17;
	_ =	sdelay $0x3  }
0x137: {  	[tilespmem:v53+s16+$0x0] =	vst.idx.msk $0xffff, v19  }
0x138: {  	v55 =	vor.u32 $0x1100, v21;
	v19 =	vld.idx.msk [tilespmem:v54+s10+$0x0], $0xffff  }
0x139: {  	v56 =	vor.u32 v12, v17;
	_ =	sdelay $0x3  }
0x13a: {  	[tilespmem:v55+s16+$0x0] =	vst.idx.msk $0xffff, v19  }
0x13b: {  	v57 =	vor.u32 $0x1180, v21;
	v19 =	vld.idx.msk [tilespmem:v56+s10+$0x0], $0xffff  }
0x13c: {  	v58 =	vor.u32 v13, v17;
	_ =	sdelay $0x3  }
0x13d: {  	[tilespmem:v57+s16+$0x0] =	vst.idx.msk $0xffff, v19  }
0x13e: {  	v59 =	vor.u32 $0x1200, v21;
	v19 =	vld.idx.msk [tilespmem:v58+s10+$0x0], $0xffff  }
0x13f: {  	v60 =	vor.u32 v14, v17;
	_ =	sdelay $0x3  }
0x140: {  	[tilespmem:v59+s16+$0x0] =	vst.idx.msk $0xffff, v19  }
0x141: {  	v61 =	vor.u32 $0x1280, v21;
	v19 =	vld.idx.msk [tilespmem:v60+s10+$0x0], $0xffff  }
0x142: {  	v62 =	vor.u32 v15, v17;
	_ =	sdelay $0x3  }
0x143: {  	[tilespmem:v61+s16+$0x0] =	vst.idx.msk $0xffff, v19  }
0x144: {  	v63 =	vor.u32 $0x1300, v18;
	v19 =	vld.idx.msk [tilespmem:v62+s10+$0x0], $0xffff  }
0x145: {  	v17 =	vor.u32 v16, v17;
	_ =	sdelay $0x3  }
0x146: {  	[tilespmem:v63+s16+$0x0] =	vst.idx.msk $0xffff, v19  }
0x147: {  	p0 =	seq.s32 s18, $0x1E0;
	v18 =	vor.u32 $0x1380, v18;
	v17 =	vld.idx.msk [tilespmem:v17+s10+$0x0], $0xffff  }
.Ltmp4:
0x148: {  	_ = 	snop;
	(pc) =	sbr.rel @p0 .LBB2_4-.Ltmp4, $2  }
0x149: {  	_ =	sdelay $0x2  }
0x14a: {  	[tilespmem:v18+s16+$0x0] =	vst.idx.msk $0xffff, v17  }
0x14b: {  	v17 =	vld [tilespmem:s17+$0x10];
	_ =	sdelay $0x4  }
0x14c: {  	v17 =	vand.u32 $0xFFFFFF80, v17  }
0x14d: {  	v17 =	vadd.s32 s2, v17  }
0x14e: {  	(v2sf) =	vpush v17, $0x0;
	_ =	sdelay $0x1  }
0x14f: {  	(v2sf) =	vpush v17, $0x1;
	_ =	sdelay $0x1  }
0x150: {  	(v2sf) =	vpush v17, $0x2;
	_ =	sdelay $0x1  }
0x151: {  	(v2sf) =	vpush v17, $0x3;
	_ =	sdelay $0x1  }
0x152: {  	(v2sf) =	vpush v17, $0x4;
	_ =	sdelay $0x1  }
0x153: {  	(v2sf) =	vpush v17, $0x5;
	_ =	sdelay $0x1  }
0x154: {  	(v2sf) =	vpush v17, $0x6;
	_ =	sdelay $0x1  }
0x155: {  	(v2sf) =	vpush v17, $0x7  }
0x156: {  	s19 =	spop (v2sf)  }
0x157: {  	(v2sf) =	vpush v17, $0x8;
	[tilespmem:s10], [sflag:$0x1] =	stream.strided.gather [hbm4b:s19+s8], $0x800, s9, s8, $0x38;
	[tilespmem:$0x12200] =	vst v63  }
0x158: {  	s20 =	simm.s32 $0xA00;
	s19 =	spop (v2sf)  }
0x159: {  	(v2sf) =	vpush v17, $0x9;
	[tilespmem:s20], [sflag:$0x1] =	stream.strided.gather [hbm4b:s19+s8], $0x800, s9, s8, $0x38;
	[tilespmem:$0x12200] =	vst v63  }
0x15a: {  	s19 =	spop (v2sf);
	s20 =	simm.s32 $0x1200  }
0x15b: {  	(v2sf) =	vpush v17, $0xA;
	[tilespmem:s20], [sflag:$0x1] =	stream.strided.gather [hbm4b:s19+s8], $0x800, s9, s8, $0x38;
	[tilespmem:$0x12200] =	vst v63  }
0x15c: {  	s19 =	spop (v2sf);
	s20 =	simm.s32 $0x1A00  }
0x15d: {  	(v2sf) =	vpush v17, $0xB;
	[tilespmem:s20], [sflag:$0x1] =	stream.strided.gather [hbm4b:s19+s8], $0x800, s9, s8, $0x38;
	[tilespmem:$0x12200] =	vst v63  }
0x15e: {  	s19 =	spop (v2sf);
	s20 =	simm.s32 $0x2200  }
0x15f: {  	(v2sf) =	vpush v17, $0xC;
	[tilespmem:s20], [sflag:$0x1] =	stream.strided.gather [hbm4b:s19+s8], $0x800, s9, s8, $0x38;
	[tilespmem:$0x12200] =	vst v63  }
0x160: {  	s19 =	spop (v2sf);
	s20 =	simm.s32 $0x2A00  }
0x161: {  	(v2sf) =	vpush v17, $0xD;
	[tilespmem:s20], [sflag:$0x1] =	stream.strided.gather [hbm4b:s19+s8], $0x800, s9, s8, $0x38;
	[tilespmem:$0x12200] =	vst v63  }
0x162: {  	s19 =	spop (v2sf);
	s20 =	simm.s32 $0x3200  }
0x163: {  	[tilespmem:s20], [sflag:$0x1] =	stream.strided.gather [hbm4b:s19+s8], $0x800, s9, s8, $0x38;
	[tilespmem:$0x12200] =	vst v63  }
0x164: {  	(v2sf) =	vpush v17, $0xE;
	s19 =	spop (v2sf);
	s20 =	simm.s32 $0x3A00  }
0x165: {  	[tilespmem:s20], [sflag:$0x1] =	stream.strided.gather [hbm4b:s19+s8], $0x800, s9, s8, $0x38;
	[tilespmem:$0x12200] =	vst v63  }
0x166: {  	(v2sf) =	vpush v17, $0xF;
	s19 =	spop (v2sf);
	s20 =	simm.s32 $0x4200  }
0x167: {  	[tilespmem:s20], [sflag:$0x1] =	stream.strided.gather [hbm4b:s19+s8], $0x800, s9, s8, $0x38;
	[tilespmem:$0x12200] =	vst v63  }
0x168: {  	s19 =	spop (v2sf);
	s20 =	simm.s32 $0x4A00  }
0x169: {  	[tilespmem:s20], [sflag:$0x1] =	stream.strided.gather [hbm4b:s19+s8], $0x800, s9, s8, $0x38;
	[tilespmem:$0x12200] =	vst v63  }
0x16a: {  	s19 =	spop (v2sf);
	s20 =	simm.s32 $0x5200  }
0x16b: {  	[tilespmem:s20], [sflag:$0x1] =	stream.strided.gather [hbm4b:s19+s8], $0x800, s9, s8, $0x38;
	[tilespmem:$0x12200] =	vst v63  }
0x16c: {  	s20 =	spop (v2sf)  }
0x16d: {  	[tilespmem:s21], [sflag:$0x1] =	stream.strided.gather [hbm4b:s20+s8], $0x800, s9, s8, $0x38;
	[tilespmem:$0x12200] =	vst v63  }
0x16e: {  	s20 =	spop (v2sf)  }
0x16f: {  	[tilespmem:s22], [sflag:$0x1] =	stream.strided.gather [hbm4b:s20+s8], $0x800, s9, s8, $0x38;
	[tilespmem:$0x12200] =	vst v63  }
0x170: {  	s20 =	spop (v2sf)  }
0x171: {  	[tilespmem:s23], [sflag:$0x1] =	stream.strided.gather [hbm4b:s20+s8], $0x800, s9, s8, $0x38;
	[tilespmem:$0x12200] =	vst v63  }
.Ltmp5:
0x172: {  	_ = 	snop;
	(pc) =	sbr.rel .LBB2_4-.Ltmp5, $4  }
0x173: {  	s20 =	spop (v2sf)  }
0x174: {  	[tilespmem:s24], [sflag:$0x1] =	stream.strided.gather [hbm4b:s20+s8], $0x800, s9, s8, $0x38;
	[tilespmem:$0x12200] =	vst v63  }
0x175: {  	s20 =	spop (v2sf)  }
0x176: {  	[tilespmem:s25], [sflag:$0x1] =	stream.strided.gather [hbm4b:s20+s8], $0x800, s9, s8, $0x38;
	[tilespmem:$0x12200] =	vst v63  }
.LBB2_6:
0x177: {  	_ =	sfence.sel $0x180000  }
0x178: {  	[bflag:$0x0] =	sbarrier.arrive $0xFFFF  }
0x179: {  	_ =	strace $0x90000047  }
0x17a: {  	s0 =	stileid.u32;
	[bflag:$0x2] =	sbarrier.arrive $0xFFFF  }
0x17b: {  	p0 =	sne.s32 s0, $0x0;
	s0 =	rddreg [dreg:$0x3]  }
0x17c: {  	s0 =	sadd.s32 @!p0 $0x100000, s0  }
0x17d: {  	[sflag:s0] =	ssyncadd.tile.s32 @!p0 $0x1;
	_ =	shalt  }
.Lfunc_end2:
_tile_overlayer_lowered:
.L_overlay_start_2:
0x17e: {  	(tag) =	ssettag $0x2  }
0x17f: {  	s0 =	rddreg [dreg:$0x0];
	s2 =	stileid.u32  }
0x180: {  	s1 =	rddreg [dreg:$0x1];
	p0 =	sne.s32 s2, $0x0  }
0x181: {  	s3 =	rddreg [dreg:$0x2];
	[bflag:$0x3] =	sbarrier.arrive $0xFFFF;
	s2 =	simm.s32 @!p0 $0x1C02  }
0x182: {  	[timem:s3], [sflag:s2] =	dma.local @!p0 [hbm:s0], s1  }
0x183: {  	s0 =	simm.s32 @!p0 $0x2  }
0x184: {  	_ =	swait.ge @!p0 [sflag:s0], s1  }
0x185: {  	s1 =	ssub.s32 @!p0 $0x0, s1;
	[sflag:s0] =	ssyncset.done @!p0 $0x0  }
0x186: {  	[sflag:s0] =	ssyncadd.s32 @!p0 s1  }
0x187: {  	[bflag:$0x3] =	sbarrier.arrive $0xFFFF  }
0x188: {  	_ =	shalt  }

</sc_bundles>
